<compile_context>
chip_gen: v7x
topology: tpu7x:2x2x1
jax: 0.10.2.dev20260603
libtpu: 0.0.44.dev20260713+nightly
codegen_flags: <defaults>
</compile_context>

<pallas_src>
import functools

import jax
import jax.numpy as jnp
from jax import lax
from jax.experimental import pallas as pl
from jax.experimental.pallas import tpu as pltpu
from jax.experimental.pallas import tpu_sc as plsc

N_ROWS = 10000
D = 128
NC, NS, L = 2, 16, 16
NW = NC * NS
CHUNK = 64
NCH0, NCH1 = 44, 272
ROWS_PAD = 10240
RPT = ROWS_PAD // NS
EPS = 1e-6


def _mesh():
    return plsc.VectorSubcoreMesh(
        core_axis_name="c", subcore_axis_name="s", num_cores=NC, num_subcores=NS
    )


def _linear_body(x_ref, w_ref, b_ref, o_ref):
    val = lax.dot_general(
        x_ref[...], w_ref[...], (((1,), (1,)), ((), ())),
        preferred_element_type=jnp.float32,
    ) + b_ref[...]
    pid = pl.program_id(0)
    o_ref[...] = jnp.where(pid < N_ROWS // 80, val, 0.0)


def _linear(x, W, b):
    grid = ROWS_PAD // 80
    return pl.pallas_call(
        _linear_body,
        grid=(grid,),
        in_specs=[
            pl.BlockSpec((80, D), lambda i: (jnp.minimum(i, N_ROWS // 80 - 1), 0)),
            pl.BlockSpec((D, D), lambda i: (0, 0)),
            pl.BlockSpec((1, D), lambda i: (0, 0)),
        ],
        out_specs=pl.BlockSpec((80, D), lambda i: (i, 0)),
        out_shape=jax.ShapeDtypeStruct((ROWS_PAD, D), jnp.float32),
    )(x, W, b.reshape(1, D))


def _agg_body(do_hist, src, idx_hbm, zrow, z1, *refs):
    if do_hist:
        out_acc, out_hb, out_hd, acc, hb, hd = refs[:6]
        rest = refs[6:]
    else:
        out_acc, acc = refs[:2]
        rest = refs[2:]
    ix = rest[0:4]
    rr = rest[4:8]
    rest = rest[8:]
    if do_hist:
        ones_v = rest[0]
        rest = rest[1:]
    si = rest[0:4]
    sg = rest[4:8]
    ss = rest[8:12]

    cid = lax.axis_index("c")
    sid = lax.axis_index("s")
    nch = jnp.where(cid == 0, NCH0, NCH1)
    base = jnp.where(cid == 0, sid * NCH0, NS * NCH0 + sid * NCH1)

    pltpu.sync_copy(zrow.at[pl.ds(sid * RPT, RPT)], acc.at[pl.ds(sid * RPT, RPT)])
    if do_hist:
        pltpu.sync_copy(z1.at[pl.ds(sid * RPT, RPT)], hb.at[pl.ds(sid * RPT, RPT)])
        pltpu.sync_copy(z1.at[pl.ds(sid * RPT, RPT)], hd.at[pl.ds(sid * RPT, RPT)])
        for k in range(CHUNK // L):
            ones_v[pl.ds(k * L, L)] = jnp.full((L,), 1.0, jnp.float32)
    plsc.subcore_barrier()

    def scat_descs(b):
        d = [pltpu.make_async_copy(rr[b], acc.at[ix[b].at[1]], ss[b])]
        if do_hist:
            d.append(pltpu.make_async_copy(ones_v, hb.at[ix[b].at[1]], ss[b]))
            d.append(pltpu.make_async_copy(ones_v, hd.at[ix[b].at[0]], ss[b]))
        return d

    pltpu.async_copy(idx_hbm.at[base], ix[0], si[0])
    pltpu.async_copy(idx_hbm.at[base + 1], ix[1], si[1])
    pltpu.make_async_copy(idx_hbm.at[base], ix[0], si[0]).wait()
    pltpu.async_copy(src.at[ix[0].at[0]], rr[0], sg[0])

    def quad(jj, carry):
        for b in range(4):
            j = 4 * jj + b
            b1, b2 = (b + 1) % 4, (b + 2) % 4

            @pl.when(j >= 2)
            def _drain():
                for d in scat_descs(b2):
                    d.wait()

            @pl.when(j + 2 < nch)
            def _idx():
                pltpu.async_copy(idx_hbm.at[base + j + 2], ix[b2], si[b2])

            @pl.when(j + 1 < nch)
            def _gath():
                pltpu.make_async_copy(idx_hbm.at[base + j + 1], ix[b1], si[b1]).wait()
                pltpu.async_copy(src.at[ix[b1].at[0]], rr[b1], sg[b1])

            pltpu.make_async_copy(src.at[ix[b].at[0]], rr[b], sg[b]).wait()
            pltpu.async_copy(rr[b], acc.at[ix[b].at[1]], ss[b], add=True)
            if do_hist:
                pltpu.async_copy(ones_v, hb.at[ix[b].at[1]], ss[b], add=True)
                pltpu.async_copy(ones_v, hd.at[ix[b].at[0]], ss[b], add=True)
        return carry

    lax.fori_loop(0, nch // 4, quad, 0)
    for d in scat_descs(2):
        d.wait()
    for d in scat_descs(3):
        d.wait()
    plsc.subcore_barrier()

    sl = pl.ds(sid * RPT, RPT)
    pltpu.sync_copy(acc.at[sl], out_acc.at[cid, sl])
    if do_hist:
        pltpu.sync_copy(hb.at[sl], out_hb.at[cid, sl])
        pltpu.sync_copy(hd.at[sl], out_hd.at[cid, sl])


def _aggregate(src, idx_hbm, do_hist):
    out_type = [jax.ShapeDtypeStruct((NC, ROWS_PAD, D), jnp.float32)]
    scratch = [
        pltpu.VMEM_SHARED((ROWS_PAD, D), jnp.float32),
    ]
    if do_hist:
        out_type += [
            jax.ShapeDtypeStruct((NC, ROWS_PAD), jnp.float32),
            jax.ShapeDtypeStruct((NC, ROWS_PAD), jnp.float32),
        ]
        scratch += [
            pltpu.VMEM_SHARED((ROWS_PAD,), jnp.float32),
            pltpu.VMEM_SHARED((ROWS_PAD,), jnp.float32),
        ]
    scratch += [pltpu.VMEM((2, CHUNK), jnp.int32) for _ in range(4)]
    scratch += [pltpu.VMEM((CHUNK, D), jnp.float32) for _ in range(4)]
    if do_hist:
        scratch.append(pltpu.VMEM((CHUNK,), jnp.float32))
    scratch += [pltpu.SemaphoreType.DMA for _ in range(12)]

    zrow = jnp.zeros((ROWS_PAD, D), jnp.float32)
    z1 = jnp.zeros((ROWS_PAD,), jnp.float32)
    fn = pl.kernel(
        functools.partial(_agg_body, do_hist),
        out_type=out_type,
        mesh=_mesh(),
        scratch_types=scratch,
    )
    return fn(src, idx_hbm, zrow, z1)


def _scale_body(p_ref, h_ref, w_ref, o_ref):
    s = w_ref[...] / (h_ref[0] + h_ref[1] + EPS)
    o_ref[...] = (p_ref[0] + p_ref[1]) * s


def _combine_scale(parts, hist, w_num, out_rows):
    R = 80
    hist3 = hist.reshape(NC, ROWS_PAD, 1)
    return pl.pallas_call(
        _scale_body,
        grid=(out_rows // R,),
        in_specs=[
            pl.BlockSpec((NC, R, D), lambda i: (0, i, 0)),
            pl.BlockSpec((NC, R, 1), lambda i: (0, i, 0)),
            pl.BlockSpec((R, 1), lambda i: (i, 0)),
        ],
        out_specs=pl.BlockSpec((R, D), lambda i: (i, 0)),
        out_shape=jax.ShapeDtypeStruct((out_rows, D), jnp.float32),
    )(parts, hist3, w_num.reshape(ROWS_PAD, 1)[:out_rows])


def kernel(x, hyperedge_index, W, b, hyperedge_weight):
    node_idx = hyperedge_index[0]
    edge_idx = hyperedge_index[1]
    n_inc = node_idx.shape[0]
    n_chunks = NS * (NCH0 + NCH1)
    assert n_chunks * CHUNK >= n_inc
    pad = n_chunks * CHUNK - n_inc
    nid = jnp.concatenate([node_idx, jnp.full((pad,), N_ROWS, jnp.int32)])
    eid = jnp.concatenate([edge_idx, jnp.full((pad,), N_ROWS, jnp.int32)])
    nid = nid.reshape(n_chunks, CHUNK)
    eid = eid.reshape(n_chunks, CHUNK)
    idx_ne = jnp.stack([nid, eid], axis=1)
    idx_en = jnp.stack([eid, nid], axis=1)

    x_t = _linear(x, W, b)

    he_parts, hist_b, hist_d = _aggregate(x_t, idx_ne, do_hist=True)
    w_pad = jnp.pad(hyperedge_weight, (0, ROWS_PAD - N_ROWS))
    he_scaled = _combine_scale(he_parts, hist_b, w_pad, ROWS_PAD)

    (node_parts,) = _aggregate(he_scaled, idx_en, do_hist=False)
    ones = jnp.ones((ROWS_PAD,), jnp.float32)
    out = _combine_scale(node_parts, hist_d, ones, N_ROWS)
    return out

# --- scband reference (transcript-rebuilt; emitter-appended) ---
"""Pipeline reference for scband-custom-hypergraph-conv-2491081032063 (READ-ONLY COPY).

The authoritative reference and input builder live on the scoring server;
editing this copy changes nothing except your own understanding.
"""

import jax, jax.numpy as jnp
import numpy as np

N_NODES = 10000
N_INC = 320000
D_IN = 128
D_OUT = 128
N_HYPEREDGES = 10000


def setup_inputs(seed: int = 0) -> dict:
    key = jax.random.key(seed)
    k1, k2, k3, k4 = jax.random.split(key, 4)
    x = jax.random.normal(k1, (N_NODES, D_IN), dtype=jnp.float32)
    hyperedge_index = jax.random.randint(k2, (2, N_INC), 0, N_NODES, dtype=jnp.int32)
    # nn.Linear(in_channels, out_channels): weight [out, in], bias [out]
    W = jax.random.normal(k3, (D_OUT, D_IN), dtype=jnp.float32) * (1.0 / np.sqrt(D_IN))
    b = jax.random.normal(k4, (D_OUT,), dtype=jnp.float32) * (1.0 / np.sqrt(D_IN))
    # lazily-created hyperedge weight param initialized to ones
    hyperedge_weight = jnp.ones((N_HYPEREDGES,), dtype=jnp.float32)
    return {"x": x, "hyperedge_index": hyperedge_index, "W": W, "b": b, "hyperedge_weight": hyperedge_weight}


def reference(x, hyperedge_index, W, b, hyperedge_weight):
    num_nodes = x.shape[0]
    num_hyperedges = hyperedge_weight.shape[0]
    node_idx = hyperedge_index[0]
    edge_idx = hyperedge_index[1]
    # x_transformed = theta(x)
    x_t = x @ W.T + b
    ones = jnp.ones((node_idx.shape[0],), dtype=x.dtype)
    # B = hyperedge degrees (sum of H over nodes), D = node degrees (sum of H over hyperedges)
    B = jax.ops.segment_sum(ones, edge_idx, num_segments=num_hyperedges)
    D = jax.ops.segment_sum(ones, node_idx, num_segments=num_nodes)
    B_inv = 1.0 / (B + 1e-06)
    D_inv = 1.0 / (D + 1e-06)
    # H^T @ x_transformed : gather node features, scatter-add into hyperedges
    he_feat = jax.ops.segment_sum(x_t[node_idx], edge_idx, num_segments=num_hyperedges)
    he_feat = he_feat * B_inv[:, None]
    he_feat = he_feat * hyperedge_weight[:, None]
    # H @ hyperedge_features : gather hyperedge features, scatter-add into nodes
    node_agg = jax.ops.segment_sum(he_feat[edge_idx], node_idx, num_segments=num_nodes)
    output = node_agg * D_inv[:, None]
    return output

if __name__ == "__main__":
    import jax
    _d = setup_inputs()
    print(jax.jit(kernel)(*tuple(_d.values())))

</pallas_src>

<mosaic_0001>
#map = affine_map<(d0, d1) -> (0, 0)>
#map1 = affine_map<(d0, d1) -> (0, 0, 0)>
#map2 = affine_map<(d0, d1) -> (0)>
module attributes {stable_mosaic.version = 14 : i64} {
  func.func @_agg_body(%arg0: i32, %arg1: i32, %arg2: memref<10240x128xf32, #tpu.memory_space<hbm>>, %arg3: memref<5056x2x64xi32, #tpu.memory_space<hbm>>, %arg4: memref<10240x128xf32, #tpu.memory_space<hbm>>, %arg5: memref<10240xf32, #tpu.memory_space<hbm>>, %arg6: memref<2x10240x128xf32, #tpu.memory_space<hbm>>, %arg7: memref<2x10240xf32, #tpu.memory_space<hbm>>, %arg8: memref<2x10240xf32, #tpu.memory_space<hbm>>, %arg9: memref<10240x128xf32, #tpu.memory_space<vmem_shared>>, %arg10: memref<10240xf32, #tpu.memory_space<vmem_shared>>, %arg11: memref<10240xf32, #tpu.memory_space<vmem_shared>>, %arg12: memref<2x64xi32, #tpu.memory_space<vmem>>, %arg13: memref<2x64xi32, #tpu.memory_space<vmem>>, %arg14: memref<2x64xi32, #tpu.memory_space<vmem>>, %arg15: memref<2x64xi32, #tpu.memory_space<vmem>>, %arg16: memref<64x128xf32, #tpu.memory_space<vmem>>, %arg17: memref<64x128xf32, #tpu.memory_space<vmem>>, %arg18: memref<64x128xf32, #tpu.memory_space<vmem>>, %arg19: memref<64x128xf32, #tpu.memory_space<vmem>>, %arg20: memref<64xf32, #tpu.memory_space<vmem>>, %arg21: memref<!tpu.dma_semaphore, #tpu.memory_space<semaphore_mem>>, %arg22: memref<!tpu.dma_semaphore, #tpu.memory_space<semaphore_mem>>, %arg23: memref<!tpu.dma_semaphore, #tpu.memory_space<semaphore_mem>>, %arg24: memref<!tpu.dma_semaphore, #tpu.memory_space<semaphore_mem>>, %arg25: memref<!tpu.dma_semaphore, #tpu.memory_space<semaphore_mem>>, %arg26: memref<!tpu.dma_semaphore, #tpu.memory_space<semaphore_mem>>, %arg27: memref<!tpu.dma_semaphore, #tpu.memory_space<semaphore_mem>>, %arg28: memref<!tpu.dma_semaphore, #tpu.memory_space<semaphore_mem>>, %arg29: memref<!tpu.dma_semaphore, #tpu.memory_space<semaphore_mem>>, %arg30: memref<!tpu.dma_semaphore, #tpu.memory_space<semaphore_mem>>, %arg31: memref<!tpu.dma_semaphore, #tpu.memory_space<semaphore_mem>>, %arg32: memref<!tpu.dma_semaphore, #tpu.memory_space<semaphore_mem>>) attributes {dimension_semantics = [#tpu.dimension_semantics<core_parallel>, #tpu.dimension_semantics<subcore_parallel>], iteration_bounds = array<i64: 2, 16>, scalar_prefetch = 0 : i64, scratch_operands = 24 : i64, tpu.core_type = #tpu.core_type<sc_vector_subcore>, window_params = [{transform_indices = #map}, {transform_indices = #map1}, {transform_indices = #map}, {transform_indices = #map2}, {transform_indices = #map1}, {transform_indices = #map}, {transform_indices = #map}]} {
    %eq3A = arith.constant 0 : i32
    %eq3A_0 = arith.cmpi eq, %arg0, %eq3A : i32
    %jit3A = arith.constant 44 : i32
    %jit3A_1 = arith.constant 272 : i32
    %select_n3A = arith.select %eq3A_0, %jit3A, %jit3A_1 : i32
    %eq3A_2 = arith.constant 0 : i32
    %eq3A_3 = arith.cmpi eq, %arg0, %eq3A_2 : i32
    %mul3A = arith.constant 44 : i32
    %mul3A_4 = arith.muli %arg1, %mul3A : i32
    %mul3A_5 = arith.constant 272 : i32
    %mul3A_6 = arith.muli %arg1, %mul3A_5 : i32
    %add3A = arith.constant 704 : i32
    %add3A_7 = arith.addi %add3A, %mul3A_6 : i32
    %select_n3A_8 = arith.select %eq3A_3, %mul3A_4, %add3A_7 : i32
    %mul3A_9 = arith.constant 640 : i32
    %mul3A_10 = arith.muli %arg1, %mul3A_9 : i32
    %mul3A_11 = arith.constant 640 : i32
    %mul3A_12 = arith.muli %arg1, %mul3A_11 : i32
    "tpu.region"() ({
      %run_scoped3A = tpu.sem_alloc : memref<!tpu.dma_semaphore, #tpu.memory_space<semaphore_mem>>
      %dma_start3A_142 = arith.constant 0 : i32
      %dma_start3A_143 = tpu.memref_slice %arg9[%mul3A_12, %dma_start3A_142] : memref<10240x128xf32, #tpu.memory_space<vmem_shared>> -> memref<640x128xf32, #tpu.memory_space<vmem_shared>>
      %dma_start3A_144 = arith.constant 0 : i32
      %dma_start3A_145 = tpu.memref_slice %arg4[%mul3A_10, %dma_start3A_144] : memref<10240x128xf32, #tpu.memory_space<hbm>> -> memref<640x128xf32, #tpu.memory_space<hbm>>
      tpu.enqueue_dma source(%dma_start3A_145 : memref<640x128xf32, #tpu.memory_space<hbm>>) target(%dma_start3A_143 : memref<640x128xf32, #tpu.memory_space<vmem_shared>>) target_semaphore(%run_scoped3A : memref<!tpu.dma_semaphore, #tpu.memory_space<semaphore_mem>>)
      %dma_wait3A_146 = arith.constant 0 : i32
      %dma_wait3A_147 = tpu.memref_slice %arg9[%mul3A_12, %dma_wait3A_146] : memref<10240x128xf32, #tpu.memory_space<vmem_shared>> -> memref<640x128xf32, #tpu.memory_space<vmem_shared>>
      %dma_wait3A_148 = arith.constant 0 : i32
      %dma_wait3A_149 = tpu.memref_slice %arg4[%mul3A_10, %dma_wait3A_148] : memref<10240x128xf32, #tpu.memory_space<hbm>> -> memref<640x128xf32, #tpu.memory_space<hbm>>
      tpu.wait_dma2 semaphore(%run_scoped3A : memref<!tpu.dma_semaphore, #tpu.memory_space<semaphore_mem>>) src(%dma_wait3A_149 : memref<640x128xf32, #tpu.memory_space<hbm>>) dst(%dma_wait3A_147 : memref<640x128xf32, #tpu.memory_space<vmem_shared>>)
      tpu.yield
    }) : () -> ()
    %mul3A_13 = arith.constant 640 : i32
    %mul3A_14 = arith.muli %arg1, %mul3A_13 : i32
    %mul3A_15 = arith.constant 640 : i32
    %mul3A_16 = arith.muli %arg1, %mul3A_15 : i32
    "tpu.region"() ({
      %run_scoped3A = tpu.sem_alloc : memref<!tpu.dma_semaphore, #tpu.memory_space<semaphore_mem>>
      %dma_start3A_142 = tpu.memref_slice %arg10[%mul3A_16] : memref<10240xf32, #tpu.memory_space<vmem_shared>> -> memref<640xf32, #tpu.memory_space<vmem_shared>>
      %dma_start3A_143 = tpu.memref_slice %arg5[%mul3A_14] : memref<10240xf32, #tpu.memory_space<hbm>> -> memref<640xf32, #tpu.memory_space<hbm>>
      tpu.enqueue_dma source(%dma_start3A_143 : memref<640xf32, #tpu.memory_space<hbm>>) target(%dma_start3A_142 : memref<640xf32, #tpu.memory_space<vmem_shared>>) target_semaphore(%run_scoped3A : memref<!tpu.dma_semaphore, #tpu.memory_space<semaphore_mem>>)
      %dma_wait3A_144 = tpu.memref_slice %arg10[%mul3A_16] : memref<10240xf32, #tpu.memory_space<vmem_shared>> -> memref<640xf32, #tpu.memory_space<vmem_shared>>
      %dma_wait3A_145 = tpu.memref_slice %arg5[%mul3A_14] : memref<10240xf32, #tpu.memory_space<hbm>> -> memref<640xf32, #tpu.memory_space<hbm>>
      tpu.wait_dma2 semaphore(%run_scoped3A : memref<!tpu.dma_semaphore, #tpu.memory_space<semaphore_mem>>) src(%dma_wait3A_145 : memref<640xf32, #tpu.memory_space<hbm>>) dst(%dma_wait3A_144 : memref<640xf32, #tpu.memory_space<vmem_shared>>)
      tpu.yield
    }) : () -> ()
    %mul3A_17 = arith.constant 640 : i32
    %mul3A_18 = arith.muli %arg1, %mul3A_17 : i32
    %mul3A_19 = arith.constant 640 : i32
    %mul3A_20 = arith.muli %arg1, %mul3A_19 : i32
    "tpu.region"() ({
      %run_scoped3A = tpu.sem_alloc : memref<!tpu.dma_semaphore, #tpu.memory_space<semaphore_mem>>
      %dma_start3A_142 = tpu.memref_slice %arg11[%mul3A_20] : memref<10240xf32, #tpu.memory_space<vmem_shared>> -> memref<640xf32, #tpu.memory_space<vmem_shared>>
      %dma_start3A_143 = tpu.memref_slice %arg5[%mul3A_18] : memref<10240xf32, #tpu.memory_space<hbm>> -> memref<640xf32, #tpu.memory_space<hbm>>
      tpu.enqueue_dma source(%dma_start3A_143 : memref<640xf32, #tpu.memory_space<hbm>>) target(%dma_start3A_142 : memref<640xf32, #tpu.memory_space<vmem_shared>>) target_semaphore(%run_scoped3A : memref<!tpu.dma_semaphore, #tpu.memory_space<semaphore_mem>>)
      %dma_wait3A_144 = tpu.memref_slice %arg11[%mul3A_20] : memref<10240xf32, #tpu.memory_space<vmem_shared>> -> memref<640xf32, #tpu.memory_space<vmem_shared>>
      %dma_wait3A_145 = tpu.memref_slice %arg5[%mul3A_18] : memref<10240xf32, #tpu.memory_space<hbm>> -> memref<640xf32, #tpu.memory_space<hbm>>
      tpu.wait_dma2 semaphore(%run_scoped3A : memref<!tpu.dma_semaphore, #tpu.memory_space<semaphore_mem>>) src(%dma_wait3A_145 : memref<640xf32, #tpu.memory_space<hbm>>) dst(%dma_wait3A_144 : memref<640xf32, #tpu.memory_space<vmem_shared>>)
      tpu.yield
    }) : () -> ()
    %broadcast_in_dim3A = arith.constant 1.000000e+00 : f32
    %broadcast_in_dim3A_21 = vector.broadcast %broadcast_in_dim3A : f32 to vector<16xf32>
    %swap3A = arith.constant 0 : index
    %swap3A_22 = tpu.vector_load %arg20[%swap3A] {strides = array<i32>} : memref<64xf32, #tpu.memory_space<vmem>>, vector<16xf32>,
    %swap3A_23 = vector.shape_cast %swap3A_22 : vector<16xf32> to vector<16xf32>
    %swap3A_24 = vector.shape_cast %broadcast_in_dim3A_21 : vector<16xf32> to vector<16xf32>
    tpu.vector_store %arg20[%swap3A], %swap3A_24 {strides = array<i32>} : memref<64xf32, #tpu.memory_space<vmem>>, vector<16xf32>,
    %broadcast_in_dim3A_25 = arith.constant 1.000000e+00 : f32
    %broadcast_in_dim3A_26 = vector.broadcast %broadcast_in_dim3A_25 : f32 to vector<16xf32>
    %swap3A_27 = arith.constant 16 : index
    %swap3A_28 = tpu.vector_load %arg20[%swap3A_27] {strides = array<i32>} : memref<64xf32, #tpu.memory_space<vmem>>, vector<16xf32>,
    %swap3A_29 = vector.shape_cast %swap3A_28 : vector<16xf32> to vector<16xf32>
    %swap3A_30 = vector.shape_cast %broadcast_in_dim3A_26 : vector<16xf32> to vector<16xf32>
    tpu.vector_store %arg20[%swap3A_27], %swap3A_30 {strides = array<i32>} : memref<64xf32, #tpu.memory_space<vmem>>, vector<16xf32>,
    %broadcast_in_dim3A_31 = arith.constant 1.000000e+00 : f32
    %broadcast_in_dim3A_32 = vector.broadcast %broadcast_in_dim3A_31 : f32 to vector<16xf32>
    %swap3A_33 = arith.constant 32 : index
    %swap3A_34 = tpu.vector_load %arg20[%swap3A_33] {strides = array<i32>} : memref<64xf32, #tpu.memory_space<vmem>>, vector<16xf32>,
    %swap3A_35 = vector.shape_cast %swap3A_34 : vector<16xf32> to vector<16xf32>
    %swap3A_36 = vector.shape_cast %broadcast_in_dim3A_32 : vector<16xf32> to vector<16xf32>
    tpu.vector_store %arg20[%swap3A_33], %swap3A_36 {strides = array<i32>} : memref<64xf32, #tpu.memory_space<vmem>>, vector<16xf32>,
    %broadcast_in_dim3A_37 = arith.constant 1.000000e+00 : f32
    %broadcast_in_dim3A_38 = vector.broadcast %broadcast_in_dim3A_37 : f32 to vector<16xf32>
    %swap3A_39 = arith.constant 48 : index
    %swap3A_40 = tpu.vector_load %arg20[%swap3A_39] {strides = array<i32>} : memref<64xf32, #tpu.memory_space<vmem>>, vector<16xf32>,
    %swap3A_41 = vector.shape_cast %swap3A_40 : vector<16xf32> to vector<16xf32>
    %swap3A_42 = vector.shape_cast %broadcast_in_dim3A_38 : vector<16xf32> to vector<16xf32>
    tpu.vector_store %arg20[%swap3A_39], %swap3A_42 {strides = array<i32>} : memref<64xf32, #tpu.memory_space<vmem>>, vector<16xf32>,
    %barrier3A = arith.constant 0 : index
    tpu.barrier barrier_id(%barrier3A)
    %dma_start3A = arith.constant 0 : i32
    %dma_start3A_43 = arith.constant 0 : i32
    %dma_start3A_44 = tpu.memref_slice %arg3[%select_n3A_8, %dma_start3A, %dma_start3A_43] : memref<5056x2x64xi32, #tpu.memory_space<hbm>> -> memref<1x2x64xi32, #tpu.memory_space<hbm>>
    %dma_start3A_45 = tpu.memref_squeeze %dma_start3A_44 : memref<1x2x64xi32, #tpu.memory_space<hbm>> -> memref<2x64xi32, #tpu.memory_space<hbm>>
    %dma_start3A_46 = arith.constant 0 : i32
    %dma_start3A_47 = arith.constant 0 : i32
    %dma_start3A_48 = tpu.memref_slice %arg3[%select_n3A_8, %dma_start3A_46, %dma_start3A_47] : memref<5056x2x64xi32, #tpu.memory_space<hbm>> -> memref<1x2x64xi32, #tpu.memory_space<hbm>>
    %dma_start3A_49 = tpu.memref_squeeze %dma_start3A_48 : memref<1x2x64xi32, #tpu.memory_space<hbm>> -> memref<2x64xi32, #tpu.memory_space<hbm>>
    tpu.enqueue_dma source(%dma_start3A_49 : memref<2x64xi32, #tpu.memory_space<hbm>>) target(%arg12 : memref<2x64xi32, #tpu.memory_space<vmem>>) target_semaphore(%arg21 : memref<!tpu.dma_semaphore, #tpu.memory_space<semaphore_mem>>)
    %add3A_50 = arith.constant 1 : i32
    %add3A_51 = arith.addi %select_n3A_8, %add3A_50 : i32
    %dma_start3A_52 = arith.constant 0 : i32
    %dma_start3A_53 = arith.constant 0 : i32
    %dma_start3A_54 = tpu.memref_slice %arg3[%add3A_51, %dma_start3A_52, %dma_start3A_53] : memref<5056x2x64xi32, #tpu.memory_space<hbm>> -> memref<1x2x64xi32, #tpu.memory_space<hbm>>
    %dma_start3A_55 = tpu.memref_squeeze %dma_start3A_54 : memref<1x2x64xi32, #tpu.memory_space<hbm>> -> memref<2x64xi32, #tpu.memory_space<hbm>>
    %dma_start3A_56 = arith.constant 0 : i32
    %dma_start3A_57 = arith.constant 0 : i32
    %dma_start3A_58 = tpu.memref_slice %arg3[%add3A_51, %dma_start3A_56, %dma_start3A_57] : memref<5056x2x64xi32, #tpu.memory_space<hbm>> -> memref<1x2x64xi32, #tpu.memory_space<hbm>>
    %dma_start3A_59 = tpu.memref_squeeze %dma_start3A_58 : memref<1x2x64xi32, #tpu.memory_space<hbm>> -> memref<2x64xi32, #tpu.memory_space<hbm>>
    tpu.enqueue_dma source(%dma_start3A_59 : memref<2x64xi32, #tpu.memory_space<hbm>>) target(%arg13 : memref<2x64xi32, #tpu.memory_space<vmem>>) target_semaphore(%arg22 : memref<!tpu.dma_semaphore, #tpu.memory_space<semaphore_mem>>)
    %dma_wait3A = arith.constant 0 : i32
    %dma_wait3A_60 = arith.constant 0 : i32
    %dma_wait3A_61 = tpu.memref_slice %arg3[%select_n3A_8, %dma_wait3A, %dma_wait3A_60] : memref<5056x2x64xi32, #tpu.memory_space<hbm>> -> memref<1x2x64xi32, #tpu.memory_space<hbm>>
    %dma_wait3A_62 = tpu.memref_squeeze %dma_wait3A_61 : memref<1x2x64xi32, #tpu.memory_space<hbm>> -> memref<2x64xi32, #tpu.memory_space<hbm>>
    %dma_wait3A_63 = arith.constant 0 : i32
    %dma_wait3A_64 = arith.constant 0 : i32
    %dma_wait3A_65 = tpu.memref_slice %arg3[%select_n3A_8, %dma_wait3A_63, %dma_wait3A_64] : memref<5056x2x64xi32, #tpu.memory_space<hbm>> -> memref<1x2x64xi32, #tpu.memory_space<hbm>>
    %dma_wait3A_66 = tpu.memref_squeeze %dma_wait3A_65 : memref<1x2x64xi32, #tpu.memory_space<hbm>> -> memref<2x64xi32, #tpu.memory_space<hbm>>
    tpu.wait_dma2 semaphore(%arg21 : memref<!tpu.dma_semaphore, #tpu.memory_space<semaphore_mem>>) src(%dma_wait3A_66 : memref<2x64xi32, #tpu.memory_space<hbm>>) dst(%arg12 : memref<2x64xi32, #tpu.memory_space<vmem>>)
    %dma_start3A_67 = arith.constant 0 : i32
    %dma_start3A_68 = arith.constant 0 : i32
    %dma_start3A_69 = tpu.memref_slice %arg12[%dma_start3A_67, %dma_start3A_68] : memref<2x64xi32, #tpu.memory_space<vmem>> -> memref<1x64xi32, #tpu.memory_space<vmem>>
    %dma_start3A_70 = tpu.memref_squeeze %dma_start3A_69 : memref<1x64xi32, #tpu.memory_space<vmem>> -> memref<64xi32, #tpu.memory_space<vmem>>
    %dma_start3A_71 = arith.constant 0 : i32
    %dma_start3A_72 = arith.constant 0 : i32
    %dma_start3A_73 = tpu.memref_slice %arg2[%dma_start3A_71, %dma_start3A_72] : memref<10240x128xf32, #tpu.memory_space<hbm>> -> memref<10240x128xf32, #tpu.memory_space<hbm>>
    tpu.enqueue_indirect_dma source(%dma_start3A_73 : memref<10240x128xf32, #tpu.memory_space<hbm>>) target(%arg16 : memref<64x128xf32, #tpu.memory_space<vmem>>) offsets(%dma_start3A_70 : memref<64xi32, #tpu.memory_space<vmem>>) semaphore(%arg25 : memref<!tpu.dma_semaphore, #tpu.memory_space<semaphore_mem>>)
    %jit3A_74 = arith.constant 4 : i32
    %div3A = arith.divsi %select_n3A, %jit3A_74 : i32
    %sign3A = arith.constant 0 : i32
    %sign3A_75 = arith.cmpi sgt, %select_n3A, %sign3A : i32
    %sign3A_76 = arith.extui %sign3A_75 : i1 to i32
    %sign3A_77 = arith.constant 0 : i32
    %sign3A_78 = arith.cmpi slt, %select_n3A, %sign3A_77 : i32
    %sign3A_79 = arith.extui %sign3A_78 : i1 to i32
    %sign3A_80 = arith.subi %sign3A_76, %sign3A_79 : i32
    %sign3A_81 = arith.constant 0 : i32
    %sign3A_82 = arith.cmpi sgt, %jit3A_74, %sign3A_81 : i32
    %sign3A_83 = arith.extui %sign3A_82 : i1 to i32
    %sign3A_84 = arith.constant 0 : i32
    %sign3A_85 = arith.cmpi slt, %jit3A_74, %sign3A_84 : i32
    %sign3A_86 = arith.extui %sign3A_85 : i1 to i32
    %sign3A_87 = arith.subi %sign3A_83, %sign3A_86 : i32
    %ne3A = arith.cmpi ne, %sign3A_80, %sign3A_87 : i32
    %rem3A = arith.remsi %select_n3A, %jit3A_74 : i32
    %ne3A_88 = arith.constant 0 : i32
    %ne3A_89 = arith.cmpi ne, %rem3A, %ne3A_88 : i32
    %and3A = arith.andi %ne3A, %ne3A_89 : i1
    %sub3A = arith.constant 1 : i32
    %sub3A_90 = arith.subi %div3A, %sub3A : i32
    %select_n3A_91 = arith.select %and3A, %sub3A_90, %div3A : i32
    %while3A = arith.constant 0 : i32
    %while3A_92 = arith.constant 0 : i32
    %while3A_93 = arith.subi %select_n3A_91, %while3A_92 : i32
    %while3A_94 = arith.addi %while3A_92, %while3A_93 : i32
    %while3A_95 = arith.constant 1 : i32
    %while3A_96 = arith.divsi %while3A_93, %while3A_95 : i32
    %while3A_97 = arith.muli %while3A_96, %while3A_95 : i32
    %while3A_98 = arith.addi %while3A_92, %while3A_97 : i32
    %while3A_99 = arith.constant 1 : i32
    scf.for %while3A_142 = %while3A_92 to %while3A_98 step %while3A_99  : i32 {
      %mul3A_143 = arith.constant 4 : i32
      %mul3A_144 = arith.muli %mul3A_143, %while3A_142 : i32
      %add3A_145 = arith.constant 0 : i32
      %add3A_146 = arith.addi %mul3A_144, %add3A_145 : i32
      %ge3A = arith.constant 2 : i32
      %ge3A_147 = arith.cmpi sge, %add3A_146, %ge3A : i32
      %convert_element_type3A = arith.extui %ge3A_147 : i1 to i32
      %cond3A = arith.constant 0 : i32
      %cond3A_148 = arith.cmpi ne, %convert_element_type3A, %cond3A : i32
      scf.if %cond3A_148 {
        %dma_wait3A_327 = arith.constant 1 : i32
        %dma_wait3A_328 = arith.constant 0 : i32
        %dma_wait3A_329 = tpu.memref_slice %arg14[%dma_wait3A_327, %dma_wait3A_328] : memref<2x64xi32, #tpu.memory_space<vmem>> -> memref<1x64xi32, #tpu.memory_space<vmem>>
        %dma_wait3A_330 = tpu.memref_squeeze %dma_wait3A_329 : memref<1x64xi32, #tpu.memory_space<vmem>> -> memref<64xi32, #tpu.memory_space<vmem>>
        %dma_wait3A_331 = arith.constant 0 : i32
        %dma_wait3A_332 = arith.constant 0 : i32
        %dma_wait3A_333 = tpu.memref_slice %arg9[%dma_wait3A_331, %dma_wait3A_332] : memref<10240x128xf32, #tpu.memory_space<vmem_shared>> -> memref<10240x128xf32, #tpu.memory_space<vmem_shared>>
        tpu.wait_indirect_dma semaphore(%arg31 : memref<!tpu.dma_semaphore, #tpu.memory_space<semaphore_mem>>) src(%arg18 : memref<64x128xf32, #tpu.memory_space<vmem>>) dst(%dma_wait3A_333 : memref<10240x128xf32, #tpu.memory_space<vmem_shared>>)
        %dma_wait3A_334 = arith.constant 1 : i32
        %dma_wait3A_335 = arith.constant 0 : i32
        %dma_wait3A_336 = tpu.memref_slice %arg14[%dma_wait3A_334, %dma_wait3A_335] : memref<2x64xi32, #tpu.memory_space<vmem>> -> memref<1x64xi32, #tpu.memory_space<vmem>>
        %dma_wait3A_337 = tpu.memref_squeeze %dma_wait3A_336 : memref<1x64xi32, #tpu.memory_space<vmem>> -> memref<64xi32, #tpu.memory_space<vmem>>
        %dma_wait3A_338 = arith.constant 0 : i32
        %dma_wait3A_339 = tpu.memref_slice %arg10[%dma_wait3A_338] : memref<10240xf32, #tpu.memory_space<vmem_shared>> -> memref<10240xf32, #tpu.memory_space<vmem_shared>>
        tpu.wait_indirect_dma semaphore(%arg31 : memref<!tpu.dma_semaphore, #tpu.memory_space<semaphore_mem>>) src(%arg20 : memref<64xf32, #tpu.memory_space<vmem>>) dst(%dma_wait3A_339 : memref<10240xf32, #tpu.memory_space<vmem_shared>>)
        %dma_wait3A_340 = arith.constant 0 : i32
        %dma_wait3A_341 = arith.constant 0 : i32
        %dma_wait3A_342 = tpu.memref_slice %arg14[%dma_wait3A_340, %dma_wait3A_341] : memref<2x64xi32, #tpu.memory_space<vmem>> -> memref<1x64xi32, #tpu.memory_space<vmem>>
        %dma_wait3A_343 = tpu.memref_squeeze %dma_wait3A_342 : memref<1x64xi32, #tpu.memory_space<vmem>> -> memref<64xi32, #tpu.memory_space<vmem>>
        %dma_wait3A_344 = arith.constant 0 : i32
        %dma_wait3A_345 = tpu.memref_slice %arg11[%dma_wait3A_344] : memref<10240xf32, #tpu.memory_space<vmem_shared>> -> memref<10240xf32, #tpu.memory_space<vmem_shared>>
        tpu.wait_indirect_dma semaphore(%arg31 : memref<!tpu.dma_semaphore, #tpu.memory_space<semaphore_mem>>) src(%arg20 : memref<64xf32, #tpu.memory_space<vmem>>) dst(%dma_wait3A_345 : memref<10240xf32, #tpu.memory_space<vmem_shared>>)
      } else {
      }
      %add3A_149 = arith.constant 2 : i32
      %add3A_150 = arith.addi %add3A_146, %add3A_149 : i32
      %lt3A = arith.cmpi slt, %add3A_150, %select_n3A : i32
      %convert_element_type3A_151 = arith.extui %lt3A : i1 to i32
      %cond3A_152 = arith.constant 0 : i32
      %cond3A_153 = arith.cmpi ne, %convert_element_type3A_151, %cond3A_152 : i32
      scf.if %cond3A_153 {
        %add3A_327 = arith.addi %select_n3A_8, %add3A_146 : i32
        %add3A_328 = arith.constant 2 : i32
        %add3A_329 = arith.addi %add3A_327, %add3A_328 : i32
        %dma_start3A_330 = arith.constant 0 : i32
        %dma_start3A_331 = arith.constant 0 : i32
        %dma_start3A_332 = tpu.memref_slice %arg3[%add3A_329, %dma_start3A_330, %dma_start3A_331] : memref<5056x2x64xi32, #tpu.memory_space<hbm>> -> memref<1x2x64xi32, #tpu.memory_space<hbm>>
        %dma_start3A_333 = tpu.memref_squeeze %dma_start3A_332 : memref<1x2x64xi32, #tpu.memory_space<hbm>> -> memref<2x64xi32, #tpu.memory_space<hbm>>
        %dma_start3A_334 = arith.constant 0 : i32
        %dma_start3A_335 = arith.constant 0 : i32
        %dma_start3A_336 = tpu.memref_slice %arg3[%add3A_329, %dma_start3A_334, %dma_start3A_335] : memref<5056x2x64xi32, #tpu.memory_space<hbm>> -> memref<1x2x64xi32, #tpu.memory_space<hbm>>
        %dma_start3A_337 = tpu.memref_squeeze %dma_start3A_336 : memref<1x2x64xi32, #tpu.memory_space<hbm>> -> memref<2x64xi32, #tpu.memory_space<hbm>>
        tpu.enqueue_dma source(%dma_start3A_337 : memref<2x64xi32, #tpu.memory_space<hbm>>) target(%arg14 : memref<2x64xi32, #tpu.memory_space<vmem>>) target_semaphore(%arg23 : memref<!tpu.dma_semaphore, #tpu.memory_space<semaphore_mem>>)
      } else {
      }
      %add3A_154 = arith.constant 1 : i32
      %add3A_155 = arith.addi %add3A_146, %add3A_154 : i32
      %lt3A_156 = arith.cmpi slt, %add3A_155, %select_n3A : i32
      %convert_element_type3A_157 = arith.extui %lt3A_156 : i1 to i32
      %cond3A_158 = arith.constant 0 : i32
      %cond3A_159 = arith.cmpi ne, %convert_element_type3A_157, %cond3A_158 : i32
      scf.if %cond3A_159 {
        %add3A_327 = arith.addi %select_n3A_8, %add3A_146 : i32
        %add3A_328 = arith.constant 1 : i32
        %add3A_329 = arith.addi %add3A_327, %add3A_328 : i32
        %dma_wait3A_330 = arith.constant 0 : i32
        %dma_wait3A_331 = arith.constant 0 : i32
        %dma_wait3A_332 = tpu.memref_slice %arg3[%add3A_329, %dma_wait3A_330, %dma_wait3A_331] : memref<5056x2x64xi32, #tpu.memory_space<hbm>> -> memref<1x2x64xi32, #tpu.memory_space<hbm>>
        %dma_wait3A_333 = tpu.memref_squeeze %dma_wait3A_332 : memref<1x2x64xi32, #tpu.memory_space<hbm>> -> memref<2x64xi32, #tpu.memory_space<hbm>>
        %dma_wait3A_334 = arith.constant 0 : i32
        %dma_wait3A_335 = arith.constant 0 : i32
        %dma_wait3A_336 = tpu.memref_slice %arg3[%add3A_329, %dma_wait3A_334, %dma_wait3A_335] : memref<5056x2x64xi32, #tpu.memory_space<hbm>> -> memref<1x2x64xi32, #tpu.memory_space<hbm>>
        %dma_wait3A_337 = tpu.memref_squeeze %dma_wait3A_336 : memref<1x2x64xi32, #tpu.memory_space<hbm>> -> memref<2x64xi32, #tpu.memory_space<hbm>>
        tpu.wait_dma2 semaphore(%arg22 : memref<!tpu.dma_semaphore, #tpu.memory_space<semaphore_mem>>) src(%dma_wait3A_337 : memref<2x64xi32, #tpu.memory_space<hbm>>) dst(%arg13 : memref<2x64xi32, #tpu.memory_space<vmem>>)
        %dma_start3A_338 = arith.constant 0 : i32
        %dma_start3A_339 = arith.constant 0 : i32
        %dma_start3A_340 = tpu.memref_slice %arg13[%dma_start3A_338, %dma_start3A_339] : memref<2x64xi32, #tpu.memory_space<vmem>> -> memref<1x64xi32, #tpu.memory_space<vmem>>
        %dma_start3A_341 = tpu.memref_squeeze %dma_start3A_340 : memref<1x64xi32, #tpu.memory_space<vmem>> -> memref<64xi32, #tpu.memory_space<vmem>>
        %dma_start3A_342 = arith.constant 0 : i32
        %dma_start3A_343 = arith.constant 0 : i32
        %dma_start3A_344 = tpu.memref_slice %arg2[%dma_start3A_342, %dma_start3A_343] : memref<10240x128xf32, #tpu.memory_space<hbm>> -> memref<10240x128xf32, #tpu.memory_space<hbm>>
        tpu.enqueue_indirect_dma source(%dma_start3A_344 : memref<10240x128xf32, #tpu.memory_space<hbm>>) target(%arg17 : memref<64x128xf32, #tpu.memory_space<vmem>>) offsets(%dma_start3A_341 : memref<64xi32, #tpu.memory_space<vmem>>) semaphore(%arg26 : memref<!tpu.dma_semaphore, #tpu.memory_space<semaphore_mem>>)
      } else {
      }
      %dma_wait3A_160 = arith.constant 0 : i32
      %dma_wait3A_161 = arith.constant 0 : i32
      %dma_wait3A_162 = tpu.memref_slice %arg12[%dma_wait3A_160, %dma_wait3A_161] : memref<2x64xi32, #tpu.memory_space<vmem>> -> memref<1x64xi32, #tpu.memory_space<vmem>>
      %dma_wait3A_163 = tpu.memref_squeeze %dma_wait3A_162 : memref<1x64xi32, #tpu.memory_space<vmem>> -> memref<64xi32, #tpu.memory_space<vmem>>
      %dma_wait3A_164 = arith.constant 0 : i32
      %dma_wait3A_165 = arith.constant 0 : i32
      %dma_wait3A_166 = tpu.memref_slice %arg2[%dma_wait3A_164, %dma_wait3A_165] : memref<10240x128xf32, #tpu.memory_space<hbm>> -> memref<10240x128xf32, #tpu.memory_space<hbm>>
      tpu.wait_indirect_dma semaphore(%arg25 : memref<!tpu.dma_semaphore, #tpu.memory_space<semaphore_mem>>) src(%dma_wait3A_166 : memref<10240x128xf32, #tpu.memory_space<hbm>>) dst(%arg16 : memref<64x128xf32, #tpu.memory_space<vmem>>)
      %dma_start3A_167 = arith.constant 1 : i32
      %dma_start3A_168 = arith.constant 0 : i32
      %dma_start3A_169 = tpu.memref_slice %arg12[%dma_start3A_167, %dma_start3A_168] : memref<2x64xi32, #tpu.memory_space<vmem>> -> memref<1x64xi32, #tpu.memory_space<vmem>>
      %dma_start3A_170 = tpu.memref_squeeze %dma_start3A_169 : memref<1x64xi32, #tpu.memory_space<vmem>> -> memref<64xi32, #tpu.memory_space<vmem>>
      %dma_start3A_171 = arith.constant 0 : i32
      %dma_start3A_172 = arith.constant 0 : i32
      %dma_start3A_173 = tpu.memref_slice %arg9[%dma_start3A_171, %dma_start3A_172] : memref<10240x128xf32, #tpu.memory_space<vmem_shared>> -> memref<10240x128xf32, #tpu.memory_space<vmem_shared>>
      tpu.enqueue_indirect_dma source(%arg16 : memref<64x128xf32, #tpu.memory_space<vmem>>) target(%dma_start3A_173 : memref<10240x128xf32, #tpu.memory_space<vmem_shared>>) offsets(%dma_start3A_170 : memref<64xi32, #tpu.memory_space<vmem>>) semaphore(%arg29 : memref<!tpu.dma_semaphore, #tpu.memory_space<semaphore_mem>>) {add = true}
      %dma_start3A_174 = arith.constant 1 : i32
      %dma_start3A_175 = arith.constant 0 : i32
      %dma_start3A_176 = tpu.memref_slice %arg12[%dma_start3A_174, %dma_start3A_175] : memref<2x64xi32, #tpu.memory_space<vmem>> -> memref<1x64xi32, #tpu.memory_space<vmem>>
      %dma_start3A_177 = tpu.memref_squeeze %dma_start3A_176 : memref<1x64xi32, #tpu.memory_space<vmem>> -> memref<64xi32, #tpu.memory_space<vmem>>
      %dma_start3A_178 = arith.constant 0 : i32
      %dma_start3A_179 = tpu.memref_slice %arg10[%dma_start3A_178] : memref<10240xf32, #tpu.memory_space<vmem_shared>> -> memref<10240xf32, #tpu.memory_space<vmem_shared>>
      tpu.enqueue_indirect_dma source(%arg20 : memref<64xf32, #tpu.memory_space<vmem>>) target(%dma_start3A_179 : memref<10240xf32, #tpu.memory_space<vmem_shared>>) offsets(%dma_start3A_177 : memref<64xi32, #tpu.memory_space<vmem>>) semaphore(%arg29 : memref<!tpu.dma_semaphore, #tpu.memory_space<semaphore_mem>>) {add = true}
      %dma_start3A_180 = arith.constant 0 : i32
      %dma_start3A_181 = arith.constant 0 : i32
      %dma_start3A_182 = tpu.memref_slice %arg12[%dma_start3A_180, %dma_start3A_181] : memref<2x64xi32, #tpu.memory_space<vmem>> -> memref<1x64xi32, #tpu.memory_space<vmem>>
      %dma_start3A_183 = tpu.memref_squeeze %dma_start3A_182 : memref<1x64xi32, #tpu.memory_space<vmem>> -> memref<64xi32, #tpu.memory_space<vmem>>
      %dma_start3A_184 = arith.constant 0 : i32
      %dma_start3A_185 = tpu.memref_slice %arg11[%dma_start3A_184] : memref<10240xf32, #tpu.memory_space<vmem_shared>> -> memref<10240xf32, #tpu.memory_space<vmem_shared>>
      tpu.enqueue_indirect_dma source(%arg20 : memref<64xf32, #tpu.memory_space<vmem>>) target(%dma_start3A_185 : memref<10240xf32, #tpu.memory_space<vmem_shared>>) offsets(%dma_start3A_183 : memref<64xi32, #tpu.memory_space<vmem>>) semaphore(%arg29 : memref<!tpu.dma_semaphore, #tpu.memory_space<semaphore_mem>>) {add = true}
      %mul3A_186 = arith.constant 4 : i32
      %mul3A_187 = arith.muli %mul3A_186, %while3A_142 : i32
      %add3A_188 = arith.constant 1 : i32
      %add3A_189 = arith.addi %mul3A_187, %add3A_188 : i32
      %ge3A_190 = arith.constant 2 : i32
      %ge3A_191 = arith.cmpi sge, %add3A_189, %ge3A_190 : i32
      %convert_element_type3A_192 = arith.extui %ge3A_191 : i1 to i32
      %cond3A_193 = arith.constant 0 : i32
      %cond3A_194 = arith.cmpi ne, %convert_element_type3A_192, %cond3A_193 : i32
      scf.if %cond3A_194 {
        %dma_wait3A_327 = arith.constant 1 : i32
        %dma_wait3A_328 = arith.constant 0 : i32
        %dma_wait3A_329 = tpu.memref_slice %arg15[%dma_wait3A_327, %dma_wait3A_328] : memref<2x64xi32, #tpu.memory_space<vmem>> -> memref<1x64xi32, #tpu.memory_space<vmem>>
        %dma_wait3A_330 = tpu.memref_squeeze %dma_wait3A_329 : memref<1x64xi32, #tpu.memory_space<vmem>> -> memref<64xi32, #tpu.memory_space<vmem>>
        %dma_wait3A_331 = arith.constant 0 : i32
        %dma_wait3A_332 = arith.constant 0 : i32
        %dma_wait3A_333 = tpu.memref_slice %arg9[%dma_wait3A_331, %dma_wait3A_332] : memref<10240x128xf32, #tpu.memory_space<vmem_shared>> -> memref<10240x128xf32, #tpu.memory_space<vmem_shared>>
        tpu.wait_indirect_dma semaphore(%arg32 : memref<!tpu.dma_semaphore, #tpu.memory_space<semaphore_mem>>) src(%arg19 : memref<64x128xf32, #tpu.memory_space<vmem>>) dst(%dma_wait3A_333 : memref<10240x128xf32, #tpu.memory_space<vmem_shared>>)
        %dma_wait3A_334 = arith.constant 1 : i32
        %dma_wait3A_335 = arith.constant 0 : i32
        %dma_wait3A_336 = tpu.memref_slice %arg15[%dma_wait3A_334, %dma_wait3A_335] : memref<2x64xi32, #tpu.memory_space<vmem>> -> memref<1x64xi32, #tpu.memory_space<vmem>>
        %dma_wait3A_337 = tpu.memref_squeeze %dma_wait3A_336 : memref<1x64xi32, #tpu.memory_space<vmem>> -> memref<64xi32, #tpu.memory_space<vmem>>
        %dma_wait3A_338 = arith.constant 0 : i32
        %dma_wait3A_339 = tpu.memref_slice %arg10[%dma_wait3A_338] : memref<10240xf32, #tpu.memory_space<vmem_shared>> -> memref<10240xf32, #tpu.memory_space<vmem_shared>>
        tpu.wait_indirect_dma semaphore(%arg32 : memref<!tpu.dma_semaphore, #tpu.memory_space<semaphore_mem>>) src(%arg20 : memref<64xf32, #tpu.memory_space<vmem>>) dst(%dma_wait3A_339 : memref<10240xf32, #tpu.memory_space<vmem_shared>>)
        %dma_wait3A_340 = arith.constant 0 : i32
        %dma_wait3A_341 = arith.constant 0 : i32
        %dma_wait3A_342 = tpu.memref_slice %arg15[%dma_wait3A_340, %dma_wait3A_341] : memref<2x64xi32, #tpu.memory_space<vmem>> -> memref<1x64xi32, #tpu.memory_space<vmem>>
        %dma_wait3A_343 = tpu.memref_squeeze %dma_wait3A_342 : memref<1x64xi32, #tpu.memory_space<vmem>> -> memref<64xi32, #tpu.memory_space<vmem>>
        %dma_wait3A_344 = arith.constant 0 : i32
        %dma_wait3A_345 = tpu.memref_slice %arg11[%dma_wait3A_344] : memref<10240xf32, #tpu.memory_space<vmem_shared>> -> memref<10240xf32, #tpu.memory_space<vmem_shared>>
        tpu.wait_indirect_dma semaphore(%arg32 : memref<!tpu.dma_semaphore, #tpu.memory_space<semaphore_mem>>) src(%arg20 : memref<64xf32, #tpu.memory_space<vmem>>) dst(%dma_wait3A_345 : memref<10240xf32, #tpu.memory_space<vmem_shared>>)
      } else {
      }
      %add3A_195 = arith.constant 2 : i32
      %add3A_196 = arith.addi %add3A_189, %add3A_195 : i32
      %lt3A_197 = arith.cmpi slt, %add3A_196, %select_n3A : i32
      %convert_element_type3A_198 = arith.extui %lt3A_197 : i1 to i32
      %cond3A_199 = arith.constant 0 : i32
      %cond3A_200 = arith.cmpi ne, %convert_element_type3A_198, %cond3A_199 : i32
      scf.if %cond3A_200 {
        %add3A_327 = arith.addi %select_n3A_8, %add3A_189 : i32
        %add3A_328 = arith.constant 2 : i32
        %add3A_329 = arith.addi %add3A_327, %add3A_328 : i32
        %dma_start3A_330 = arith.constant 0 : i32
        %dma_start3A_331 = arith.constant 0 : i32
        %dma_start3A_332 = tpu.memref_slice %arg3[%add3A_329, %dma_start3A_330, %dma_start3A_331] : memref<5056x2x64xi32, #tpu.memory_space<hbm>> -> memref<1x2x64xi32, #tpu.memory_space<hbm>>
        %dma_start3A_333 = tpu.memref_squeeze %dma_start3A_332 : memref<1x2x64xi32, #tpu.memory_space<hbm>> -> memref<2x64xi32, #tpu.memory_space<hbm>>
        %dma_start3A_334 = arith.constant 0 : i32
        %dma_start3A_335 = arith.constant 0 : i32
        %dma_start3A_336 = tpu.memref_slice %arg3[%add3A_329, %dma_start3A_334, %dma_start3A_335] : memref<5056x2x64xi32, #tpu.memory_space<hbm>> -> memref<1x2x64xi32, #tpu.memory_space<hbm>>
        %dma_start3A_337 = tpu.memref_squeeze %dma_start3A_336 : memref<1x2x64xi32, #tpu.memory_space<hbm>> -> memref<2x64xi32, #tpu.memory_space<hbm>>
        tpu.enqueue_dma source(%dma_start3A_337 : memref<2x64xi32, #tpu.memory_space<hbm>>) target(%arg15 : memref<2x64xi32, #tpu.memory_space<vmem>>) target_semaphore(%arg24 : memref<!tpu.dma_semaphore, #tpu.memory_space<semaphore_mem>>)
      } else {
      }
      %add3A_201 = arith.constant 1 : i32
      %add3A_202 = arith.addi %add3A_189, %add3A_201 : i32
      %lt3A_203 = arith.cmpi slt, %add3A_202, %select_n3A : i32
      %convert_element_type3A_204 = arith.extui %lt3A_203 : i1 to i32
      %cond3A_205 = arith.constant 0 : i32
      %cond3A_206 = arith.cmpi ne, %convert_element_type3A_204, %cond3A_205 : i32
      scf.if %cond3A_206 {
        %add3A_327 = arith.addi %select_n3A_8, %add3A_189 : i32
        %add3A_328 = arith.constant 1 : i32
        %add3A_329 = arith.addi %add3A_327, %add3A_328 : i32
        %dma_wait3A_330 = arith.constant 0 : i32
        %dma_wait3A_331 = arith.constant 0 : i32
        %dma_wait3A_332 = tpu.memref_slice %arg3[%add3A_329, %dma_wait3A_330, %dma_wait3A_331] : memref<5056x2x64xi32, #tpu.memory_space<hbm>> -> memref<1x2x64xi32, #tpu.memory_space<hbm>>
        %dma_wait3A_333 = tpu.memref_squeeze %dma_wait3A_332 : memref<1x2x64xi32, #tpu.memory_space<hbm>> -> memref<2x64xi32, #tpu.memory_space<hbm>>
        %dma_wait3A_334 = arith.constant 0 : i32
        %dma_wait3A_335 = arith.constant 0 : i32
        %dma_wait3A_336 = tpu.memref_slice %arg3[%add3A_329, %dma_wait3A_334, %dma_wait3A_335] : memref<5056x2x64xi32, #tpu.memory_space<hbm>> -> memref<1x2x64xi32, #tpu.memory_space<hbm>>
        %dma_wait3A_337 = tpu.memref_squeeze %dma_wait3A_336 : memref<1x2x64xi32, #tpu.memory_space<hbm>> -> memref<2x64xi32, #tpu.memory_space<hbm>>
        tpu.wait_dma2 semaphore(%arg23 : memref<!tpu.dma_semaphore, #tpu.memory_space<semaphore_mem>>) src(%dma_wait3A_337 : memref<2x64xi32, #tpu.memory_space<hbm>>) dst(%arg14 : memref<2x64xi32, #tpu.memory_space<vmem>>)
        %dma_start3A_338 = arith.constant 0 : i32
        %dma_start3A_339 = arith.constant 0 : i32
        %dma_start3A_340 = tpu.memref_slice %arg14[%dma_start3A_338, %dma_start3A_339] : memref<2x64xi32, #tpu.memory_space<vmem>> -> memref<1x64xi32, #tpu.memory_space<vmem>>
        %dma_start3A_341 = tpu.memref_squeeze %dma_start3A_340 : memref<1x64xi32, #tpu.memory_space<vmem>> -> memref<64xi32, #tpu.memory_space<vmem>>
        %dma_start3A_342 = arith.constant 0 : i32
        %dma_start3A_343 = arith.constant 0 : i32
        %dma_start3A_344 = tpu.memref_slice %arg2[%dma_start3A_342, %dma_start3A_343] : memref<10240x128xf32, #tpu.memory_space<hbm>> -> memref<10240x128xf32, #tpu.memory_space<hbm>>
        tpu.enqueue_indirect_dma source(%dma_start3A_344 : memref<10240x128xf32, #tpu.memory_space<hbm>>) target(%arg18 : memref<64x128xf32, #tpu.memory_space<vmem>>) offsets(%dma_start3A_341 : memref<64xi32, #tpu.memory_space<vmem>>) semaphore(%arg27 : memref<!tpu.dma_semaphore, #tpu.memory_space<semaphore_mem>>)
      } else {
      }
      %dma_wait3A_207 = arith.constant 0 : i32
      %dma_wait3A_208 = arith.constant 0 : i32
      %dma_wait3A_209 = tpu.memref_slice %arg13[%dma_wait3A_207, %dma_wait3A_208] : memref<2x64xi32, #tpu.memory_space<vmem>> -> memref<1x64xi32, #tpu.memory_space<vmem>>
      %dma_wait3A_210 = tpu.memref_squeeze %dma_wait3A_209 : memref<1x64xi32, #tpu.memory_space<vmem>> -> memref<64xi32, #tpu.memory_space<vmem>>
      %dma_wait3A_211 = arith.constant 0 : i32
      %dma_wait3A_212 = arith.constant 0 : i32
      %dma_wait3A_213 = tpu.memref_slice %arg2[%dma_wait3A_211, %dma_wait3A_212] : memref<10240x128xf32, #tpu.memory_space<hbm>> -> memref<10240x128xf32, #tpu.memory_space<hbm>>
      tpu.wait_indirect_dma semaphore(%arg26 : memref<!tpu.dma_semaphore, #tpu.memory_space<semaphore_mem>>) src(%dma_wait3A_213 : memref<10240x128xf32, #tpu.memory_space<hbm>>) dst(%arg17 : memref<64x128xf32, #tpu.memory_space<vmem>>)
      %dma_start3A_214 = arith.constant 1 : i32
      %dma_start3A_215 = arith.constant 0 : i32
      %dma_start3A_216 = tpu.memref_slice %arg13[%dma_start3A_214, %dma_start3A_215] : memref<2x64xi32, #tpu.memory_space<vmem>> -> memref<1x64xi32, #tpu.memory_space<vmem>>
      %dma_start3A_217 = tpu.memref_squeeze %dma_start3A_216 : memref<1x64xi32, #tpu.memory_space<vmem>> -> memref<64xi32, #tpu.memory_space<vmem>>
      %dma_start3A_218 = arith.constant 0 : i32
      %dma_start3A_219 = arith.constant 0 : i32
      %dma_start3A_220 = tpu.memref_slice %arg9[%dma_start3A_218, %dma_start3A_219] : memref<10240x128xf32, #tpu.memory_space<vmem_shared>> -> memref<10240x128xf32, #tpu.memory_space<vmem_shared>>
      tpu.enqueue_indirect_dma source(%arg17 : memref<64x128xf32, #tpu.memory_space<vmem>>) target(%dma_start3A_220 : memref<10240x128xf32, #tpu.memory_space<vmem_shared>>) offsets(%dma_start3A_217 : memref<64xi32, #tpu.memory_space<vmem>>) semaphore(%arg30 : memref<!tpu.dma_semaphore, #tpu.memory_space<semaphore_mem>>) {add = true}
      %dma_start3A_221 = arith.constant 1 : i32
      %dma_start3A_222 = arith.constant 0 : i32
      %dma_start3A_223 = tpu.memref_slice %arg13[%dma_start3A_221, %dma_start3A_222] : memref<2x64xi32, #tpu.memory_space<vmem>> -> memref<1x64xi32, #tpu.memory_space<vmem>>
      %dma_start3A_224 = tpu.memref_squeeze %dma_start3A_223 : memref<1x64xi32, #tpu.memory_space<vmem>> -> memref<64xi32, #tpu.memory_space<vmem>>
      %dma_start3A_225 = arith.constant 0 : i32
      %dma_start3A_226 = tpu.memref_slice %arg10[%dma_start3A_225] : memref<10240xf32, #tpu.memory_space<vmem_shared>> -> memref<10240xf32, #tpu.memory_space<vmem_shared>>
      tpu.enqueue_indirect_dma source(%arg20 : memref<64xf32, #tpu.memory_space<vmem>>) target(%dma_start3A_226 : memref<10240xf32, #tpu.memory_space<vmem_shared>>) offsets(%dma_start3A_224 : memref<64xi32, #tpu.memory_space<vmem>>) semaphore(%arg30 : memref<!tpu.dma_semaphore, #tpu.memory_space<semaphore_mem>>) {add = true}
      %dma_start3A_227 = arith.constant 0 : i32
      %dma_start3A_228 = arith.constant 0 : i32
      %dma_start3A_229 = tpu.memref_slice %arg13[%dma_start3A_227, %dma_start3A_228] : memref<2x64xi32, #tpu.memory_space<vmem>> -> memref<1x64xi32, #tpu.memory_space<vmem>>
      %dma_start3A_230 = tpu.memref_squeeze %dma_start3A_229 : memref<1x64xi32, #tpu.memory_space<vmem>> -> memref<64xi32, #tpu.memory_space<vmem>>
      %dma_start3A_231 = arith.constant 0 : i32
      %dma_start3A_232 = tpu.memref_slice %arg11[%dma_start3A_231] : memref<10240xf32, #tpu.memory_space<vmem_shared>> -> memref<10240xf32, #tpu.memory_space<vmem_shared>>
      tpu.enqueue_indirect_dma source(%arg20 : memref<64xf32, #tpu.memory_space<vmem>>) target(%dma_start3A_232 : memref<10240xf32, #tpu.memory_space<vmem_shared>>) offsets(%dma_start3A_230 : memref<64xi32, #tpu.memory_space<vmem>>) semaphore(%arg30 : memref<!tpu.dma_semaphore, #tpu.memory_space<semaphore_mem>>) {add = true}
      %mul3A_233 = arith.constant 4 : i32
      %mul3A_234 = arith.muli %mul3A_233, %while3A_142 : i32
      %add3A_235 = arith.constant 2 : i32
      %add3A_236 = arith.addi %mul3A_234, %add3A_235 : i32
      %ge3A_237 = arith.constant 2 : i32
      %ge3A_238 = arith.cmpi sge, %add3A_236, %ge3A_237 : i32
      %convert_element_type3A_239 = arith.extui %ge3A_238 : i1 to i32
      %cond3A_240 = arith.constant 0 : i32
      %cond3A_241 = arith.cmpi ne, %convert_element_type3A_239, %cond3A_240 : i32
      scf.if %cond3A_241 {
        %dma_wait3A_327 = arith.constant 1 : i32
        %dma_wait3A_328 = arith.constant 0 : i32
        %dma_wait3A_329 = tpu.memref_slice %arg12[%dma_wait3A_327, %dma_wait3A_328] : memref<2x64xi32, #tpu.memory_space<vmem>> -> memref<1x64xi32, #tpu.memory_space<vmem>>
        %dma_wait3A_330 = tpu.memref_squeeze %dma_wait3A_329 : memref<1x64xi32, #tpu.memory_space<vmem>> -> memref<64xi32, #tpu.memory_space<vmem>>
        %dma_wait3A_331 = arith.constant 0 : i32
        %dma_wait3A_332 = arith.constant 0 : i32
        %dma_wait3A_333 = tpu.memref_slice %arg9[%dma_wait3A_331, %dma_wait3A_332] : memref<10240x128xf32, #tpu.memory_space<vmem_shared>> -> memref<10240x128xf32, #tpu.memory_space<vmem_shared>>
        tpu.wait_indirect_dma semaphore(%arg29 : memref<!tpu.dma_semaphore, #tpu.memory_space<semaphore_mem>>) src(%arg16 : memref<64x128xf32, #tpu.memory_space<vmem>>) dst(%dma_wait3A_333 : memref<10240x128xf32, #tpu.memory_space<vmem_shared>>)
        %dma_wait3A_334 = arith.constant 1 : i32
        %dma_wait3A_335 = arith.constant 0 : i32
        %dma_wait3A_336 = tpu.memref_slice %arg12[%dma_wait3A_334, %dma_wait3A_335] : memref<2x64xi32, #tpu.memory_space<vmem>> -> memref<1x64xi32, #tpu.memory_space<vmem>>
        %dma_wait3A_337 = tpu.memref_squeeze %dma_wait3A_336 : memref<1x64xi32, #tpu.memory_space<vmem>> -> memref<64xi32, #tpu.memory_space<vmem>>
        %dma_wait3A_338 = arith.constant 0 : i32
        %dma_wait3A_339 = tpu.memref_slice %arg10[%dma_wait3A_338] : memref<10240xf32, #tpu.memory_space<vmem_shared>> -> memref<10240xf32, #tpu.memory_space<vmem_shared>>
        tpu.wait_indirect_dma semaphore(%arg29 : memref<!tpu.dma_semaphore, #tpu.memory_space<semaphore_mem>>) src(%arg20 : memref<64xf32, #tpu.memory_space<vmem>>) dst(%dma_wait3A_339 : memref<10240xf32, #tpu.memory_space<vmem_shared>>)
        %dma_wait3A_340 = arith.constant 0 : i32
        %dma_wait3A_341 = arith.constant 0 : i32
        %dma_wait3A_342 = tpu.memref_slice %arg12[%dma_wait3A_340, %dma_wait3A_341] : memref<2x64xi32, #tpu.memory_space<vmem>> -> memref<1x64xi32, #tpu.memory_space<vmem>>
        %dma_wait3A_343 = tpu.memref_squeeze %dma_wait3A_342 : memref<1x64xi32, #tpu.memory_space<vmem>> -> memref<64xi32, #tpu.memory_space<vmem>>
        %dma_wait3A_344 = arith.constant 0 : i32
        %dma_wait3A_345 = tpu.memref_slice %arg11[%dma_wait3A_344] : memref<10240xf32, #tpu.memory_space<vmem_shared>> -> memref<10240xf32, #tpu.memory_space<vmem_shared>>
        tpu.wait_indirect_dma semaphore(%arg29 : memref<!tpu.dma_semaphore, #tpu.memory_space<semaphore_mem>>) src(%arg20 : memref<64xf32, #tpu.memory_space<vmem>>) dst(%dma_wait3A_345 : memref<10240xf32, #tpu.memory_space<vmem_shared>>)
      } else {
      }
      %add3A_242 = arith.constant 2 : i32
      %add3A_243 = arith.addi %add3A_236, %add3A_242 : i32
      %lt3A_244 = arith.cmpi slt, %add3A_243, %select_n3A : i32
      %convert_element_type3A_245 = arith.extui %lt3A_244 : i1 to i32
      %cond3A_246 = arith.constant 0 : i32
      %cond3A_247 = arith.cmpi ne, %convert_element_type3A_245, %cond3A_246 : i32
      scf.if %cond3A_247 {
        %add3A_327 = arith.addi %select_n3A_8, %add3A_236 : i32
        %add3A_328 = arith.constant 2 : i32
        %add3A_329 = arith.addi %add3A_327, %add3A_328 : i32
        %dma_start3A_330 = arith.constant 0 : i32
        %dma_start3A_331 = arith.constant 0 : i32
        %dma_start3A_332 = tpu.memref_slice %arg3[%add3A_329, %dma_start3A_330, %dma_start3A_331] : memref<5056x2x64xi32, #tpu.memory_space<hbm>> -> memref<1x2x64xi32, #tpu.memory_space<hbm>>
        %dma_start3A_333 = tpu.memref_squeeze %dma_start3A_332 : memref<1x2x64xi32, #tpu.memory_space<hbm>> -> memref<2x64xi32, #tpu.memory_space<hbm>>
        %dma_start3A_334 = arith.constant 0 : i32
        %dma_start3A_335 = arith.constant 0 : i32
        %dma_start3A_336 = tpu.memref_slice %arg3[%add3A_329, %dma_start3A_334, %dma_start3A_335] : memref<5056x2x64xi32, #tpu.memory_space<hbm>> -> memref<1x2x64xi32, #tpu.memory_space<hbm>>
        %dma_start3A_337 = tpu.memref_squeeze %dma_start3A_336 : memref<1x2x64xi32, #tpu.memory_space<hbm>> -> memref<2x64xi32, #tpu.memory_space<hbm>>
        tpu.enqueue_dma source(%dma_start3A_337 : memref<2x64xi32, #tpu.memory_space<hbm>>) target(%arg12 : memref<2x64xi32, #tpu.memory_space<vmem>>) target_semaphore(%arg21 : memref<!tpu.dma_semaphore, #tpu.memory_space<semaphore_mem>>)
      } else {
      }
      %add3A_248 = arith.constant 1 : i32
      %add3A_249 = arith.addi %add3A_236, %add3A_248 : i32
      %lt3A_250 = arith.cmpi slt, %add3A_249, %select_n3A : i32
      %convert_element_type3A_251 = arith.extui %lt3A_250 : i1 to i32
      %cond3A_252 = arith.constant 0 : i32
      %cond3A_253 = arith.cmpi ne, %convert_element_type3A_251, %cond3A_252 : i32
      scf.if %cond3A_253 {
        %add3A_327 = arith.addi %select_n3A_8, %add3A_236 : i32
        %add3A_328 = arith.constant 1 : i32
        %add3A_329 = arith.addi %add3A_327, %add3A_328 : i32
        %dma_wait3A_330 = arith.constant 0 : i32
        %dma_wait3A_331 = arith.constant 0 : i32
        %dma_wait3A_332 = tpu.memref_slice %arg3[%add3A_329, %dma_wait3A_330, %dma_wait3A_331] : memref<5056x2x64xi32, #tpu.memory_space<hbm>> -> memref<1x2x64xi32, #tpu.memory_space<hbm>>
        %dma_wait3A_333 = tpu.memref_squeeze %dma_wait3A_332 : memref<1x2x64xi32, #tpu.memory_space<hbm>> -> memref<2x64xi32, #tpu.memory_space<hbm>>
        %dma_wait3A_334 = arith.constant 0 : i32
        %dma_wait3A_335 = arith.constant 0 : i32
        %dma_wait3A_336 = tpu.memref_slice %arg3[%add3A_329, %dma_wait3A_334, %dma_wait3A_335] : memref<5056x2x64xi32, #tpu.memory_space<hbm>> -> memref<1x2x64xi32, #tpu.memory_space<hbm>>
        %dma_wait3A_337 = tpu.memref_squeeze %dma_wait3A_336 : memref<1x2x64xi32, #tpu.memory_space<hbm>> -> memref<2x64xi32, #tpu.memory_space<hbm>>
        tpu.wait_dma2 semaphore(%arg24 : memref<!tpu.dma_semaphore, #tpu.memory_space<semaphore_mem>>) src(%dma_wait3A_337 : memref<2x64xi32, #tpu.memory_space<hbm>>) dst(%arg15 : memref<2x64xi32, #tpu.memory_space<vmem>>)
        %dma_start3A_338 = arith.constant 0 : i32
        %dma_start3A_339 = arith.constant 0 : i32
        %dma_start3A_340 = tpu.memref_slice %arg15[%dma_start3A_338, %dma_start3A_339] : memref<2x64xi32, #tpu.memory_space<vmem>> -> memref<1x64xi32, #tpu.memory_space<vmem>>
        %dma_start3A_341 = tpu.memref_squeeze %dma_start3A_340 : memref<1x64xi32, #tpu.memory_space<vmem>> -> memref<64xi32, #tpu.memory_space<vmem>>
        %dma_start3A_342 = arith.constant 0 : i32
        %dma_start3A_343 = arith.constant 0 : i32
        %dma_start3A_344 = tpu.memref_slice %arg2[%dma_start3A_342, %dma_start3A_343] : memref<10240x128xf32, #tpu.memory_space<hbm>> -> memref<10240x128xf32, #tpu.memory_space<hbm>>
        tpu.enqueue_indirect_dma source(%dma_start3A_344 : memref<10240x128xf32, #tpu.memory_space<hbm>>) target(%arg19 : memref<64x128xf32, #tpu.memory_space<vmem>>) offsets(%dma_start3A_341 : memref<64xi32, #tpu.memory_space<vmem>>) semaphore(%arg28 : memref<!tpu.dma_semaphore, #tpu.memory_space<semaphore_mem>>)
      } else {
      }
      %dma_wait3A_254 = arith.constant 0 : i32
      %dma_wait3A_255 = arith.constant 0 : i32
      %dma_wait3A_256 = tpu.memref_slice %arg14[%dma_wait3A_254, %dma_wait3A_255] : memref<2x64xi32, #tpu.memory_space<vmem>> -> memref<1x64xi32, #tpu.memory_space<vmem>>
      %dma_wait3A_257 = tpu.memref_squeeze %dma_wait3A_256 : memref<1x64xi32, #tpu.memory_space<vmem>> -> memref<64xi32, #tpu.memory_space<vmem>>
      %dma_wait3A_258 = arith.constant 0 : i32
      %dma_wait3A_259 = arith.constant 0 : i32
      %dma_wait3A_260 = tpu.memref_slice %arg2[%dma_wait3A_258, %dma_wait3A_259] : memref<10240x128xf32, #tpu.memory_space<hbm>> -> memref<10240x128xf32, #tpu.memory_space<hbm>>
      tpu.wait_indirect_dma semaphore(%arg27 : memref<!tpu.dma_semaphore, #tpu.memory_space<semaphore_mem>>) src(%dma_wait3A_260 : memref<10240x128xf32, #tpu.memory_space<hbm>>) dst(%arg18 : memref<64x128xf32, #tpu.memory_space<vmem>>)
      %dma_start3A_261 = arith.constant 1 : i32
      %dma_start3A_262 = arith.constant 0 : i32
      %dma_start3A_263 = tpu.memref_slice %arg14[%dma_start3A_261, %dma_start3A_262] : memref<2x64xi32, #tpu.memory_space<vmem>> -> memref<1x64xi32, #tpu.memory_space<vmem>>
      %dma_start3A_264 = tpu.memref_squeeze %dma_start3A_263 : memref<1x64xi32, #tpu.memory_space<vmem>> -> memref<64xi32, #tpu.memory_space<vmem>>
      %dma_start3A_265 = arith.constant 0 : i32
      %dma_start3A_266 = arith.constant 0 : i32
      %dma_start3A_267 = tpu.memref_slice %arg9[%dma_start3A_265, %dma_start3A_266] : memref<10240x128xf32, #tpu.memory_space<vmem_shared>> -> memref<10240x128xf32, #tpu.memory_space<vmem_shared>>
      tpu.enqueue_indirect_dma source(%arg18 : memref<64x128xf32, #tpu.memory_space<vmem>>) target(%dma_start3A_267 : memref<10240x128xf32, #tpu.memory_space<vmem_shared>>) offsets(%dma_start3A_264 : memref<64xi32, #tpu.memory_space<vmem>>) semaphore(%arg31 : memref<!tpu.dma_semaphore, #tpu.memory_space<semaphore_mem>>) {add = true}
      %dma_start3A_268 = arith.constant 1 : i32
      %dma_start3A_269 = arith.constant 0 : i32
      %dma_start3A_270 = tpu.memref_slice %arg14[%dma_start3A_268, %dma_start3A_269] : memref<2x64xi32, #tpu.memory_space<vmem>> -> memref<1x64xi32, #tpu.memory_space<vmem>>
      %dma_start3A_271 = tpu.memref_squeeze %dma_start3A_270 : memref<1x64xi32, #tpu.memory_space<vmem>> -> memref<64xi32, #tpu.memory_space<vmem>>
      %dma_start3A_272 = arith.constant 0 : i32
      %dma_start3A_273 = tpu.memref_slice %arg10[%dma_start3A_272] : memref<10240xf32, #tpu.memory_space<vmem_shared>> -> memref<10240xf32, #tpu.memory_space<vmem_shared>>
      tpu.enqueue_indirect_dma source(%arg20 : memref<64xf32, #tpu.memory_space<vmem>>) target(%dma_start3A_273 : memref<10240xf32, #tpu.memory_space<vmem_shared>>) offsets(%dma_start3A_271 : memref<64xi32, #tpu.memory_space<vmem>>) semaphore(%arg31 : memref<!tpu.dma_semaphore, #tpu.memory_space<semaphore_mem>>) {add = true}
      %dma_start3A_274 = arith.constant 0 : i32
      %dma_start3A_275 = arith.constant 0 : i32
      %dma_start3A_276 = tpu.memref_slice %arg14[%dma_start3A_274, %dma_start3A_275] : memref<2x64xi32, #tpu.memory_space<vmem>> -> memref<1x64xi32, #tpu.memory_space<vmem>>
      %dma_start3A_277 = tpu.memref_squeeze %dma_start3A_276 : memref<1x64xi32, #tpu.memory_space<vmem>> -> memref<64xi32, #tpu.memory_space<vmem>>
      %dma_start3A_278 = arith.constant 0 : i32
      %dma_start3A_279 = tpu.memref_slice %arg11[%dma_start3A_278] : memref<10240xf32, #tpu.memory_space<vmem_shared>> -> memref<10240xf32, #tpu.memory_space<vmem_shared>>
      tpu.enqueue_indirect_dma source(%arg20 : memref<64xf32, #tpu.memory_space<vmem>>) target(%dma_start3A_279 : memref<10240xf32, #tpu.memory_space<vmem_shared>>) offsets(%dma_start3A_277 : memref<64xi32, #tpu.memory_space<vmem>>) semaphore(%arg31 : memref<!tpu.dma_semaphore, #tpu.memory_space<semaphore_mem>>) {add = true}
      %mul3A_280 = arith.constant 4 : i32
      %mul3A_281 = arith.muli %mul3A_280, %while3A_142 : i32
      %add3A_282 = arith.constant 3 : i32
      %add3A_283 = arith.addi %mul3A_281, %add3A_282 : i32
      %ge3A_284 = arith.constant 2 : i32
      %ge3A_285 = arith.cmpi sge, %add3A_283, %ge3A_284 : i32
      %convert_element_type3A_286 = arith.extui %ge3A_285 : i1 to i32
      %cond3A_287 = arith.constant 0 : i32
      %cond3A_288 = arith.cmpi ne, %convert_element_type3A_286, %cond3A_287 : i32
      scf.if %cond3A_288 {
        %dma_wait3A_327 = arith.constant 1 : i32
        %dma_wait3A_328 = arith.constant 0 : i32
        %dma_wait3A_329 = tpu.memref_slice %arg13[%dma_wait3A_327, %dma_wait3A_328] : memref<2x64xi32, #tpu.memory_space<vmem>> -> memref<1x64xi32, #tpu.memory_space<vmem>>
        %dma_wait3A_330 = tpu.memref_squeeze %dma_wait3A_329 : memref<1x64xi32, #tpu.memory_space<vmem>> -> memref<64xi32, #tpu.memory_space<vmem>>
        %dma_wait3A_331 = arith.constant 0 : i32
        %dma_wait3A_332 = arith.constant 0 : i32
        %dma_wait3A_333 = tpu.memref_slice %arg9[%dma_wait3A_331, %dma_wait3A_332] : memref<10240x128xf32, #tpu.memory_space<vmem_shared>> -> memref<10240x128xf32, #tpu.memory_space<vmem_shared>>
        tpu.wait_indirect_dma semaphore(%arg30 : memref<!tpu.dma_semaphore, #tpu.memory_space<semaphore_mem>>) src(%arg17 : memref<64x128xf32, #tpu.memory_space<vmem>>) dst(%dma_wait3A_333 : memref<10240x128xf32, #tpu.memory_space<vmem_shared>>)
        %dma_wait3A_334 = arith.constant 1 : i32
        %dma_wait3A_335 = arith.constant 0 : i32
        %dma_wait3A_336 = tpu.memref_slice %arg13[%dma_wait3A_334, %dma_wait3A_335] : memref<2x64xi32, #tpu.memory_space<vmem>> -> memref<1x64xi32, #tpu.memory_space<vmem>>
        %dma_wait3A_337 = tpu.memref_squeeze %dma_wait3A_336 : memref<1x64xi32, #tpu.memory_space<vmem>> -> memref<64xi32, #tpu.memory_space<vmem>>
        %dma_wait3A_338 = arith.constant 0 : i32
        %dma_wait3A_339 = tpu.memref_slice %arg10[%dma_wait3A_338] : memref<10240xf32, #tpu.memory_space<vmem_shared>> -> memref<10240xf32, #tpu.memory_space<vmem_shared>>
        tpu.wait_indirect_dma semaphore(%arg30 : memref<!tpu.dma_semaphore, #tpu.memory_space<semaphore_mem>>) src(%arg20 : memref<64xf32, #tpu.memory_space<vmem>>) dst(%dma_wait3A_339 : memref<10240xf32, #tpu.memory_space<vmem_shared>>)
        %dma_wait3A_340 = arith.constant 0 : i32
        %dma_wait3A_341 = arith.constant 0 : i32
        %dma_wait3A_342 = tpu.memref_slice %arg13[%dma_wait3A_340, %dma_wait3A_341] : memref<2x64xi32, #tpu.memory_space<vmem>> -> memref<1x64xi32, #tpu.memory_space<vmem>>
        %dma_wait3A_343 = tpu.memref_squeeze %dma_wait3A_342 : memref<1x64xi32, #tpu.memory_space<vmem>> -> memref<64xi32, #tpu.memory_space<vmem>>
        %dma_wait3A_344 = arith.constant 0 : i32
        %dma_wait3A_345 = tpu.memref_slice %arg11[%dma_wait3A_344] : memref<10240xf32, #tpu.memory_space<vmem_shared>> -> memref<10240xf32, #tpu.memory_space<vmem_shared>>
        tpu.wait_indirect_dma semaphore(%arg30 : memref<!tpu.dma_semaphore, #tpu.memory_space<semaphore_mem>>) src(%arg20 : memref<64xf32, #tpu.memory_space<vmem>>) dst(%dma_wait3A_345 : memref<10240xf32, #tpu.memory_space<vmem_shared>>)
      } else {
      }
      %add3A_289 = arith.constant 2 : i32
      %add3A_290 = arith.addi %add3A_283, %add3A_289 : i32
      %lt3A_291 = arith.cmpi slt, %add3A_290, %select_n3A : i32
      %convert_element_type3A_292 = arith.extui %lt3A_291 : i1 to i32
      %cond3A_293 = arith.constant 0 : i32
      %cond3A_294 = arith.cmpi ne, %convert_element_type3A_292, %cond3A_293 : i32
      scf.if %cond3A_294 {
        %add3A_327 = arith.addi %select_n3A_8, %add3A_283 : i32
        %add3A_328 = arith.constant 2 : i32
        %add3A_329 = arith.addi %add3A_327, %add3A_328 : i32
        %dma_start3A_330 = arith.constant 0 : i32
        %dma_start3A_331 = arith.constant 0 : i32
        %dma_start3A_332 = tpu.memref_slice %arg3[%add3A_329, %dma_start3A_330, %dma_start3A_331] : memref<5056x2x64xi32, #tpu.memory_space<hbm>> -> memref<1x2x64xi32, #tpu.memory_space<hbm>>
        %dma_start3A_333 = tpu.memref_squeeze %dma_start3A_332 : memref<1x2x64xi32, #tpu.memory_space<hbm>> -> memref<2x64xi32, #tpu.memory_space<hbm>>
        %dma_start3A_334 = arith.constant 0 : i32
        %dma_start3A_335 = arith.constant 0 : i32
        %dma_start3A_336 = tpu.memref_slice %arg3[%add3A_329, %dma_start3A_334, %dma_start3A_335] : memref<5056x2x64xi32, #tpu.memory_space<hbm>> -> memref<1x2x64xi32, #tpu.memory_space<hbm>>
        %dma_start3A_337 = tpu.memref_squeeze %dma_start3A_336 : memref<1x2x64xi32, #tpu.memory_space<hbm>> -> memref<2x64xi32, #tpu.memory_space<hbm>>
        tpu.enqueue_dma source(%dma_start3A_337 : memref<2x64xi32, #tpu.memory_space<hbm>>) target(%arg13 : memref<2x64xi32, #tpu.memory_space<vmem>>) target_semaphore(%arg22 : memref<!tpu.dma_semaphore, #tpu.memory_space<semaphore_mem>>)
      } else {
      }
      %add3A_295 = arith.constant 1 : i32
      %add3A_296 = arith.addi %add3A_283, %add3A_295 : i32
      %lt3A_297 = arith.cmpi slt, %add3A_296, %select_n3A : i32
      %convert_element_type3A_298 = arith.extui %lt3A_297 : i1 to i32
      %cond3A_299 = arith.constant 0 : i32
      %cond3A_300 = arith.cmpi ne, %convert_element_type3A_298, %cond3A_299 : i32
      scf.if %cond3A_300 {
        %add3A_327 = arith.addi %select_n3A_8, %add3A_283 : i32
        %add3A_328 = arith.constant 1 : i32
        %add3A_329 = arith.addi %add3A_327, %add3A_328 : i32
        %dma_wait3A_330 = arith.constant 0 : i32
        %dma_wait3A_331 = arith.constant 0 : i32
        %dma_wait3A_332 = tpu.memref_slice %arg3[%add3A_329, %dma_wait3A_330, %dma_wait3A_331] : memref<5056x2x64xi32, #tpu.memory_space<hbm>> -> memref<1x2x64xi32, #tpu.memory_space<hbm>>
        %dma_wait3A_333 = tpu.memref_squeeze %dma_wait3A_332 : memref<1x2x64xi32, #tpu.memory_space<hbm>> -> memref<2x64xi32, #tpu.memory_space<hbm>>
        %dma_wait3A_334 = arith.constant 0 : i32
        %dma_wait3A_335 = arith.constant 0 : i32
        %dma_wait3A_336 = tpu.memref_slice %arg3[%add3A_329, %dma_wait3A_334, %dma_wait3A_335] : memref<5056x2x64xi32, #tpu.memory_space<hbm>> -> memref<1x2x64xi32, #tpu.memory_space<hbm>>
        %dma_wait3A_337 = tpu.memref_squeeze %dma_wait3A_336 : memref<1x2x64xi32, #tpu.memory_space<hbm>> -> memref<2x64xi32, #tpu.memory_space<hbm>>
        tpu.wait_dma2 semaphore(%arg21 : memref<!tpu.dma_semaphore, #tpu.memory_space<semaphore_mem>>) src(%dma_wait3A_337 : memref<2x64xi32, #tpu.memory_space<hbm>>) dst(%arg12 : memref<2x64xi32, #tpu.memory_space<vmem>>)
        %dma_start3A_338 = arith.constant 0 : i32
        %dma_start3A_339 = arith.constant 0 : i32
        %dma_start3A_340 = tpu.memref_slice %arg12[%dma_start3A_338, %dma_start3A_339] : memref<2x64xi32, #tpu.memory_space<vmem>> -> memref<1x64xi32, #tpu.memory_space<vmem>>
        %dma_start3A_341 = tpu.memref_squeeze %dma_start3A_340 : memref<1x64xi32, #tpu.memory_space<vmem>> -> memref<64xi32, #tpu.memory_space<vmem>>
        %dma_start3A_342 = arith.constant 0 : i32
        %dma_start3A_343 = arith.constant 0 : i32
        %dma_start3A_344 = tpu.memref_slice %arg2[%dma_start3A_342, %dma_start3A_343] : memref<10240x128xf32, #tpu.memory_space<hbm>> -> memref<10240x128xf32, #tpu.memory_space<hbm>>
        tpu.enqueue_indirect_dma source(%dma_start3A_344 : memref<10240x128xf32, #tpu.memory_space<hbm>>) target(%arg16 : memref<64x128xf32, #tpu.memory_space<vmem>>) offsets(%dma_start3A_341 : memref<64xi32, #tpu.memory_space<vmem>>) semaphore(%arg25 : memref<!tpu.dma_semaphore, #tpu.memory_space<semaphore_mem>>)
      } else {
      }
      %dma_wait3A_301 = arith.constant 0 : i32
      %dma_wait3A_302 = arith.constant 0 : i32
      %dma_wait3A_303 = tpu.memref_slice %arg15[%dma_wait3A_301, %dma_wait3A_302] : memref<2x64xi32, #tpu.memory_space<vmem>> -> memref<1x64xi32, #tpu.memory_space<vmem>>
      %dma_wait3A_304 = tpu.memref_squeeze %dma_wait3A_303 : memref<1x64xi32, #tpu.memory_space<vmem>> -> memref<64xi32, #tpu.memory_space<vmem>>
      %dma_wait3A_305 = arith.constant 0 : i32
      %dma_wait3A_306 = arith.constant 0 : i32
      %dma_wait3A_307 = tpu.memref_slice %arg2[%dma_wait3A_305, %dma_wait3A_306] : memref<10240x128xf32, #tpu.memory_space<hbm>> -> memref<10240x128xf32, #tpu.memory_space<hbm>>
      tpu.wait_indirect_dma semaphore(%arg28 : memref<!tpu.dma_semaphore, #tpu.memory_space<semaphore_mem>>) src(%dma_wait3A_307 : memref<10240x128xf32, #tpu.memory_space<hbm>>) dst(%arg19 : memref<64x128xf32, #tpu.memory_space<vmem>>)
      %dma_start3A_308 = arith.constant 1 : i32
      %dma_start3A_309 = arith.constant 0 : i32
      %dma_start3A_310 = tpu.memref_slice %arg15[%dma_start3A_308, %dma_start3A_309] : memref<2x64xi32, #tpu.memory_space<vmem>> -> memref<1x64xi32, #tpu.memory_space<vmem>>
      %dma_start3A_311 = tpu.memref_squeeze %dma_start3A_310 : memref<1x64xi32, #tpu.memory_space<vmem>> -> memref<64xi32, #tpu.memory_space<vmem>>
      %dma_start3A_312 = arith.constant 0 : i32
      %dma_start3A_313 = arith.constant 0 : i32
      %dma_start3A_314 = tpu.memref_slice %arg9[%dma_start3A_312, %dma_start3A_313] : memref<10240x128xf32, #tpu.memory_space<vmem_shared>> -> memref<10240x128xf32, #tpu.memory_space<vmem_shared>>
      tpu.enqueue_indirect_dma source(%arg19 : memref<64x128xf32, #tpu.memory_space<vmem>>) target(%dma_start3A_314 : memref<10240x128xf32, #tpu.memory_space<vmem_shared>>) offsets(%dma_start3A_311 : memref<64xi32, #tpu.memory_space<vmem>>) semaphore(%arg32 : memref<!tpu.dma_semaphore, #tpu.memory_space<semaphore_mem>>) {add = true}
      %dma_start3A_315 = arith.constant 1 : i32
      %dma_start3A_316 = arith.constant 0 : i32
      %dma_start3A_317 = tpu.memref_slice %arg15[%dma_start3A_315, %dma_start3A_316] : memref<2x64xi32, #tpu.memory_space<vmem>> -> memref<1x64xi32, #tpu.memory_space<vmem>>
      %dma_start3A_318 = tpu.memref_squeeze %dma_start3A_317 : memref<1x64xi32, #tpu.memory_space<vmem>> -> memref<64xi32, #tpu.memory_space<vmem>>
      %dma_start3A_319 = arith.constant 0 : i32
      %dma_start3A_320 = tpu.memref_slice %arg10[%dma_start3A_319] : memref<10240xf32, #tpu.memory_space<vmem_shared>> -> memref<10240xf32, #tpu.memory_space<vmem_shared>>
      tpu.enqueue_indirect_dma source(%arg20 : memref<64xf32, #tpu.memory_space<vmem>>) target(%dma_start3A_320 : memref<10240xf32, #tpu.memory_space<vmem_shared>>) offsets(%dma_start3A_318 : memref<64xi32, #tpu.memory_space<vmem>>) semaphore(%arg32 : memref<!tpu.dma_semaphore, #tpu.memory_space<semaphore_mem>>) {add = true}
      %dma_start3A_321 = arith.constant 0 : i32
      %dma_start3A_322 = arith.constant 0 : i32
      %dma_start3A_323 = tpu.memref_slice %arg15[%dma_start3A_321, %dma_start3A_322] : memref<2x64xi32, #tpu.memory_space<vmem>> -> memref<1x64xi32, #tpu.memory_space<vmem>>
      %dma_start3A_324 = tpu.memref_squeeze %dma_start3A_323 : memref<1x64xi32, #tpu.memory_space<vmem>> -> memref<64xi32, #tpu.memory_space<vmem>>
      %dma_start3A_325 = arith.constant 0 : i32
      %dma_start3A_326 = tpu.memref_slice %arg11[%dma_start3A_325] : memref<10240xf32, #tpu.memory_space<vmem_shared>> -> memref<10240xf32, #tpu.memory_space<vmem_shared>>
      tpu.enqueue_indirect_dma source(%arg20 : memref<64xf32, #tpu.memory_space<vmem>>) target(%dma_start3A_326 : memref<10240xf32, #tpu.memory_space<vmem_shared>>) offsets(%dma_start3A_324 : memref<64xi32, #tpu.memory_space<vmem>>) semaphore(%arg32 : memref<!tpu.dma_semaphore, #tpu.memory_space<semaphore_mem>>) {add = true}
    }
    %while3A_100 = arith.constant 1 : i32
    scf.for %while3A_142 = %while3A_98 to %while3A_94 step %while3A_100  : i32 {
      %mul3A_143 = arith.constant 4 : i32
      %mul3A_144 = arith.muli %mul3A_143, %while3A_142 : i32
      %add3A_145 = arith.constant 0 : i32
      %add3A_146 = arith.addi %mul3A_144, %add3A_145 : i32
      %ge3A = arith.constant 2 : i32
      %ge3A_147 = arith.cmpi sge, %add3A_146, %ge3A : i32
      %convert_element_type3A = arith.extui %ge3A_147 : i1 to i32
      %cond3A = arith.constant 0 : i32
      %cond3A_148 = arith.cmpi ne, %convert_element_type3A, %cond3A : i32
      scf.if %cond3A_148 {
        %dma_wait3A_327 = arith.constant 1 : i32
        %dma_wait3A_328 = arith.constant 0 : i32
        %dma_wait3A_329 = tpu.memref_slice %arg14[%dma_wait3A_327, %dma_wait3A_328] : memref<2x64xi32, #tpu.memory_space<vmem>> -> memref<1x64xi32, #tpu.memory_space<vmem>>
        %dma_wait3A_330 = tpu.memref_squeeze %dma_wait3A_329 : memref<1x64xi32, #tpu.memory_space<vmem>> -> memref<64xi32, #tpu.memory_space<vmem>>
        %dma_wait3A_331 = arith.constant 0 : i32
        %dma_wait3A_332 = arith.constant 0 : i32
        %dma_wait3A_333 = tpu.memref_slice %arg9[%dma_wait3A_331, %dma_wait3A_332] : memref<10240x128xf32, #tpu.memory_space<vmem_shared>> -> memref<10240x128xf32, #tpu.memory_space<vmem_shared>>
        tpu.wait_indirect_dma semaphore(%arg31 : memref<!tpu.dma_semaphore, #tpu.memory_space<semaphore_mem>>) src(%arg18 : memref<64x128xf32, #tpu.memory_space<vmem>>) dst(%dma_wait3A_333 : memref<10240x128xf32, #tpu.memory_space<vmem_shared>>)
        %dma_wait3A_334 = arith.constant 1 : i32
        %dma_wait3A_335 = arith.constant 0 : i32
        %dma_wait3A_336 = tpu.memref_slice %arg14[%dma_wait3A_334, %dma_wait3A_335] : memref<2x64xi32, #tpu.memory_space<vmem>> -> memref<1x64xi32, #tpu.memory_space<vmem>>
        %dma_wait3A_337 = tpu.memref_squeeze %dma_wait3A_336 : memref<1x64xi32, #tpu.memory_space<vmem>> -> memref<64xi32, #tpu.memory_space<vmem>>
        %dma_wait3A_338 = arith.constant 0 : i32
        %dma_wait3A_339 = tpu.memref_slice %arg10[%dma_wait3A_338] : memref<10240xf32, #tpu.memory_space<vmem_shared>> -> memref<10240xf32, #tpu.memory_space<vmem_shared>>
        tpu.wait_indirect_dma semaphore(%arg31 : memref<!tpu.dma_semaphore, #tpu.memory_space<semaphore_mem>>) src(%arg20 : memref<64xf32, #tpu.memory_space<vmem>>) dst(%dma_wait3A_339 : memref<10240xf32, #tpu.memory_space<vmem_shared>>)
        %dma_wait3A_340 = arith.constant 0 : i32
        %dma_wait3A_341 = arith.constant 0 : i32
        %dma_wait3A_342 = tpu.memref_slice %arg14[%dma_wait3A_340, %dma_wait3A_341] : memref<2x64xi32, #tpu.memory_space<vmem>> -> memref<1x64xi32, #tpu.memory_space<vmem>>
        %dma_wait3A_343 = tpu.memref_squeeze %dma_wait3A_342 : memref<1x64xi32, #tpu.memory_space<vmem>> -> memref<64xi32, #tpu.memory_space<vmem>>
        %dma_wait3A_344 = arith.constant 0 : i32
        %dma_wait3A_345 = tpu.memref_slice %arg11[%dma_wait3A_344] : memref<10240xf32, #tpu.memory_space<vmem_shared>> -> memref<10240xf32, #tpu.memory_space<vmem_shared>>
        tpu.wait_indirect_dma semaphore(%arg31 : memref<!tpu.dma_semaphore, #tpu.memory_space<semaphore_mem>>) src(%arg20 : memref<64xf32, #tpu.memory_space<vmem>>) dst(%dma_wait3A_345 : memref<10240xf32, #tpu.memory_space<vmem_shared>>)
      } else {
      }
      %add3A_149 = arith.constant 2 : i32
      %add3A_150 = arith.addi %add3A_146, %add3A_149 : i32
      %lt3A = arith.cmpi slt, %add3A_150, %select_n3A : i32
      %convert_element_type3A_151 = arith.extui %lt3A : i1 to i32
      %cond3A_152 = arith.constant 0 : i32
      %cond3A_153 = arith.cmpi ne, %convert_element_type3A_151, %cond3A_152 : i32
      scf.if %cond3A_153 {
        %add3A_327 = arith.addi %select_n3A_8, %add3A_146 : i32
        %add3A_328 = arith.constant 2 : i32
        %add3A_329 = arith.addi %add3A_327, %add3A_328 : i32
        %dma_start3A_330 = arith.constant 0 : i32
        %dma_start3A_331 = arith.constant 0 : i32
        %dma_start3A_332 = tpu.memref_slice %arg3[%add3A_329, %dma_start3A_330, %dma_start3A_331] : memref<5056x2x64xi32, #tpu.memory_space<hbm>> -> memref<1x2x64xi32, #tpu.memory_space<hbm>>
        %dma_start3A_333 = tpu.memref_squeeze %dma_start3A_332 : memref<1x2x64xi32, #tpu.memory_space<hbm>> -> memref<2x64xi32, #tpu.memory_space<hbm>>
        %dma_start3A_334 = arith.constant 0 : i32
        %dma_start3A_335 = arith.constant 0 : i32
        %dma_start3A_336 = tpu.memref_slice %arg3[%add3A_329, %dma_start3A_334, %dma_start3A_335] : memref<5056x2x64xi32, #tpu.memory_space<hbm>> -> memref<1x2x64xi32, #tpu.memory_space<hbm>>
        %dma_start3A_337 = tpu.memref_squeeze %dma_start3A_336 : memref<1x2x64xi32, #tpu.memory_space<hbm>> -> memref<2x64xi32, #tpu.memory_space<hbm>>
        tpu.enqueue_dma source(%dma_start3A_337 : memref<2x64xi32, #tpu.memory_space<hbm>>) target(%arg14 : memref<2x64xi32, #tpu.memory_space<vmem>>) target_semaphore(%arg23 : memref<!tpu.dma_semaphore, #tpu.memory_space<semaphore_mem>>)
      } else {
      }
      %add3A_154 = arith.constant 1 : i32
      %add3A_155 = arith.addi %add3A_146, %add3A_154 : i32
      %lt3A_156 = arith.cmpi slt, %add3A_155, %select_n3A : i32
      %convert_element_type3A_157 = arith.extui %lt3A_156 : i1 to i32
      %cond3A_158 = arith.constant 0 : i32
      %cond3A_159 = arith.cmpi ne, %convert_element_type3A_157, %cond3A_158 : i32
      scf.if %cond3A_159 {
        %add3A_327 = arith.addi %select_n3A_8, %add3A_146 : i32
        %add3A_328 = arith.constant 1 : i32
        %add3A_329 = arith.addi %add3A_327, %add3A_328 : i32
        %dma_wait3A_330 = arith.constant 0 : i32
        %dma_wait3A_331 = arith.constant 0 : i32
        %dma_wait3A_332 = tpu.memref_slice %arg3[%add3A_329, %dma_wait3A_330, %dma_wait3A_331] : memref<5056x2x64xi32, #tpu.memory_space<hbm>> -> memref<1x2x64xi32, #tpu.memory_space<hbm>>
        %dma_wait3A_333 = tpu.memref_squeeze %dma_wait3A_332 : memref<1x2x64xi32, #tpu.memory_space<hbm>> -> memref<2x64xi32, #tpu.memory_space<hbm>>
        %dma_wait3A_334 = arith.constant 0 : i32
        %dma_wait3A_335 = arith.constant 0 : i32
        %dma_wait3A_336 = tpu.memref_slice %arg3[%add3A_329, %dma_wait3A_334, %dma_wait3A_335] : memref<5056x2x64xi32, #tpu.memory_space<hbm>> -> memref<1x2x64xi32, #tpu.memory_space<hbm>>
        %dma_wait3A_337 = tpu.memref_squeeze %dma_wait3A_336 : memref<1x2x64xi32, #tpu.memory_space<hbm>> -> memref<2x64xi32, #tpu.memory_space<hbm>>
        tpu.wait_dma2 semaphore(%arg22 : memref<!tpu.dma_semaphore, #tpu.memory_space<semaphore_mem>>) src(%dma_wait3A_337 : memref<2x64xi32, #tpu.memory_space<hbm>>) dst(%arg13 : memref<2x64xi32, #tpu.memory_space<vmem>>)
        %dma_start3A_338 = arith.constant 0 : i32
        %dma_start3A_339 = arith.constant 0 : i32
        %dma_start3A_340 = tpu.memref_slice %arg13[%dma_start3A_338, %dma_start3A_339] : memref<2x64xi32, #tpu.memory_space<vmem>> -> memref<1x64xi32, #tpu.memory_space<vmem>>
        %dma_start3A_341 = tpu.memref_squeeze %dma_start3A_340 : memref<1x64xi32, #tpu.memory_space<vmem>> -> memref<64xi32, #tpu.memory_space<vmem>>
        %dma_start3A_342 = arith.constant 0 : i32
        %dma_start3A_343 = arith.constant 0 : i32
        %dma_start3A_344 = tpu.memref_slice %arg2[%dma_start3A_342, %dma_start3A_343] : memref<10240x128xf32, #tpu.memory_space<hbm>> -> memref<10240x128xf32, #tpu.memory_space<hbm>>
        tpu.enqueue_indirect_dma source(%dma_start3A_344 : memref<10240x128xf32, #tpu.memory_space<hbm>>) target(%arg17 : memref<64x128xf32, #tpu.memory_space<vmem>>) offsets(%dma_start3A_341 : memref<64xi32, #tpu.memory_space<vmem>>) semaphore(%arg26 : memref<!tpu.dma_semaphore, #tpu.memory_space<semaphore_mem>>)
      } else {
      }
      %dma_wait3A_160 = arith.constant 0 : i32
      %dma_wait3A_161 = arith.constant 0 : i32
      %dma_wait3A_162 = tpu.memref_slice %arg12[%dma_wait3A_160, %dma_wait3A_161] : memref<2x64xi32, #tpu.memory_space<vmem>> -> memref<1x64xi32, #tpu.memory_space<vmem>>
      %dma_wait3A_163 = tpu.memref_squeeze %dma_wait3A_162 : memref<1x64xi32, #tpu.memory_space<vmem>> -> memref<64xi32, #tpu.memory_space<vmem>>
      %dma_wait3A_164 = arith.constant 0 : i32
      %dma_wait3A_165 = arith.constant 0 : i32
      %dma_wait3A_166 = tpu.memref_slice %arg2[%dma_wait3A_164, %dma_wait3A_165] : memref<10240x128xf32, #tpu.memory_space<hbm>> -> memref<10240x128xf32, #tpu.memory_space<hbm>>
      tpu.wait_indirect_dma semaphore(%arg25 : memref<!tpu.dma_semaphore, #tpu.memory_space<semaphore_mem>>) src(%dma_wait3A_166 : memref<10240x128xf32, #tpu.memory_space<hbm>>) dst(%arg16 : memref<64x128xf32, #tpu.memory_space<vmem>>)
      %dma_start3A_167 = arith.constant 1 : i32
      %dma_start3A_168 = arith.constant 0 : i32
      %dma_start3A_169 = tpu.memref_slice %arg12[%dma_start3A_167, %dma_start3A_168] : memref<2x64xi32, #tpu.memory_space<vmem>> -> memref<1x64xi32, #tpu.memory_space<vmem>>
      %dma_start3A_170 = tpu.memref_squeeze %dma_start3A_169 : memref<1x64xi32, #tpu.memory_space<vmem>> -> memref<64xi32, #tpu.memory_space<vmem>>
      %dma_start3A_171 = arith.constant 0 : i32
      %dma_start3A_172 = arith.constant 0 : i32
      %dma_start3A_173 = tpu.memref_slice %arg9[%dma_start3A_171, %dma_start3A_172] : memref<10240x128xf32, #tpu.memory_space<vmem_shared>> -> memref<10240x128xf32, #tpu.memory_space<vmem_shared>>
      tpu.enqueue_indirect_dma source(%arg16 : memref<64x128xf32, #tpu.memory_space<vmem>>) target(%dma_start3A_173 : memref<10240x128xf32, #tpu.memory_space<vmem_shared>>) offsets(%dma_start3A_170 : memref<64xi32, #tpu.memory_space<vmem>>) semaphore(%arg29 : memref<!tpu.dma_semaphore, #tpu.memory_space<semaphore_mem>>) {add = true}
      %dma_start3A_174 = arith.constant 1 : i32
      %dma_start3A_175 = arith.constant 0 : i32
      %dma_start3A_176 = tpu.memref_slice %arg12[%dma_start3A_174, %dma_start3A_175] : memref<2x64xi32, #tpu.memory_space<vmem>> -> memref<1x64xi32, #tpu.memory_space<vmem>>
      %dma_start3A_177 = tpu.memref_squeeze %dma_start3A_176 : memref<1x64xi32, #tpu.memory_space<vmem>> -> memref<64xi32, #tpu.memory_space<vmem>>
      %dma_start3A_178 = arith.constant 0 : i32
      %dma_start3A_179 = tpu.memref_slice %arg10[%dma_start3A_178] : memref<10240xf32, #tpu.memory_space<vmem_shared>> -> memref<10240xf32, #tpu.memory_space<vmem_shared>>
      tpu.enqueue_indirect_dma source(%arg20 : memref<64xf32, #tpu.memory_space<vmem>>) target(%dma_start3A_179 : memref<10240xf32, #tpu.memory_space<vmem_shared>>) offsets(%dma_start3A_177 : memref<64xi32, #tpu.memory_space<vmem>>) semaphore(%arg29 : memref<!tpu.dma_semaphore, #tpu.memory_space<semaphore_mem>>) {add = true}
      %dma_start3A_180 = arith.constant 0 : i32
      %dma_start3A_181 = arith.constant 0 : i32
      %dma_start3A_182 = tpu.memref_slice %arg12[%dma_start3A_180, %dma_start3A_181] : memref<2x64xi32, #tpu.memory_space<vmem>> -> memref<1x64xi32, #tpu.memory_space<vmem>>
      %dma_start3A_183 = tpu.memref_squeeze %dma_start3A_182 : memref<1x64xi32, #tpu.memory_space<vmem>> -> memref<64xi32, #tpu.memory_space<vmem>>
      %dma_start3A_184 = arith.constant 0 : i32
      %dma_start3A_185 = tpu.memref_slice %arg11[%dma_start3A_184] : memref<10240xf32, #tpu.memory_space<vmem_shared>> -> memref<10240xf32, #tpu.memory_space<vmem_shared>>
      tpu.enqueue_indirect_dma source(%arg20 : memref<64xf32, #tpu.memory_space<vmem>>) target(%dma_start3A_185 : memref<10240xf32, #tpu.memory_space<vmem_shared>>) offsets(%dma_start3A_183 : memref<64xi32, #tpu.memory_space<vmem>>) semaphore(%arg29 : memref<!tpu.dma_semaphore, #tpu.memory_space<semaphore_mem>>) {add = true}
      %mul3A_186 = arith.constant 4 : i32
      %mul3A_187 = arith.muli %mul3A_186, %while3A_142 : i32
      %add3A_188 = arith.constant 1 : i32
      %add3A_189 = arith.addi %mul3A_187, %add3A_188 : i32
      %ge3A_190 = arith.constant 2 : i32
      %ge3A_191 = arith.cmpi sge, %add3A_189, %ge3A_190 : i32
      %convert_element_type3A_192 = arith.extui %ge3A_191 : i1 to i32
      %cond3A_193 = arith.constant 0 : i32
      %cond3A_194 = arith.cmpi ne, %convert_element_type3A_192, %cond3A_193 : i32
      scf.if %cond3A_194 {
        %dma_wait3A_327 = arith.constant 1 : i32
        %dma_wait3A_328 = arith.constant 0 : i32
        %dma_wait3A_329 = tpu.memref_slice %arg15[%dma_wait3A_327, %dma_wait3A_328] : memref<2x64xi32, #tpu.memory_space<vmem>> -> memref<1x64xi32, #tpu.memory_space<vmem>>
        %dma_wait3A_330 = tpu.memref_squeeze %dma_wait3A_329 : memref<1x64xi32, #tpu.memory_space<vmem>> -> memref<64xi32, #tpu.memory_space<vmem>>
        %dma_wait3A_331 = arith.constant 0 : i32
        %dma_wait3A_332 = arith.constant 0 : i32
        %dma_wait3A_333 = tpu.memref_slice %arg9[%dma_wait3A_331, %dma_wait3A_332] : memref<10240x128xf32, #tpu.memory_space<vmem_shared>> -> memref<10240x128xf32, #tpu.memory_space<vmem_shared>>
        tpu.wait_indirect_dma semaphore(%arg32 : memref<!tpu.dma_semaphore, #tpu.memory_space<semaphore_mem>>) src(%arg19 : memref<64x128xf32, #tpu.memory_space<vmem>>) dst(%dma_wait3A_333 : memref<10240x128xf32, #tpu.memory_space<vmem_shared>>)
        %dma_wait3A_334 = arith.constant 1 : i32
        %dma_wait3A_335 = arith.constant 0 : i32
        %dma_wait3A_336 = tpu.memref_slice %arg15[%dma_wait3A_334, %dma_wait3A_335] : memref<2x64xi32, #tpu.memory_space<vmem>> -> memref<1x64xi32, #tpu.memory_space<vmem>>
        %dma_wait3A_337 = tpu.memref_squeeze %dma_wait3A_336 : memref<1x64xi32, #tpu.memory_space<vmem>> -> memref<64xi32, #tpu.memory_space<vmem>>
        %dma_wait3A_338 = arith.constant 0 : i32
        %dma_wait3A_339 = tpu.memref_slice %arg10[%dma_wait3A_338] : memref<10240xf32, #tpu.memory_space<vmem_shared>> -> memref<10240xf32, #tpu.memory_space<vmem_shared>>
        tpu.wait_indirect_dma semaphore(%arg32 : memref<!tpu.dma_semaphore, #tpu.memory_space<semaphore_mem>>) src(%arg20 : memref<64xf32, #tpu.memory_space<vmem>>) dst(%dma_wait3A_339 : memref<10240xf32, #tpu.memory_space<vmem_shared>>)
        %dma_wait3A_340 = arith.constant 0 : i32
        %dma_wait3A_341 = arith.constant 0 : i32
        %dma_wait3A_342 = tpu.memref_slice %arg15[%dma_wait3A_340, %dma_wait3A_341] : memref<2x64xi32, #tpu.memory_space<vmem>> -> memref<1x64xi32, #tpu.memory_space<vmem>>
        %dma_wait3A_343 = tpu.memref_squeeze %dma_wait3A_342 : memref<1x64xi32, #tpu.memory_space<vmem>> -> memref<64xi32, #tpu.memory_space<vmem>>
        %dma_wait3A_344 = arith.constant 0 : i32
        %dma_wait3A_345 = tpu.memref_slice %arg11[%dma_wait3A_344] : memref<10240xf32, #tpu.memory_space<vmem_shared>> -> memref<10240xf32, #tpu.memory_space<vmem_shared>>
        tpu.wait_indirect_dma semaphore(%arg32 : memref<!tpu.dma_semaphore, #tpu.memory_space<semaphore_mem>>) src(%arg20 : memref<64xf32, #tpu.memory_space<vmem>>) dst(%dma_wait3A_345 : memref<10240xf32, #tpu.memory_space<vmem_shared>>)
      } else {
      }
      %add3A_195 = arith.constant 2 : i32
      %add3A_196 = arith.addi %add3A_189, %add3A_195 : i32
      %lt3A_197 = arith.cmpi slt, %add3A_196, %select_n3A : i32
      %convert_element_type3A_198 = arith.extui %lt3A_197 : i1 to i32
      %cond3A_199 = arith.constant 0 : i32
      %cond3A_200 = arith.cmpi ne, %convert_element_type3A_198, %cond3A_199 : i32
      scf.if %cond3A_200 {
        %add3A_327 = arith.addi %select_n3A_8, %add3A_189 : i32
        %add3A_328 = arith.constant 2 : i32
        %add3A_329 = arith.addi %add3A_327, %add3A_328 : i32
        %dma_start3A_330 = arith.constant 0 : i32
        %dma_start3A_331 = arith.constant 0 : i32
        %dma_start3A_332 = tpu.memref_slice %arg3[%add3A_329, %dma_start3A_330, %dma_start3A_331] : memref<5056x2x64xi32, #tpu.memory_space<hbm>> -> memref<1x2x64xi32, #tpu.memory_space<hbm>>
        %dma_start3A_333 = tpu.memref_squeeze %dma_start3A_332 : memref<1x2x64xi32, #tpu.memory_space<hbm>> -> memref<2x64xi32, #tpu.memory_space<hbm>>
        %dma_start3A_334 = arith.constant 0 : i32
        %dma_start3A_335 = arith.constant 0 : i32
        %dma_start3A_336 = tpu.memref_slice %arg3[%add3A_329, %dma_start3A_334, %dma_start3A_335] : memref<5056x2x64xi32, #tpu.memory_space<hbm>> -> memref<1x2x64xi32, #tpu.memory_space<hbm>>
        %dma_start3A_337 = tpu.memref_squeeze %dma_start3A_336 : memref<1x2x64xi32, #tpu.memory_space<hbm>> -> memref<2x64xi32, #tpu.memory_space<hbm>>
        tpu.enqueue_dma source(%dma_start3A_337 : memref<2x64xi32, #tpu.memory_space<hbm>>) target(%arg15 : memref<2x64xi32, #tpu.memory_space<vmem>>) target_semaphore(%arg24 : memref<!tpu.dma_semaphore, #tpu.memory_space<semaphore_mem>>)
      } else {
      }
      %add3A_201 = arith.constant 1 : i32
      %add3A_202 = arith.addi %add3A_189, %add3A_201 : i32
      %lt3A_203 = arith.cmpi slt, %add3A_202, %select_n3A : i32
      %convert_element_type3A_204 = arith.extui %lt3A_203 : i1 to i32
      %cond3A_205 = arith.constant 0 : i32
      %cond3A_206 = arith.cmpi ne, %convert_element_type3A_204, %cond3A_205 : i32
      scf.if %cond3A_206 {
        %add3A_327 = arith.addi %select_n3A_8, %add3A_189 : i32
        %add3A_328 = arith.constant 1 : i32
        %add3A_329 = arith.addi %add3A_327, %add3A_328 : i32
        %dma_wait3A_330 = arith.constant 0 : i32
        %dma_wait3A_331 = arith.constant 0 : i32
        %dma_wait3A_332 = tpu.memref_slice %arg3[%add3A_329, %dma_wait3A_330, %dma_wait3A_331] : memref<5056x2x64xi32, #tpu.memory_space<hbm>> -> memref<1x2x64xi32, #tpu.memory_space<hbm>>
        %dma_wait3A_333 = tpu.memref_squeeze %dma_wait3A_332 : memref<1x2x64xi32, #tpu.memory_space<hbm>> -> memref<2x64xi32, #tpu.memory_space<hbm>>
        %dma_wait3A_334 = arith.constant 0 : i32
        %dma_wait3A_335 = arith.constant 0 : i32
        %dma_wait3A_336 = tpu.memref_slice %arg3[%add3A_329, %dma_wait3A_334, %dma_wait3A_335] : memref<5056x2x64xi32, #tpu.memory_space<hbm>> -> memref<1x2x64xi32, #tpu.memory_space<hbm>>
        %dma_wait3A_337 = tpu.memref_squeeze %dma_wait3A_336 : memref<1x2x64xi32, #tpu.memory_space<hbm>> -> memref<2x64xi32, #tpu.memory_space<hbm>>
        tpu.wait_dma2 semaphore(%arg23 : memref<!tpu.dma_semaphore, #tpu.memory_space<semaphore_mem>>) src(%dma_wait3A_337 : memref<2x64xi32, #tpu.memory_space<hbm>>) dst(%arg14 : memref<2x64xi32, #tpu.memory_space<vmem>>)
        %dma_start3A_338 = arith.constant 0 : i32
        %dma_start3A_339 = arith.constant 0 : i32
        %dma_start3A_340 = tpu.memref_slice %arg14[%dma_start3A_338, %dma_start3A_339] : memref<2x64xi32, #tpu.memory_space<vmem>> -> memref<1x64xi32, #tpu.memory_space<vmem>>
        %dma_start3A_341 = tpu.memref_squeeze %dma_start3A_340 : memref<1x64xi32, #tpu.memory_space<vmem>> -> memref<64xi32, #tpu.memory_space<vmem>>
        %dma_start3A_342 = arith.constant 0 : i32
        %dma_start3A_343 = arith.constant 0 : i32
        %dma_start3A_344 = tpu.memref_slice %arg2[%dma_start3A_342, %dma_start3A_343] : memref<10240x128xf32, #tpu.memory_space<hbm>> -> memref<10240x128xf32, #tpu.memory_space<hbm>>
        tpu.enqueue_indirect_dma source(%dma_start3A_344 : memref<10240x128xf32, #tpu.memory_space<hbm>>) target(%arg18 : memref<64x128xf32, #tpu.memory_space<vmem>>) offsets(%dma_start3A_341 : memref<64xi32, #tpu.memory_space<vmem>>) semaphore(%arg27 : memref<!tpu.dma_semaphore, #tpu.memory_space<semaphore_mem>>)
      } else {
      }
      %dma_wait3A_207 = arith.constant 0 : i32
      %dma_wait3A_208 = arith.constant 0 : i32
      %dma_wait3A_209 = tpu.memref_slice %arg13[%dma_wait3A_207, %dma_wait3A_208] : memref<2x64xi32, #tpu.memory_space<vmem>> -> memref<1x64xi32, #tpu.memory_space<vmem>>
      %dma_wait3A_210 = tpu.memref_squeeze %dma_wait3A_209 : memref<1x64xi32, #tpu.memory_space<vmem>> -> memref<64xi32, #tpu.memory_space<vmem>>
      %dma_wait3A_211 = arith.constant 0 : i32
      %dma_wait3A_212 = arith.constant 0 : i32
      %dma_wait3A_213 = tpu.memref_slice %arg2[%dma_wait3A_211, %dma_wait3A_212] : memref<10240x128xf32, #tpu.memory_space<hbm>> -> memref<10240x128xf32, #tpu.memory_space<hbm>>
      tpu.wait_indirect_dma semaphore(%arg26 : memref<!tpu.dma_semaphore, #tpu.memory_space<semaphore_mem>>) src(%dma_wait3A_213 : memref<10240x128xf32, #tpu.memory_space<hbm>>) dst(%arg17 : memref<64x128xf32, #tpu.memory_space<vmem>>)
      %dma_start3A_214 = arith.constant 1 : i32
      %dma_start3A_215 = arith.constant 0 : i32
      %dma_start3A_216 = tpu.memref_slice %arg13[%dma_start3A_214, %dma_start3A_215] : memref<2x64xi32, #tpu.memory_space<vmem>> -> memref<1x64xi32, #tpu.memory_space<vmem>>
      %dma_start3A_217 = tpu.memref_squeeze %dma_start3A_216 : memref<1x64xi32, #tpu.memory_space<vmem>> -> memref<64xi32, #tpu.memory_space<vmem>>
      %dma_start3A_218 = arith.constant 0 : i32
      %dma_start3A_219 = arith.constant 0 : i32
      %dma_start3A_220 = tpu.memref_slice %arg9[%dma_start3A_218, %dma_start3A_219] : memref<10240x128xf32, #tpu.memory_space<vmem_shared>> -> memref<10240x128xf32, #tpu.memory_space<vmem_shared>>
      tpu.enqueue_indirect_dma source(%arg17 : memref<64x128xf32, #tpu.memory_space<vmem>>) target(%dma_start3A_220 : memref<10240x128xf32, #tpu.memory_space<vmem_shared>>) offsets(%dma_start3A_217 : memref<64xi32, #tpu.memory_space<vmem>>) semaphore(%arg30 : memref<!tpu.dma_semaphore, #tpu.memory_space<semaphore_mem>>) {add = true}
      %dma_start3A_221 = arith.constant 1 : i32
      %dma_start3A_222 = arith.constant 0 : i32
      %dma_start3A_223 = tpu.memref_slice %arg13[%dma_start3A_221, %dma_start3A_222] : memref<2x64xi32, #tpu.memory_space<vmem>> -> memref<1x64xi32, #tpu.memory_space<vmem>>
      %dma_start3A_224 = tpu.memref_squeeze %dma_start3A_223 : memref<1x64xi32, #tpu.memory_space<vmem>> -> memref<64xi32, #tpu.memory_space<vmem>>
      %dma_start3A_225 = arith.constant 0 : i32
      %dma_start3A_226 = tpu.memref_slice %arg10[%dma_start3A_225] : memref<10240xf32, #tpu.memory_space<vmem_shared>> -> memref<10240xf32, #tpu.memory_space<vmem_shared>>
      tpu.enqueue_indirect_dma source(%arg20 : memref<64xf32, #tpu.memory_space<vmem>>) target(%dma_start3A_226 : memref<10240xf32, #tpu.memory_space<vmem_shared>>) offsets(%dma_start3A_224 : memref<64xi32, #tpu.memory_space<vmem>>) semaphore(%arg30 : memref<!tpu.dma_semaphore, #tpu.memory_space<semaphore_mem>>) {add = true}
      %dma_start3A_227 = arith.constant 0 : i32
      %dma_start3A_228 = arith.constant 0 : i32
      %dma_start3A_229 = tpu.memref_slice %arg13[%dma_start3A_227, %dma_start3A_228] : memref<2x64xi32, #tpu.memory_space<vmem>> -> memref<1x64xi32, #tpu.memory_space<vmem>>
      %dma_start3A_230 = tpu.memref_squeeze %dma_start3A_229 : memref<1x64xi32, #tpu.memory_space<vmem>> -> memref<64xi32, #tpu.memory_space<vmem>>
      %dma_start3A_231 = arith.constant 0 : i32
      %dma_start3A_232 = tpu.memref_slice %arg11[%dma_start3A_231] : memref<10240xf32, #tpu.memory_space<vmem_shared>> -> memref<10240xf32, #tpu.memory_space<vmem_shared>>
      tpu.enqueue_indirect_dma source(%arg20 : memref<64xf32, #tpu.memory_space<vmem>>) target(%dma_start3A_232 : memref<10240xf32, #tpu.memory_space<vmem_shared>>) offsets(%dma_start3A_230 : memref<64xi32, #tpu.memory_space<vmem>>) semaphore(%arg30 : memref<!tpu.dma_semaphore, #tpu.memory_space<semaphore_mem>>) {add = true}
      %mul3A_233 = arith.constant 4 : i32
      %mul3A_234 = arith.muli %mul3A_233, %while3A_142 : i32
      %add3A_235 = arith.constant 2 : i32
      %add3A_236 = arith.addi %mul3A_234, %add3A_235 : i32
      %ge3A_237 = arith.constant 2 : i32
      %ge3A_238 = arith.cmpi sge, %add3A_236, %ge3A_237 : i32
      %convert_element_type3A_239 = arith.extui %ge3A_238 : i1 to i32
      %cond3A_240 = arith.constant 0 : i32
      %cond3A_241 = arith.cmpi ne, %convert_element_type3A_239, %cond3A_240 : i32
      scf.if %cond3A_241 {
        %dma_wait3A_327 = arith.constant 1 : i32
        %dma_wait3A_328 = arith.constant 0 : i32
        %dma_wait3A_329 = tpu.memref_slice %arg12[%dma_wait3A_327, %dma_wait3A_328] : memref<2x64xi32, #tpu.memory_space<vmem>> -> memref<1x64xi32, #tpu.memory_space<vmem>>
        %dma_wait3A_330 = tpu.memref_squeeze %dma_wait3A_329 : memref<1x64xi32, #tpu.memory_space<vmem>> -> memref<64xi32, #tpu.memory_space<vmem>>
        %dma_wait3A_331 = arith.constant 0 : i32
        %dma_wait3A_332 = arith.constant 0 : i32
        %dma_wait3A_333 = tpu.memref_slice %arg9[%dma_wait3A_331, %dma_wait3A_332] : memref<10240x128xf32, #tpu.memory_space<vmem_shared>> -> memref<10240x128xf32, #tpu.memory_space<vmem_shared>>
        tpu.wait_indirect_dma semaphore(%arg29 : memref<!tpu.dma_semaphore, #tpu.memory_space<semaphore_mem>>) src(%arg16 : memref<64x128xf32, #tpu.memory_space<vmem>>) dst(%dma_wait3A_333 : memref<10240x128xf32, #tpu.memory_space<vmem_shared>>)
        %dma_wait3A_334 = arith.constant 1 : i32
        %dma_wait3A_335 = arith.constant 0 : i32
        %dma_wait3A_336 = tpu.memref_slice %arg12[%dma_wait3A_334, %dma_wait3A_335] : memref<2x64xi32, #tpu.memory_space<vmem>> -> memref<1x64xi32, #tpu.memory_space<vmem>>
        %dma_wait3A_337 = tpu.memref_squeeze %dma_wait3A_336 : memref<1x64xi32, #tpu.memory_space<vmem>> -> memref<64xi32, #tpu.memory_space<vmem>>
        %dma_wait3A_338 = arith.constant 0 : i32
        %dma_wait3A_339 = tpu.memref_slice %arg10[%dma_wait3A_338] : memref<10240xf32, #tpu.memory_space<vmem_shared>> -> memref<10240xf32, #tpu.memory_space<vmem_shared>>
        tpu.wait_indirect_dma semaphore(%arg29 : memref<!tpu.dma_semaphore, #tpu.memory_space<semaphore_mem>>) src(%arg20 : memref<64xf32, #tpu.memory_space<vmem>>) dst(%dma_wait3A_339 : memref<10240xf32, #tpu.memory_space<vmem_shared>>)
        %dma_wait3A_340 = arith.constant 0 : i32
        %dma_wait3A_341 = arith.constant 0 : i32
        %dma_wait3A_342 = tpu.memref_slice %arg12[%dma_wait3A_340, %dma_wait3A_341] : memref<2x64xi32, #tpu.memory_space<vmem>> -> memref<1x64xi32, #tpu.memory_space<vmem>>
        %dma_wait3A_343 = tpu.memref_squeeze %dma_wait3A_342 : memref<1x64xi32, #tpu.memory_space<vmem>> -> memref<64xi32, #tpu.memory_space<vmem>>
        %dma_wait3A_344 = arith.constant 0 : i32
        %dma_wait3A_345 = tpu.memref_slice %arg11[%dma_wait3A_344] : memref<10240xf32, #tpu.memory_space<vmem_shared>> -> memref<10240xf32, #tpu.memory_space<vmem_shared>>
        tpu.wait_indirect_dma semaphore(%arg29 : memref<!tpu.dma_semaphore, #tpu.memory_space<semaphore_mem>>) src(%arg20 : memref<64xf32, #tpu.memory_space<vmem>>) dst(%dma_wait3A_345 : memref<10240xf32, #tpu.memory_space<vmem_shared>>)
      } else {
      }
      %add3A_242 = arith.constant 2 : i32
      %add3A_243 = arith.addi %add3A_236, %add3A_242 : i32
      %lt3A_244 = arith.cmpi slt, %add3A_243, %select_n3A : i32
      %convert_element_type3A_245 = arith.extui %lt3A_244 : i1 to i32
      %cond3A_246 = arith.constant 0 : i32
      %cond3A_247 = arith.cmpi ne, %convert_element_type3A_245, %cond3A_246 : i32
      scf.if %cond3A_247 {
        %add3A_327 = arith.addi %select_n3A_8, %add3A_236 : i32
        %add3A_328 = arith.constant 2 : i32
        %add3A_329 = arith.addi %add3A_327, %add3A_328 : i32
        %dma_start3A_330 = arith.constant 0 : i32
        %dma_start3A_331 = arith.constant 0 : i32
        %dma_start3A_332 = tpu.memref_slice %arg3[%add3A_329, %dma_start3A_330, %dma_start3A_331] : memref<5056x2x64xi32, #tpu.memory_space<hbm>> -> memref<1x2x64xi32, #tpu.memory_space<hbm>>
        %dma_start3A_333 = tpu.memref_squeeze %dma_start3A_332 : memref<1x2x64xi32, #tpu.memory_space<hbm>> -> memref<2x64xi32, #tpu.memory_space<hbm>>
        %dma_start3A_334 = arith.constant 0 : i32
        %dma_start3A_335 = arith.constant 0 : i32
        %dma_start3A_336 = tpu.memref_slice %arg3[%add3A_329, %dma_start3A_334, %dma_start3A_335] : memref<5056x2x64xi32, #tpu.memory_space<hbm>> -> memref<1x2x64xi32, #tpu.memory_space<hbm>>
        %dma_start3A_337 = tpu.memref_squeeze %dma_start3A_336 : memref<1x2x64xi32, #tpu.memory_space<hbm>> -> memref<2x64xi32, #tpu.memory_space<hbm>>
        tpu.enqueue_dma source(%dma_start3A_337 : memref<2x64xi32, #tpu.memory_space<hbm>>) target(%arg12 : memref<2x64xi32, #tpu.memory_space<vmem>>) target_semaphore(%arg21 : memref<!tpu.dma_semaphore, #tpu.memory_space<semaphore_mem>>)
      } else {
      }
      %add3A_248 = arith.constant 1 : i32
      %add3A_249 = arith.addi %add3A_236, %add3A_248 : i32
      %lt3A_250 = arith.cmpi slt, %add3A_249, %select_n3A : i32
      %convert_element_type3A_251 = arith.extui %lt3A_250 : i1 to i32
      %cond3A_252 = arith.constant 0 : i32
      %cond3A_253 = arith.cmpi ne, %convert_element_type3A_251, %cond3A_252 : i32
      scf.if %cond3A_253 {
        %add3A_327 = arith.addi %select_n3A_8, %add3A_236 : i32
        %add3A_328 = arith.constant 1 : i32
        %add3A_329 = arith.addi %add3A_327, %add3A_328 : i32
        %dma_wait3A_330 = arith.constant 0 : i32
        %dma_wait3A_331 = arith.constant 0 : i32
        %dma_wait3A_332 = tpu.memref_slice %arg3[%add3A_329, %dma_wait3A_330, %dma_wait3A_331] : memref<5056x2x64xi32, #tpu.memory_space<hbm>> -> memref<1x2x64xi32, #tpu.memory_space<hbm>>
        %dma_wait3A_333 = tpu.memref_squeeze %dma_wait3A_332 : memref<1x2x64xi32, #tpu.memory_space<hbm>> -> memref<2x64xi32, #tpu.memory_space<hbm>>
        %dma_wait3A_334 = arith.constant 0 : i32
        %dma_wait3A_335 = arith.constant 0 : i32
        %dma_wait3A_336 = tpu.memref_slice %arg3[%add3A_329, %dma_wait3A_334, %dma_wait3A_335] : memref<5056x2x64xi32, #tpu.memory_space<hbm>> -> memref<1x2x64xi32, #tpu.memory_space<hbm>>
        %dma_wait3A_337 = tpu.memref_squeeze %dma_wait3A_336 : memref<1x2x64xi32, #tpu.memory_space<hbm>> -> memref<2x64xi32, #tpu.memory_space<hbm>>
        tpu.wait_dma2 semaphore(%arg24 : memref<!tpu.dma_semaphore, #tpu.memory_space<semaphore_mem>>) src(%dma_wait3A_337 : memref<2x64xi32, #tpu.memory_space<hbm>>) dst(%arg15 : memref<2x64xi32, #tpu.memory_space<vmem>>)
        %dma_start3A_338 = arith.constant 0 : i32
        %dma_start3A_339 = arith.constant 0 : i32
        %dma_start3A_340 = tpu.memref_slice %arg15[%dma_start3A_338, %dma_start3A_339] : memref<2x64xi32, #tpu.memory_space<vmem>> -> memref<1x64xi32, #tpu.memory_space<vmem>>
        %dma_start3A_341 = tpu.memref_squeeze %dma_start3A_340 : memref<1x64xi32, #tpu.memory_space<vmem>> -> memref<64xi32, #tpu.memory_space<vmem>>
        %dma_start3A_342 = arith.constant 0 : i32
        %dma_start3A_343 = arith.constant 0 : i32
        %dma_start3A_344 = tpu.memref_slice %arg2[%dma_start3A_342, %dma_start3A_343] : memref<10240x128xf32, #tpu.memory_space<hbm>> -> memref<10240x128xf32, #tpu.memory_space<hbm>>
        tpu.enqueue_indirect_dma source(%dma_start3A_344 : memref<10240x128xf32, #tpu.memory_space<hbm>>) target(%arg19 : memref<64x128xf32, #tpu.memory_space<vmem>>) offsets(%dma_start3A_341 : memref<64xi32, #tpu.memory_space<vmem>>) semaphore(%arg28 : memref<!tpu.dma_semaphore, #tpu.memory_space<semaphore_mem>>)
      } else {
      }
      %dma_wait3A_254 = arith.constant 0 : i32
      %dma_wait3A_255 = arith.constant 0 : i32
      %dma_wait3A_256 = tpu.memref_slice %arg14[%dma_wait3A_254, %dma_wait3A_255] : memref<2x64xi32, #tpu.memory_space<vmem>> -> memref<1x64xi32, #tpu.memory_space<vmem>>
      %dma_wait3A_257 = tpu.memref_squeeze %dma_wait3A_256 : memref<1x64xi32, #tpu.memory_space<vmem>> -> memref<64xi32, #tpu.memory_space<vmem>>
      %dma_wait3A_258 = arith.constant 0 : i32
      %dma_wait3A_259 = arith.constant 0 : i32
      %dma_wait3A_260 = tpu.memref_slice %arg2[%dma_wait3A_258, %dma_wait3A_259] : memref<10240x128xf32, #tpu.memory_space<hbm>> -> memref<10240x128xf32, #tpu.memory_space<hbm>>
      tpu.wait_indirect_dma semaphore(%arg27 : memref<!tpu.dma_semaphore, #tpu.memory_space<semaphore_mem>>) src(%dma_wait3A_260 : memref<10240x128xf32, #tpu.memory_space<hbm>>) dst(%arg18 : memref<64x128xf32, #tpu.memory_space<vmem>>)
      %dma_start3A_261 = arith.constant 1 : i32
      %dma_start3A_262 = arith.constant 0 : i32
      %dma_start3A_263 = tpu.memref_slice %arg14[%dma_start3A_261, %dma_start3A_262] : memref<2x64xi32, #tpu.memory_space<vmem>> -> memref<1x64xi32, #tpu.memory_space<vmem>>
      %dma_start3A_264 = tpu.memref_squeeze %dma_start3A_263 : memref<1x64xi32, #tpu.memory_space<vmem>> -> memref<64xi32, #tpu.memory_space<vmem>>
      %dma_start3A_265 = arith.constant 0 : i32
      %dma_start3A_266 = arith.constant 0 : i32
      %dma_start3A_267 = tpu.memref_slice %arg9[%dma_start3A_265, %dma_start3A_266] : memref<10240x128xf32, #tpu.memory_space<vmem_shared>> -> memref<10240x128xf32, #tpu.memory_space<vmem_shared>>
      tpu.enqueue_indirect_dma source(%arg18 : memref<64x128xf32, #tpu.memory_space<vmem>>) target(%dma_start3A_267 : memref<10240x128xf32, #tpu.memory_space<vmem_shared>>) offsets(%dma_start3A_264 : memref<64xi32, #tpu.memory_space<vmem>>) semaphore(%arg31 : memref<!tpu.dma_semaphore, #tpu.memory_space<semaphore_mem>>) {add = true}
      %dma_start3A_268 = arith.constant 1 : i32
      %dma_start3A_269 = arith.constant 0 : i32
      %dma_start3A_270 = tpu.memref_slice %arg14[%dma_start3A_268, %dma_start3A_269] : memref<2x64xi32, #tpu.memory_space<vmem>> -> memref<1x64xi32, #tpu.memory_space<vmem>>
      %dma_start3A_271 = tpu.memref_squeeze %dma_start3A_270 : memref<1x64xi32, #tpu.memory_space<vmem>> -> memref<64xi32, #tpu.memory_space<vmem>>
      %dma_start3A_272 = arith.constant 0 : i32
      %dma_start3A_273 = tpu.memref_slice %arg10[%dma_start3A_272] : memref<10240xf32, #tpu.memory_space<vmem_shared>> -> memref<10240xf32, #tpu.memory_space<vmem_shared>>
      tpu.enqueue_indirect_dma source(%arg20 : memref<64xf32, #tpu.memory_space<vmem>>) target(%dma_start3A_273 : memref<10240xf32, #tpu.memory_space<vmem_shared>>) offsets(%dma_start3A_271 : memref<64xi32, #tpu.memory_space<vmem>>) semaphore(%arg31 : memref<!tpu.dma_semaphore, #tpu.memory_space<semaphore_mem>>) {add = true}
      %dma_start3A_274 = arith.constant 0 : i32
      %dma_start3A_275 = arith.constant 0 : i32
      %dma_start3A_276 = tpu.memref_slice %arg14[%dma_start3A_274, %dma_start3A_275] : memref<2x64xi32, #tpu.memory_space<vmem>> -> memref<1x64xi32, #tpu.memory_space<vmem>>
      %dma_start3A_277 = tpu.memref_squeeze %dma_start3A_276 : memref<1x64xi32, #tpu.memory_space<vmem>> -> memref<64xi32, #tpu.memory_space<vmem>>
      %dma_start3A_278 = arith.constant 0 : i32
      %dma_start3A_279 = tpu.memref_slice %arg11[%dma_start3A_278] : memref<10240xf32, #tpu.memory_space<vmem_shared>> -> memref<10240xf32, #tpu.memory_space<vmem_shared>>
      tpu.enqueue_indirect_dma source(%arg20 : memref<64xf32, #tpu.memory_space<vmem>>) target(%dma_start3A_279 : memref<10240xf32, #tpu.memory_space<vmem_shared>>) offsets(%dma_start3A_277 : memref<64xi32, #tpu.memory_space<vmem>>) semaphore(%arg31 : memref<!tpu.dma_semaphore, #tpu.memory_space<semaphore_mem>>) {add = true}
      %mul3A_280 = arith.constant 4 : i32
      %mul3A_281 = arith.muli %mul3A_280, %while3A_142 : i32
      %add3A_282 = arith.constant 3 : i32
      %add3A_283 = arith.addi %mul3A_281, %add3A_282 : i32
      %ge3A_284 = arith.constant 2 : i32
      %ge3A_285 = arith.cmpi sge, %add3A_283, %ge3A_284 : i32
      %convert_element_type3A_286 = arith.extui %ge3A_285 : i1 to i32
      %cond3A_287 = arith.constant 0 : i32
      %cond3A_288 = arith.cmpi ne, %convert_element_type3A_286, %cond3A_287 : i32
      scf.if %cond3A_288 {
        %dma_wait3A_327 = arith.constant 1 : i32
        %dma_wait3A_328 = arith.constant 0 : i32
        %dma_wait3A_329 = tpu.memref_slice %arg13[%dma_wait3A_327, %dma_wait3A_328] : memref<2x64xi32, #tpu.memory_space<vmem>> -> memref<1x64xi32, #tpu.memory_space<vmem>>
        %dma_wait3A_330 = tpu.memref_squeeze %dma_wait3A_329 : memref<1x64xi32, #tpu.memory_space<vmem>> -> memref<64xi32, #tpu.memory_space<vmem>>
        %dma_wait3A_331 = arith.constant 0 : i32
        %dma_wait3A_332 = arith.constant 0 : i32
        %dma_wait3A_333 = tpu.memref_slice %arg9[%dma_wait3A_331, %dma_wait3A_332] : memref<10240x128xf32, #tpu.memory_space<vmem_shared>> -> memref<10240x128xf32, #tpu.memory_space<vmem_shared>>
        tpu.wait_indirect_dma semaphore(%arg30 : memref<!tpu.dma_semaphore, #tpu.memory_space<semaphore_mem>>) src(%arg17 : memref<64x128xf32, #tpu.memory_space<vmem>>) dst(%dma_wait3A_333 : memref<10240x128xf32, #tpu.memory_space<vmem_shared>>)
        %dma_wait3A_334 = arith.constant 1 : i32
        %dma_wait3A_335 = arith.constant 0 : i32
        %dma_wait3A_336 = tpu.memref_slice %arg13[%dma_wait3A_334, %dma_wait3A_335] : memref<2x64xi32, #tpu.memory_space<vmem>> -> memref<1x64xi32, #tpu.memory_space<vmem>>
        %dma_wait3A_337 = tpu.memref_squeeze %dma_wait3A_336 : memref<1x64xi32, #tpu.memory_space<vmem>> -> memref<64xi32, #tpu.memory_space<vmem>>
        %dma_wait3A_338 = arith.constant 0 : i32
        %dma_wait3A_339 = tpu.memref_slice %arg10[%dma_wait3A_338] : memref<10240xf32, #tpu.memory_space<vmem_shared>> -> memref<10240xf32, #tpu.memory_space<vmem_shared>>
        tpu.wait_indirect_dma semaphore(%arg30 : memref<!tpu.dma_semaphore, #tpu.memory_space<semaphore_mem>>) src(%arg20 : memref<64xf32, #tpu.memory_space<vmem>>) dst(%dma_wait3A_339 : memref<10240xf32, #tpu.memory_space<vmem_shared>>)
        %dma_wait3A_340 = arith.constant 0 : i32
        %dma_wait3A_341 = arith.constant 0 : i32
        %dma_wait3A_342 = tpu.memref_slice %arg13[%dma_wait3A_340, %dma_wait3A_341] : memref<2x64xi32, #tpu.memory_space<vmem>> -> memref<1x64xi32, #tpu.memory_space<vmem>>
        %dma_wait3A_343 = tpu.memref_squeeze %dma_wait3A_342 : memref<1x64xi32, #tpu.memory_space<vmem>> -> memref<64xi32, #tpu.memory_space<vmem>>
        %dma_wait3A_344 = arith.constant 0 : i32
        %dma_wait3A_345 = tpu.memref_slice %arg11[%dma_wait3A_344] : memref<10240xf32, #tpu.memory_space<vmem_shared>> -> memref<10240xf32, #tpu.memory_space<vmem_shared>>
        tpu.wait_indirect_dma semaphore(%arg30 : memref<!tpu.dma_semaphore, #tpu.memory_space<semaphore_mem>>) src(%arg20 : memref<64xf32, #tpu.memory_space<vmem>>) dst(%dma_wait3A_345 : memref<10240xf32, #tpu.memory_space<vmem_shared>>)
      } else {
      }
      %add3A_289 = arith.constant 2 : i32
      %add3A_290 = arith.addi %add3A_283, %add3A_289 : i32
      %lt3A_291 = arith.cmpi slt, %add3A_290, %select_n3A : i32
      %convert_element_type3A_292 = arith.extui %lt3A_291 : i1 to i32
      %cond3A_293 = arith.constant 0 : i32
      %cond3A_294 = arith.cmpi ne, %convert_element_type3A_292, %cond3A_293 : i32
      scf.if %cond3A_294 {
        %add3A_327 = arith.addi %select_n3A_8, %add3A_283 : i32
        %add3A_328 = arith.constant 2 : i32
        %add3A_329 = arith.addi %add3A_327, %add3A_328 : i32
        %dma_start3A_330 = arith.constant 0 : i32
        %dma_start3A_331 = arith.constant 0 : i32
        %dma_start3A_332 = tpu.memref_slice %arg3[%add3A_329, %dma_start3A_330, %dma_start3A_331] : memref<5056x2x64xi32, #tpu.memory_space<hbm>> -> memref<1x2x64xi32, #tpu.memory_space<hbm>>
        %dma_start3A_333 = tpu.memref_squeeze %dma_start3A_332 : memref<1x2x64xi32, #tpu.memory_space<hbm>> -> memref<2x64xi32, #tpu.memory_space<hbm>>
        %dma_start3A_334 = arith.constant 0 : i32
        %dma_start3A_335 = arith.constant 0 : i32
        %dma_start3A_336 = tpu.memref_slice %arg3[%add3A_329, %dma_start3A_334, %dma_start3A_335] : memref<5056x2x64xi32, #tpu.memory_space<hbm>> -> memref<1x2x64xi32, #tpu.memory_space<hbm>>
        %dma_start3A_337 = tpu.memref_squeeze %dma_start3A_336 : memref<1x2x64xi32, #tpu.memory_space<hbm>> -> memref<2x64xi32, #tpu.memory_space<hbm>>
        tpu.enqueue_dma source(%dma_start3A_337 : memref<2x64xi32, #tpu.memory_space<hbm>>) target(%arg13 : memref<2x64xi32, #tpu.memory_space<vmem>>) target_semaphore(%arg22 : memref<!tpu.dma_semaphore, #tpu.memory_space<semaphore_mem>>)
      } else {
      }
      %add3A_295 = arith.constant 1 : i32
      %add3A_296 = arith.addi %add3A_283, %add3A_295 : i32
      %lt3A_297 = arith.cmpi slt, %add3A_296, %select_n3A : i32
      %convert_element_type3A_298 = arith.extui %lt3A_297 : i1 to i32
      %cond3A_299 = arith.constant 0 : i32
      %cond3A_300 = arith.cmpi ne, %convert_element_type3A_298, %cond3A_299 : i32
      scf.if %cond3A_300 {
        %add3A_327 = arith.addi %select_n3A_8, %add3A_283 : i32
        %add3A_328 = arith.constant 1 : i32
        %add3A_329 = arith.addi %add3A_327, %add3A_328 : i32
        %dma_wait3A_330 = arith.constant 0 : i32
        %dma_wait3A_331 = arith.constant 0 : i32
        %dma_wait3A_332 = tpu.memref_slice %arg3[%add3A_329, %dma_wait3A_330, %dma_wait3A_331] : memref<5056x2x64xi32, #tpu.memory_space<hbm>> -> memref<1x2x64xi32, #tpu.memory_space<hbm>>
        %dma_wait3A_333 = tpu.memref_squeeze %dma_wait3A_332 : memref<1x2x64xi32, #tpu.memory_space<hbm>> -> memref<2x64xi32, #tpu.memory_space<hbm>>
        %dma_wait3A_334 = arith.constant 0 : i32
        %dma_wait3A_335 = arith.constant 0 : i32
        %dma_wait3A_336 = tpu.memref_slice %arg3[%add3A_329, %dma_wait3A_334, %dma_wait3A_335] : memref<5056x2x64xi32, #tpu.memory_space<hbm>> -> memref<1x2x64xi32, #tpu.memory_space<hbm>>
        %dma_wait3A_337 = tpu.memref_squeeze %dma_wait3A_336 : memref<1x2x64xi32, #tpu.memory_space<hbm>> -> memref<2x64xi32, #tpu.memory_space<hbm>>
        tpu.wait_dma2 semaphore(%arg21 : memref<!tpu.dma_semaphore, #tpu.memory_space<semaphore_mem>>) src(%dma_wait3A_337 : memref<2x64xi32, #tpu.memory_space<hbm>>) dst(%arg12 : memref<2x64xi32, #tpu.memory_space<vmem>>)
        %dma_start3A_338 = arith.constant 0 : i32
        %dma_start3A_339 = arith.constant 0 : i32
        %dma_start3A_340 = tpu.memref_slice %arg12[%dma_start3A_338, %dma_start3A_339] : memref<2x64xi32, #tpu.memory_space<vmem>> -> memref<1x64xi32, #tpu.memory_space<vmem>>
        %dma_start3A_341 = tpu.memref_squeeze %dma_start3A_340 : memref<1x64xi32, #tpu.memory_space<vmem>> -> memref<64xi32, #tpu.memory_space<vmem>>
        %dma_start3A_342 = arith.constant 0 : i32
        %dma_start3A_343 = arith.constant 0 : i32
        %dma_start3A_344 = tpu.memref_slice %arg2[%dma_start3A_342, %dma_start3A_343] : memref<10240x128xf32, #tpu.memory_space<hbm>> -> memref<10240x128xf32, #tpu.memory_space<hbm>>
        tpu.enqueue_indirect_dma source(%dma_start3A_344 : memref<10240x128xf32, #tpu.memory_space<hbm>>) target(%arg16 : memref<64x128xf32, #tpu.memory_space<vmem>>) offsets(%dma_start3A_341 : memref<64xi32, #tpu.memory_space<vmem>>) semaphore(%arg25 : memref<!tpu.dma_semaphore, #tpu.memory_space<semaphore_mem>>)
      } else {
      }
      %dma_wait3A_301 = arith.constant 0 : i32
      %dma_wait3A_302 = arith.constant 0 : i32
      %dma_wait3A_303 = tpu.memref_slice %arg15[%dma_wait3A_301, %dma_wait3A_302] : memref<2x64xi32, #tpu.memory_space<vmem>> -> memref<1x64xi32, #tpu.memory_space<vmem>>
      %dma_wait3A_304 = tpu.memref_squeeze %dma_wait3A_303 : memref<1x64xi32, #tpu.memory_space<vmem>> -> memref<64xi32, #tpu.memory_space<vmem>>
      %dma_wait3A_305 = arith.constant 0 : i32
      %dma_wait3A_306 = arith.constant 0 : i32
      %dma_wait3A_307 = tpu.memref_slice %arg2[%dma_wait3A_305, %dma_wait3A_306] : memref<10240x128xf32, #tpu.memory_space<hbm>> -> memref<10240x128xf32, #tpu.memory_space<hbm>>
      tpu.wait_indirect_dma semaphore(%arg28 : memref<!tpu.dma_semaphore, #tpu.memory_space<semaphore_mem>>) src(%dma_wait3A_307 : memref<10240x128xf32, #tpu.memory_space<hbm>>) dst(%arg19 : memref<64x128xf32, #tpu.memory_space<vmem>>)
      %dma_start3A_308 = arith.constant 1 : i32
      %dma_start3A_309 = arith.constant 0 : i32
      %dma_start3A_310 = tpu.memref_slice %arg15[%dma_start3A_308, %dma_start3A_309] : memref<2x64xi32, #tpu.memory_space<vmem>> -> memref<1x64xi32, #tpu.memory_space<vmem>>
      %dma_start3A_311 = tpu.memref_squeeze %dma_start3A_310 : memref<1x64xi32, #tpu.memory_space<vmem>> -> memref<64xi32, #tpu.memory_space<vmem>>
      %dma_start3A_312 = arith.constant 0 : i32
      %dma_start3A_313 = arith.constant 0 : i32
      %dma_start3A_314 = tpu.memref_slice %arg9[%dma_start3A_312, %dma_start3A_313] : memref<10240x128xf32, #tpu.memory_space<vmem_shared>> -> memref<10240x128xf32, #tpu.memory_space<vmem_shared>>
      tpu.enqueue_indirect_dma source(%arg19 : memref<64x128xf32, #tpu.memory_space<vmem>>) target(%dma_start3A_314 : memref<10240x128xf32, #tpu.memory_space<vmem_shared>>) offsets(%dma_start3A_311 : memref<64xi32, #tpu.memory_space<vmem>>) semaphore(%arg32 : memref<!tpu.dma_semaphore, #tpu.memory_space<semaphore_mem>>) {add = true}
      %dma_start3A_315 = arith.constant 1 : i32
      %dma_start3A_316 = arith.constant 0 : i32
      %dma_start3A_317 = tpu.memref_slice %arg15[%dma_start3A_315, %dma_start3A_316] : memref<2x64xi32, #tpu.memory_space<vmem>> -> memref<1x64xi32, #tpu.memory_space<vmem>>
      %dma_start3A_318 = tpu.memref_squeeze %dma_start3A_317 : memref<1x64xi32, #tpu.memory_space<vmem>> -> memref<64xi32, #tpu.memory_space<vmem>>
      %dma_start3A_319 = arith.constant 0 : i32
      %dma_start3A_320 = tpu.memref_slice %arg10[%dma_start3A_319] : memref<10240xf32, #tpu.memory_space<vmem_shared>> -> memref<10240xf32, #tpu.memory_space<vmem_shared>>
      tpu.enqueue_indirect_dma source(%arg20 : memref<64xf32, #tpu.memory_space<vmem>>) target(%dma_start3A_320 : memref<10240xf32, #tpu.memory_space<vmem_shared>>) offsets(%dma_start3A_318 : memref<64xi32, #tpu.memory_space<vmem>>) semaphore(%arg32 : memref<!tpu.dma_semaphore, #tpu.memory_space<semaphore_mem>>) {add = true}
      %dma_start3A_321 = arith.constant 0 : i32
      %dma_start3A_322 = arith.constant 0 : i32
      %dma_start3A_323 = tpu.memref_slice %arg15[%dma_start3A_321, %dma_start3A_322] : memref<2x64xi32, #tpu.memory_space<vmem>> -> memref<1x64xi32, #tpu.memory_space<vmem>>
      %dma_start3A_324 = tpu.memref_squeeze %dma_start3A_323 : memref<1x64xi32, #tpu.memory_space<vmem>> -> memref<64xi32, #tpu.memory_space<vmem>>
      %dma_start3A_325 = arith.constant 0 : i32
      %dma_start3A_326 = tpu.memref_slice %arg11[%dma_start3A_325] : memref<10240xf32, #tpu.memory_space<vmem_shared>> -> memref<10240xf32, #tpu.memory_space<vmem_shared>>
      tpu.enqueue_indirect_dma source(%arg20 : memref<64xf32, #tpu.memory_space<vmem>>) target(%dma_start3A_326 : memref<10240xf32, #tpu.memory_space<vmem_shared>>) offsets(%dma_start3A_324 : memref<64xi32, #tpu.memory_space<vmem>>) semaphore(%arg32 : memref<!tpu.dma_semaphore, #tpu.memory_space<semaphore_mem>>) {add = true}
    }
    %dma_wait3A_101 = arith.constant 1 : i32
    %dma_wait3A_102 = arith.constant 0 : i32
    %dma_wait3A_103 = tpu.memref_slice %arg14[%dma_wait3A_101, %dma_wait3A_102] : memref<2x64xi32, #tpu.memory_space<vmem>> -> memref<1x64xi32, #tpu.memory_space<vmem>>
    %dma_wait3A_104 = tpu.memref_squeeze %dma_wait3A_103 : memref<1x64xi32, #tpu.memory_space<vmem>> -> memref<64xi32, #tpu.memory_space<vmem>>
    %dma_wait3A_105 = arith.constant 0 : i32
    %dma_wait3A_106 = arith.constant 0 : i32
    %dma_wait3A_107 = tpu.memref_slice %arg9[%dma_wait3A_105, %dma_wait3A_106] : memref<10240x128xf32, #tpu.memory_space<vmem_shared>> -> memref<10240x128xf32, #tpu.memory_space<vmem_shared>>
    tpu.wait_indirect_dma semaphore(%arg31 : memref<!tpu.dma_semaphore, #tpu.memory_space<semaphore_mem>>) src(%arg18 : memref<64x128xf32, #tpu.memory_space<vmem>>) dst(%dma_wait3A_107 : memref<10240x128xf32, #tpu.memory_space<vmem_shared>>)
    %dma_wait3A_108 = arith.constant 1 : i32
    %dma_wait3A_109 = arith.constant 0 : i32
    %dma_wait3A_110 = tpu.memref_slice %arg14[%dma_wait3A_108, %dma_wait3A_109] : memref<2x64xi32, #tpu.memory_space<vmem>> -> memref<1x64xi32, #tpu.memory_space<vmem>>
    %dma_wait3A_111 = tpu.memref_squeeze %dma_wait3A_110 : memref<1x64xi32, #tpu.memory_space<vmem>> -> memref<64xi32, #tpu.memory_space<vmem>>
    %dma_wait3A_112 = arith.constant 0 : i32
    %dma_wait3A_113 = tpu.memref_slice %arg10[%dma_wait3A_112] : memref<10240xf32, #tpu.memory_space<vmem_shared>> -> memref<10240xf32, #tpu.memory_space<vmem_shared>>
    tpu.wait_indirect_dma semaphore(%arg31 : memref<!tpu.dma_semaphore, #tpu.memory_space<semaphore_mem>>) src(%arg20 : memref<64xf32, #tpu.memory_space<vmem>>) dst(%dma_wait3A_113 : memref<10240xf32, #tpu.memory_space<vmem_shared>>)
    %dma_wait3A_114 = arith.constant 0 : i32
    %dma_wait3A_115 = arith.constant 0 : i32
    %dma_wait3A_116 = tpu.memref_slice %arg14[%dma_wait3A_114, %dma_wait3A_115] : memref<2x64xi32, #tpu.memory_space<vmem>> -> memref<1x64xi32, #tpu.memory_space<vmem>>
    %dma_wait3A_117 = tpu.memref_squeeze %dma_wait3A_116 : memref<1x64xi32, #tpu.memory_space<vmem>> -> memref<64xi32, #tpu.memory_space<vmem>>
    %dma_wait3A_118 = arith.constant 0 : i32
    %dma_wait3A_119 = tpu.memref_slice %arg11[%dma_wait3A_118] : memref<10240xf32, #tpu.memory_space<vmem_shared>> -> memref<10240xf32, #tpu.memory_space<vmem_shared>>
    tpu.wait_indirect_dma semaphore(%arg31 : memref<!tpu.dma_semaphore, #tpu.memory_space<semaphore_mem>>) src(%arg20 : memref<64xf32, #tpu.memory_space<vmem>>) dst(%dma_wait3A_119 : memref<10240xf32, #tpu.memory_space<vmem_shared>>)
    %dma_wait3A_120 = arith.constant 1 : i32
    %dma_wait3A_121 = arith.constant 0 : i32
    %dma_wait3A_122 = tpu.memref_slice %arg15[%dma_wait3A_120, %dma_wait3A_121] : memref<2x64xi32, #tpu.memory_space<vmem>> -> memref<1x64xi32, #tpu.memory_space<vmem>>
    %dma_wait3A_123 = tpu.memref_squeeze %dma_wait3A_122 : memref<1x64xi32, #tpu.memory_space<vmem>> -> memref<64xi32, #tpu.memory_space<vmem>>
    %dma_wait3A_124 = arith.constant 0 : i32
    %dma_wait3A_125 = arith.constant 0 : i32
    %dma_wait3A_126 = tpu.memref_slice %arg9[%dma_wait3A_124, %dma_wait3A_125] : memref<10240x128xf32, #tpu.memory_space<vmem_shared>> -> memref<10240x128xf32, #tpu.memory_space<vmem_shared>>
    tpu.wait_indirect_dma semaphore(%arg32 : memref<!tpu.dma_semaphore, #tpu.memory_space<semaphore_mem>>) src(%arg19 : memref<64x128xf32, #tpu.memory_space<vmem>>) dst(%dma_wait3A_126 : memref<10240x128xf32, #tpu.memory_space<vmem_shared>>)
    %dma_wait3A_127 = arith.constant 1 : i32
    %dma_wait3A_128 = arith.constant 0 : i32
    %dma_wait3A_129 = tpu.memref_slice %arg15[%dma_wait3A_127, %dma_wait3A_128] : memref<2x64xi32, #tpu.memory_space<vmem>> -> memref<1x64xi32, #tpu.memory_space<vmem>>
    %dma_wait3A_130 = tpu.memref_squeeze %dma_wait3A_129 : memref<1x64xi32, #tpu.memory_space<vmem>> -> memref<64xi32, #tpu.memory_space<vmem>>
    %dma_wait3A_131 = arith.constant 0 : i32
    %dma_wait3A_132 = tpu.memref_slice %arg10[%dma_wait3A_131] : memref<10240xf32, #tpu.memory_space<vmem_shared>> -> memref<10240xf32, #tpu.memory_space<vmem_shared>>
    tpu.wait_indirect_dma semaphore(%arg32 : memref<!tpu.dma_semaphore, #tpu.memory_space<semaphore_mem>>) src(%arg20 : memref<64xf32, #tpu.memory_space<vmem>>) dst(%dma_wait3A_132 : memref<10240xf32, #tpu.memory_space<vmem_shared>>)
    %dma_wait3A_133 = arith.constant 0 : i32
    %dma_wait3A_134 = arith.constant 0 : i32
    %dma_wait3A_135 = tpu.memref_slice %arg15[%dma_wait3A_133, %dma_wait3A_134] : memref<2x64xi32, #tpu.memory_space<vmem>> -> memref<1x64xi32, #tpu.memory_space<vmem>>
    %dma_wait3A_136 = tpu.memref_squeeze %dma_wait3A_135 : memref<1x64xi32, #tpu.memory_space<vmem>> -> memref<64xi32, #tpu.memory_space<vmem>>
    %dma_wait3A_137 = arith.constant 0 : i32
    %dma_wait3A_138 = tpu.memref_slice %arg11[%dma_wait3A_137] : memref<10240xf32, #tpu.memory_space<vmem_shared>> -> memref<10240xf32, #tpu.memory_space<vmem_shared>>
    tpu.wait_indirect_dma semaphore(%arg32 : memref<!tpu.dma_semaphore, #tpu.memory_space<semaphore_mem>>) src(%arg20 : memref<64xf32, #tpu.memory_space<vmem>>) dst(%dma_wait3A_138 : memref<10240xf32, #tpu.memory_space<vmem_shared>>)
    %barrier3A_139 = arith.constant 0 : index
    tpu.barrier barrier_id(%barrier3A_139)
    %mul3A_140 = arith.constant 640 : i32
    %mul3A_141 = arith.muli %arg1, %mul3A_140 : i32
    "tpu.region"() ({
      %run_scoped3A = tpu.sem_alloc : memref<!tpu.dma_semaphore, #tpu.memory_space<semaphore_mem>>
      %dma_start3A_142 = arith.constant 0 : i32
      %dma_start3A_143 = tpu.memref_slice %arg6[%arg0, %mul3A_141, %dma_start3A_142] : memref<2x10240x128xf32, #tpu.memory_space<hbm>> -> memref<1x640x128xf32, #tpu.memory_space<hbm>>
      %dma_start3A_144 = tpu.memref_squeeze %dma_start3A_143 : memref<1x640x128xf32, #tpu.memory_space<hbm>> -> memref<640x128xf32, #tpu.memory_space<hbm>>
      %dma_start3A_145 = arith.constant 0 : i32
      %dma_start3A_146 = tpu.memref_slice %arg9[%mul3A_141, %dma_start3A_145] : memref<10240x128xf32, #tpu.memory_space<vmem_shared>> -> memref<640x128xf32, #tpu.memory_space<vmem_shared>>
      tpu.enqueue_dma source(%dma_start3A_146 : memref<640x128xf32, #tpu.memory_space<vmem_shared>>) target(%dma_start3A_144 : memref<640x128xf32, #tpu.memory_space<hbm>>) target_semaphore(%run_scoped3A : memref<!tpu.dma_semaphore, #tpu.memory_space<semaphore_mem>>)
      %dma_wait3A_147 = arith.constant 0 : i32
      %dma_wait3A_148 = tpu.memref_slice %arg6[%arg0, %mul3A_141, %dma_wait3A_147] : memref<2x10240x128xf32, #tpu.memory_space<hbm>> -> memref<1x640x128xf32, #tpu.memory_space<hbm>>
      %dma_wait3A_149 = tpu.memref_squeeze %dma_wait3A_148 : memref<1x640x128xf32, #tpu.memory_space<hbm>> -> memref<640x128xf32, #tpu.memory_space<hbm>>
      %dma_wait3A_150 = arith.constant 0 : i32
      %dma_wait3A_151 = tpu.memref_slice %arg9[%mul3A_141, %dma_wait3A_150] : memref<10240x128xf32, #tpu.memory_space<vmem_shared>> -> memref<640x128xf32, #tpu.memory_space<vmem_shared>>
      tpu.wait_dma2 semaphore(%run_scoped3A : memref<!tpu.dma_semaphore, #tpu.memory_space<semaphore_mem>>) src(%dma_wait3A_151 : memref<640x128xf32, #tpu.memory_space<vmem_shared>>) dst(%dma_wait3A_149 : memref<640x128xf32, #tpu.memory_space<hbm>>)
      tpu.yield
    }) : () -> ()
    "tpu.region"() ({
      %run_scoped3A = tpu.sem_alloc : memref<!tpu.dma_semaphore, #tpu.memory_space<semaphore_mem>>
      %dma_start3A_142 = tpu.memref_slice %arg7[%arg0, %mul3A_141] : memref<2x10240xf32, #tpu.memory_space<hbm>> -> memref<1x640xf32, #tpu.memory_space<hbm>>
      %dma_start3A_143 = tpu.memref_squeeze %dma_start3A_142 : memref<1x640xf32, #tpu.memory_space<hbm>> -> memref<640xf32, #tpu.memory_space<hbm>>
      %dma_start3A_144 = tpu.memref_slice %arg10[%mul3A_141] : memref<10240xf32, #tpu.memory_space<vmem_shared>> -> memref<640xf32, #tpu.memory_space<vmem_shared>>
      tpu.enqueue_dma source(%dma_start3A_144 : memref<640xf32, #tpu.memory_space<vmem_shared>>) target(%dma_start3A_143 : memref<640xf32, #tpu.memory_space<hbm>>) target_semaphore(%run_scoped3A : memref<!tpu.dma_semaphore, #tpu.memory_space<semaphore_mem>>)
      %dma_wait3A_145 = tpu.memref_slice %arg7[%arg0, %mul3A_141] : memref<2x10240xf32, #tpu.memory_space<hbm>> -> memref<1x640xf32, #tpu.memory_space<hbm>>
      %dma_wait3A_146 = tpu.memref_squeeze %dma_wait3A_145 : memref<1x640xf32, #tpu.memory_space<hbm>> -> memref<640xf32, #tpu.memory_space<hbm>>
      %dma_wait3A_147 = tpu.memref_slice %arg10[%mul3A_141] : memref<10240xf32, #tpu.memory_space<vmem_shared>> -> memref<640xf32, #tpu.memory_space<vmem_shared>>
      tpu.wait_dma2 semaphore(%run_scoped3A : memref<!tpu.dma_semaphore, #tpu.memory_space<semaphore_mem>>) src(%dma_wait3A_147 : memref<640xf32, #tpu.memory_space<vmem_shared>>) dst(%dma_wait3A_146 : memref<640xf32, #tpu.memory_space<hbm>>)
      tpu.yield
    }) : () -> ()
    "tpu.region"() ({
      %run_scoped3A = tpu.sem_alloc : memref<!tpu.dma_semaphore, #tpu.memory_space<semaphore_mem>>
      %dma_start3A_142 = tpu.memref_slice %arg8[%arg0, %mul3A_141] : memref<2x10240xf32, #tpu.memory_space<hbm>> -> memref<1x640xf32, #tpu.memory_space<hbm>>
      %dma_start3A_143 = tpu.memref_squeeze %dma_start3A_142 : memref<1x640xf32, #tpu.memory_space<hbm>> -> memref<640xf32, #tpu.memory_space<hbm>>
      %dma_start3A_144 = tpu.memref_slice %arg11[%mul3A_141] : memref<10240xf32, #tpu.memory_space<vmem_shared>> -> memref<640xf32, #tpu.memory_space<vmem_shared>>
      tpu.enqueue_dma source(%dma_start3A_144 : memref<640xf32, #tpu.memory_space<vmem_shared>>) target(%dma_start3A_143 : memref<640xf32, #tpu.memory_space<hbm>>) target_semaphore(%run_scoped3A : memref<!tpu.dma_semaphore, #tpu.memory_space<semaphore_mem>>)
      %dma_wait3A_145 = tpu.memref_slice %arg8[%arg0, %mul3A_141] : memref<2x10240xf32, #tpu.memory_space<hbm>> -> memref<1x640xf32, #tpu.memory_space<hbm>>
      %dma_wait3A_146 = tpu.memref_squeeze %dma_wait3A_145 : memref<1x640xf32, #tpu.memory_space<hbm>> -> memref<640xf32, #tpu.memory_space<hbm>>
      %dma_wait3A_147 = tpu.memref_slice %arg11[%mul3A_141] : memref<10240xf32, #tpu.memory_space<vmem_shared>> -> memref<640xf32, #tpu.memory_space<vmem_shared>>
      tpu.wait_dma2 semaphore(%run_scoped3A : memref<!tpu.dma_semaphore, #tpu.memory_space<semaphore_mem>>) src(%dma_wait3A_147 : memref<640xf32, #tpu.memory_space<vmem_shared>>) dst(%dma_wait3A_146 : memref<640xf32, #tpu.memory_space<hbm>>)
      tpu.yield
    }) : () -> ()
    return
  }
}

#map = affine_map<(d0, d1) -> (0, 0)>
#map1 = affine_map<(d0, d1) -> (0, 0, 0)>
#map2 = affine_map<(d0, d1) -> (0)>
module attributes {stable_mosaic.version = 14 : i64} {
  func.func @_agg_body(%arg0: i32, %arg1: i32, %arg2: memref<10240x128xf32, #tpu.memory_space<hbm>>, %arg3: memref<5056x2x64xi32, #tpu.memory_space<hbm>>, %arg4: memref<10240x128xf32, #tpu.memory_space<hbm>>, %arg5: memref<10240xf32, #tpu.memory_space<hbm>>, %arg6: memref<2x10240x128xf32, #tpu.memory_space<hbm>>, %arg7: memref<10240x128xf32, #tpu.memory_space<vmem_shared>>, %arg8: memref<2x64xi32, #tpu.memory_space<vmem>>, %arg9: memref<2x64xi32, #tpu.memory_space<vmem>>, %arg10: memref<2x64xi32, #tpu.memory_space<vmem>>, %arg11: memref<2x64xi32, #tpu.memory_space<vmem>>, %arg12: memref<64x128xf32, #tpu.memory_space<vmem>>, %arg13: memref<64x128xf32, #tpu.memory_space<vmem>>, %arg14: memref<64x128xf32, #tpu.memory_space<vmem>>, %arg15: memref<64x128xf32, #tpu.memory_space<vmem>>, %arg16: memref<!tpu.dma_semaphore, #tpu.memory_space<semaphore_mem>>, %arg17: memref<!tpu.dma_semaphore, #tpu.memory_space<semaphore_mem>>, %arg18: memref<!tpu.dma_semaphore, #tpu.memory_space<semaphore_mem>>, %arg19: memref<!tpu.dma_semaphore, #tpu.memory_space<semaphore_mem>>, %arg20: memref<!tpu.dma_semaphore, #tpu.memory_space<semaphore_mem>>, %arg21: memref<!tpu.dma_semaphore, #tpu.memory_space<semaphore_mem>>, %arg22: memref<!tpu.dma_semaphore, #tpu.memory_space<semaphore_mem>>, %arg23: memref<!tpu.dma_semaphore, #tpu.memory_space<semaphore_mem>>, %arg24: memref<!tpu.dma_semaphore, #tpu.memory_space<semaphore_mem>>, %arg25: memref<!tpu.dma_semaphore, #tpu.memory_space<semaphore_mem>>, %arg26: memref<!tpu.dma_semaphore, #tpu.memory_space<semaphore_mem>>, %arg27: memref<!tpu.dma_semaphore, #tpu.memory_space<semaphore_mem>>) attributes {dimension_semantics = [#tpu.dimension_semantics<core_parallel>, #tpu.dimension_semantics<subcore_parallel>], iteration_bounds = array<i64: 2, 16>, scalar_prefetch = 0 : i64, scratch_operands = 21 : i64, tpu.core_type = #tpu.core_type<sc_vector_subcore>, window_params = [{transform_indices = #map}, {transform_indices = #map1}, {transform_indices = #map}, {transform_indices = #map2}, {transform_indices = #map1}]} {
    %eq3A = arith.constant 0 : i32
    %eq3A_0 = arith.cmpi eq, %arg0, %eq3A : i32
    %jit3A = arith.constant 44 : i32
    %jit3A_1 = arith.constant 272 : i32
    %select_n3A = arith.select %eq3A_0, %jit3A, %jit3A_1 : i32
    %eq3A_2 = arith.constant 0 : i32
    %eq3A_3 = arith.cmpi eq, %arg0, %eq3A_2 : i32
    %mul3A = arith.constant 44 : i32
    %mul3A_4 = arith.muli %arg1, %mul3A : i32
    %mul3A_5 = arith.constant 272 : i32
    %mul3A_6 = arith.muli %arg1, %mul3A_5 : i32
    %add3A = arith.constant 704 : i32
    %add3A_7 = arith.addi %add3A, %mul3A_6 : i32
    %select_n3A_8 = arith.select %eq3A_3, %mul3A_4, %add3A_7 : i32
    %mul3A_9 = arith.constant 640 : i32
    %mul3A_10 = arith.muli %arg1, %mul3A_9 : i32
    %mul3A_11 = arith.constant 640 : i32
    %mul3A_12 = arith.muli %arg1, %mul3A_11 : i32
    "tpu.region"() ({
      %run_scoped3A = tpu.sem_alloc : memref<!tpu.dma_semaphore, #tpu.memory_space<semaphore_mem>>
      %dma_start3A_88 = arith.constant 0 : i32
      %dma_start3A_89 = tpu.memref_slice %arg7[%mul3A_12, %dma_start3A_88] : memref<10240x128xf32, #tpu.memory_space<vmem_shared>> -> memref<640x128xf32, #tpu.memory_space<vmem_shared>>
      %dma_start3A_90 = arith.constant 0 : i32
      %dma_start3A_91 = tpu.memref_slice %arg4[%mul3A_10, %dma_start3A_90] : memref<10240x128xf32, #tpu.memory_space<hbm>> -> memref<640x128xf32, #tpu.memory_space<hbm>>
      tpu.enqueue_dma source(%dma_start3A_91 : memref<640x128xf32, #tpu.memory_space<hbm>>) target(%dma_start3A_89 : memref<640x128xf32, #tpu.memory_space<vmem_shared>>) target_semaphore(%run_scoped3A : memref<!tpu.dma_semaphore, #tpu.memory_space<semaphore_mem>>)
      %dma_wait3A_92 = arith.constant 0 : i32
      %dma_wait3A_93 = tpu.memref_slice %arg7[%mul3A_12, %dma_wait3A_92] : memref<10240x128xf32, #tpu.memory_space<vmem_shared>> -> memref<640x128xf32, #tpu.memory_space<vmem_shared>>
      %dma_wait3A_94 = arith.constant 0 : i32
      %dma_wait3A_95 = tpu.memref_slice %arg4[%mul3A_10, %dma_wait3A_94] : memref<10240x128xf32, #tpu.memory_space<hbm>> -> memref<640x128xf32, #tpu.memory_space<hbm>>
      tpu.wait_dma2 semaphore(%run_scoped3A : memref<!tpu.dma_semaphore, #tpu.memory_space<semaphore_mem>>) src(%dma_wait3A_95 : memref<640x128xf32, #tpu.memory_space<hbm>>) dst(%dma_wait3A_93 : memref<640x128xf32, #tpu.memory_space<vmem_shared>>)
      tpu.yield
    }) : () -> ()
    %barrier3A = arith.constant 0 : index
    tpu.barrier barrier_id(%barrier3A)
    %dma_start3A = arith.constant 0 : i32
    %dma_start3A_13 = arith.constant 0 : i32
    %dma_start3A_14 = tpu.memref_slice %arg3[%select_n3A_8, %dma_start3A, %dma_start3A_13] : memref<5056x2x64xi32, #tpu.memory_space<hbm>> -> memref<1x2x64xi32, #tpu.memory_space<hbm>>
    %dma_start3A_15 = tpu.memref_squeeze %dma_start3A_14 : memref<1x2x64xi32, #tpu.memory_space<hbm>> -> memref<2x64xi32, #tpu.memory_space<hbm>>
    %dma_start3A_16 = arith.constant 0 : i32
    %dma_start3A_17 = arith.constant 0 : i32
    %dma_start3A_18 = tpu.memref_slice %arg3[%select_n3A_8, %dma_start3A_16, %dma_start3A_17] : memref<5056x2x64xi32, #tpu.memory_space<hbm>> -> memref<1x2x64xi32, #tpu.memory_space<hbm>>
    %dma_start3A_19 = tpu.memref_squeeze %dma_start3A_18 : memref<1x2x64xi32, #tpu.memory_space<hbm>> -> memref<2x64xi32, #tpu.memory_space<hbm>>
    tpu.enqueue_dma source(%dma_start3A_19 : memref<2x64xi32, #tpu.memory_space<hbm>>) target(%arg8 : memref<2x64xi32, #tpu.memory_space<vmem>>) target_semaphore(%arg16 : memref<!tpu.dma_semaphore, #tpu.memory_space<semaphore_mem>>)
    %add3A_20 = arith.constant 1 : i32
    %add3A_21 = arith.addi %select_n3A_8, %add3A_20 : i32
    %dma_start3A_22 = arith.constant 0 : i32
    %dma_start3A_23 = arith.constant 0 : i32
    %dma_start3A_24 = tpu.memref_slice %arg3[%add3A_21, %dma_start3A_22, %dma_start3A_23] : memref<5056x2x64xi32, #tpu.memory_space<hbm>> -> memref<1x2x64xi32, #tpu.memory_space<hbm>>
    %dma_start3A_25 = tpu.memref_squeeze %dma_start3A_24 : memref<1x2x64xi32, #tpu.memory_space<hbm>> -> memref<2x64xi32, #tpu.memory_space<hbm>>
    %dma_start3A_26 = arith.constant 0 : i32
    %dma_start3A_27 = arith.constant 0 : i32
    %dma_start3A_28 = tpu.memref_slice %arg3[%add3A_21, %dma_start3A_26, %dma_start3A_27] : memref<5056x2x64xi32, #tpu.memory_space<hbm>> -> memref<1x2x64xi32, #tpu.memory_space<hbm>>
    %dma_start3A_29 = tpu.memref_squeeze %dma_start3A_28 : memref<1x2x64xi32, #tpu.memory_space<hbm>> -> memref<2x64xi32, #tpu.memory_space<hbm>>
    tpu.enqueue_dma source(%dma_start3A_29 : memref<2x64xi32, #tpu.memory_space<hbm>>) target(%arg9 : memref<2x64xi32, #tpu.memory_space<vmem>>) target_semaphore(%arg17 : memref<!tpu.dma_semaphore, #tpu.memory_space<semaphore_mem>>)
    %dma_wait3A = arith.constant 0 : i32
    %dma_wait3A_30 = arith.constant 0 : i32
    %dma_wait3A_31 = tpu.memref_slice %arg3[%select_n3A_8, %dma_wait3A, %dma_wait3A_30] : memref<5056x2x64xi32, #tpu.memory_space<hbm>> -> memref<1x2x64xi32, #tpu.memory_space<hbm>>
    %dma_wait3A_32 = tpu.memref_squeeze %dma_wait3A_31 : memref<1x2x64xi32, #tpu.memory_space<hbm>> -> memref<2x64xi32, #tpu.memory_space<hbm>>
    %dma_wait3A_33 = arith.constant 0 : i32
    %dma_wait3A_34 = arith.constant 0 : i32
    %dma_wait3A_35 = tpu.memref_slice %arg3[%select_n3A_8, %dma_wait3A_33, %dma_wait3A_34] : memref<5056x2x64xi32, #tpu.memory_space<hbm>> -> memref<1x2x64xi32, #tpu.memory_space<hbm>>
    %dma_wait3A_36 = tpu.memref_squeeze %dma_wait3A_35 : memref<1x2x64xi32, #tpu.memory_space<hbm>> -> memref<2x64xi32, #tpu.memory_space<hbm>>
    tpu.wait_dma2 semaphore(%arg16 : memref<!tpu.dma_semaphore, #tpu.memory_space<semaphore_mem>>) src(%dma_wait3A_36 : memref<2x64xi32, #tpu.memory_space<hbm>>) dst(%arg8 : memref<2x64xi32, #tpu.memory_space<vmem>>)
    %dma_start3A_37 = arith.constant 0 : i32
    %dma_start3A_38 = arith.constant 0 : i32
    %dma_start3A_39 = tpu.memref_slice %arg8[%dma_start3A_37, %dma_start3A_38] : memref<2x64xi32, #tpu.memory_space<vmem>> -> memref<1x64xi32, #tpu.memory_space<vmem>>
    %dma_start3A_40 = tpu.memref_squeeze %dma_start3A_39 : memref<1x64xi32, #tpu.memory_space<vmem>> -> memref<64xi32, #tpu.memory_space<vmem>>
    %dma_start3A_41 = arith.constant 0 : i32
    %dma_start3A_42 = arith.constant 0 : i32
    %dma_start3A_43 = tpu.memref_slice %arg2[%dma_start3A_41, %dma_start3A_42] : memref<10240x128xf32, #tpu.memory_space<hbm>> -> memref<10240x128xf32, #tpu.memory_space<hbm>>
    tpu.enqueue_indirect_dma source(%dma_start3A_43 : memref<10240x128xf32, #tpu.memory_space<hbm>>) target(%arg12 : memref<64x128xf32, #tpu.memory_space<vmem>>) offsets(%dma_start3A_40 : memref<64xi32, #tpu.memory_space<vmem>>) semaphore(%arg20 : memref<!tpu.dma_semaphore, #tpu.memory_space<semaphore_mem>>)
    %jit3A_44 = arith.constant 4 : i32
    %div3A = arith.divsi %select_n3A, %jit3A_44 : i32
    %sign3A = arith.constant 0 : i32
    %sign3A_45 = arith.cmpi sgt, %select_n3A, %sign3A : i32
    %sign3A_46 = arith.extui %sign3A_45 : i1 to i32
    %sign3A_47 = arith.constant 0 : i32
    %sign3A_48 = arith.cmpi slt, %select_n3A, %sign3A_47 : i32
    %sign3A_49 = arith.extui %sign3A_48 : i1 to i32
    %sign3A_50 = arith.subi %sign3A_46, %sign3A_49 : i32
    %sign3A_51 = arith.constant 0 : i32
    %sign3A_52 = arith.cmpi sgt, %jit3A_44, %sign3A_51 : i32
    %sign3A_53 = arith.extui %sign3A_52 : i1 to i32
    %sign3A_54 = arith.constant 0 : i32
    %sign3A_55 = arith.cmpi slt, %jit3A_44, %sign3A_54 : i32
    %sign3A_56 = arith.extui %sign3A_55 : i1 to i32
    %sign3A_57 = arith.subi %sign3A_53, %sign3A_56 : i32
    %ne3A = arith.cmpi ne, %sign3A_50, %sign3A_57 : i32
    %rem3A = arith.remsi %select_n3A, %jit3A_44 : i32
    %ne3A_58 = arith.constant 0 : i32
    %ne3A_59 = arith.cmpi ne, %rem3A, %ne3A_58 : i32
    %and3A = arith.andi %ne3A, %ne3A_59 : i1
    %sub3A = arith.constant 1 : i32
    %sub3A_60 = arith.subi %div3A, %sub3A : i32
    %select_n3A_61 = arith.select %and3A, %sub3A_60, %div3A : i32
    %while3A = arith.constant 0 : i32
    %while3A_62 = arith.constant 0 : i32
    %while3A_63 = arith.subi %select_n3A_61, %while3A_62 : i32
    %while3A_64 = arith.addi %while3A_62, %while3A_63 : i32
    %while3A_65 = arith.constant 1 : i32
    %while3A_66 = arith.divsi %while3A_63, %while3A_65 : i32
    %while3A_67 = arith.muli %while3A_66, %while3A_65 : i32
    %while3A_68 = arith.addi %while3A_62, %while3A_67 : i32
    %while3A_69 = arith.constant 1 : i32
    scf.for %while3A_88 = %while3A_62 to %while3A_68 step %while3A_69  : i32 {
      %mul3A_89 = arith.constant 4 : i32
      %mul3A_90 = arith.muli %mul3A_89, %while3A_88 : i32
      %add3A_91 = arith.constant 0 : i32
      %add3A_92 = arith.addi %mul3A_90, %add3A_91 : i32
      %ge3A = arith.constant 2 : i32
      %ge3A_93 = arith.cmpi sge, %add3A_92, %ge3A : i32
      %convert_element_type3A = arith.extui %ge3A_93 : i1 to i32
      %cond3A = arith.constant 0 : i32
      %cond3A_94 = arith.cmpi ne, %convert_element_type3A, %cond3A : i32
      scf.if %cond3A_94 {
        %dma_wait3A_225 = arith.constant 1 : i32
        %dma_wait3A_226 = arith.constant 0 : i32
        %dma_wait3A_227 = tpu.memref_slice %arg10[%dma_wait3A_225, %dma_wait3A_226] : memref<2x64xi32, #tpu.memory_space<vmem>> -> memref<1x64xi32, #tpu.memory_space<vmem>>
        %dma_wait3A_228 = tpu.memref_squeeze %dma_wait3A_227 : memref<1x64xi32, #tpu.memory_space<vmem>> -> memref<64xi32, #tpu.memory_space<vmem>>
        %dma_wait3A_229 = arith.constant 0 : i32
        %dma_wait3A_230 = arith.constant 0 : i32
        %dma_wait3A_231 = tpu.memref_slice %arg7[%dma_wait3A_229, %dma_wait3A_230] : memref<10240x128xf32, #tpu.memory_space<vmem_shared>> -> memref<10240x128xf32, #tpu.memory_space<vmem_shared>>
        tpu.wait_indirect_dma semaphore(%arg26 : memref<!tpu.dma_semaphore, #tpu.memory_space<semaphore_mem>>) src(%arg14 : memref<64x128xf32, #tpu.memory_space<vmem>>) dst(%dma_wait3A_231 : memref<10240x128xf32, #tpu.memory_space<vmem_shared>>)
      } else {
      }
      %add3A_95 = arith.constant 2 : i32
      %add3A_96 = arith.addi %add3A_92, %add3A_95 : i32
      %lt3A = arith.cmpi slt, %add3A_96, %select_n3A : i32
      %convert_element_type3A_97 = arith.extui %lt3A : i1 to i32
      %cond3A_98 = arith.constant 0 : i32
      %cond3A_99 = arith.cmpi ne, %convert_element_type3A_97, %cond3A_98 : i32
      scf.if %cond3A_99 {
        %add3A_225 = arith.addi %select_n3A_8, %add3A_92 : i32
        %add3A_226 = arith.constant 2 : i32
        %add3A_227 = arith.addi %add3A_225, %add3A_226 : i32
        %dma_start3A_228 = arith.constant 0 : i32
        %dma_start3A_229 = arith.constant 0 : i32
        %dma_start3A_230 = tpu.memref_slice %arg3[%add3A_227, %dma_start3A_228, %dma_start3A_229] : memref<5056x2x64xi32, #tpu.memory_space<hbm>> -> memref<1x2x64xi32, #tpu.memory_space<hbm>>
        %dma_start3A_231 = tpu.memref_squeeze %dma_start3A_230 : memref<1x2x64xi32, #tpu.memory_space<hbm>> -> memref<2x64xi32, #tpu.memory_space<hbm>>
        %dma_start3A_232 = arith.constant 0 : i32
        %dma_start3A_233 = arith.constant 0 : i32
        %dma_start3A_234 = tpu.memref_slice %arg3[%add3A_227, %dma_start3A_232, %dma_start3A_233] : memref<5056x2x64xi32, #tpu.memory_space<hbm>> -> memref<1x2x64xi32, #tpu.memory_space<hbm>>
        %dma_start3A_235 = tpu.memref_squeeze %dma_start3A_234 : memref<1x2x64xi32, #tpu.memory_space<hbm>> -> memref<2x64xi32, #tpu.memory_space<hbm>>
        tpu.enqueue_dma source(%dma_start3A_235 : memref<2x64xi32, #tpu.memory_space<hbm>>) target(%arg10 : memref<2x64xi32, #tpu.memory_space<vmem>>) target_semaphore(%arg18 : memref<!tpu.dma_semaphore, #tpu.memory_space<semaphore_mem>>)
      } else {
      }
      %add3A_100 = arith.constant 1 : i32
      %add3A_101 = arith.addi %add3A_92, %add3A_100 : i32
      %lt3A_102 = arith.cmpi slt, %add3A_101, %select_n3A : i32
      %convert_element_type3A_103 = arith.extui %lt3A_102 : i1 to i32
      %cond3A_104 = arith.constant 0 : i32
      %cond3A_105 = arith.cmpi ne, %convert_element_type3A_103, %cond3A_104 : i32
      scf.if %cond3A_105 {
        %add3A_225 = arith.addi %select_n3A_8, %add3A_92 : i32
        %add3A_226 = arith.constant 1 : i32
        %add3A_227 = arith.addi %add3A_225, %add3A_226 : i32
        %dma_wait3A_228 = arith.constant 0 : i32
        %dma_wait3A_229 = arith.constant 0 : i32
        %dma_wait3A_230 = tpu.memref_slice %arg3[%add3A_227, %dma_wait3A_228, %dma_wait3A_229] : memref<5056x2x64xi32, #tpu.memory_space<hbm>> -> memref<1x2x64xi32, #tpu.memory_space<hbm>>
        %dma_wait3A_231 = tpu.memref_squeeze %dma_wait3A_230 : memref<1x2x64xi32, #tpu.memory_space<hbm>> -> memref<2x64xi32, #tpu.memory_space<hbm>>
        %dma_wait3A_232 = arith.constant 0 : i32
        %dma_wait3A_233 = arith.constant 0 : i32
        %dma_wait3A_234 = tpu.memref_slice %arg3[%add3A_227, %dma_wait3A_232, %dma_wait3A_233] : memref<5056x2x64xi32, #tpu.memory_space<hbm>> -> memref<1x2x64xi32, #tpu.memory_space<hbm>>
        %dma_wait3A_235 = tpu.memref_squeeze %dma_wait3A_234 : memref<1x2x64xi32, #tpu.memory_space<hbm>> -> memref<2x64xi32, #tpu.memory_space<hbm>>
        tpu.wait_dma2 semaphore(%arg17 : memref<!tpu.dma_semaphore, #tpu.memory_space<semaphore_mem>>) src(%dma_wait3A_235 : memref<2x64xi32, #tpu.memory_space<hbm>>) dst(%arg9 : memref<2x64xi32, #tpu.memory_space<vmem>>)
        %dma_start3A_236 = arith.constant 0 : i32
        %dma_start3A_237 = arith.constant 0 : i32
        %dma_start3A_238 = tpu.memref_slice %arg9[%dma_start3A_236, %dma_start3A_237] : memref<2x64xi32, #tpu.memory_space<vmem>> -> memref<1x64xi32, #tpu.memory_space<vmem>>
        %dma_start3A_239 = tpu.memref_squeeze %dma_start3A_238 : memref<1x64xi32, #tpu.memory_space<vmem>> -> memref<64xi32, #tpu.memory_space<vmem>>
        %dma_start3A_240 = arith.constant 0 : i32
        %dma_start3A_241 = arith.constant 0 : i32
        %dma_start3A_242 = tpu.memref_slice %arg2[%dma_start3A_240, %dma_start3A_241] : memref<10240x128xf32, #tpu.memory_space<hbm>> -> memref<10240x128xf32, #tpu.memory_space<hbm>>
        tpu.enqueue_indirect_dma source(%dma_start3A_242 : memref<10240x128xf32, #tpu.memory_space<hbm>>) target(%arg13 : memref<64x128xf32, #tpu.memory_space<vmem>>) offsets(%dma_start3A_239 : memref<64xi32, #tpu.memory_space<vmem>>) semaphore(%arg21 : memref<!tpu.dma_semaphore, #tpu.memory_space<semaphore_mem>>)
      } else {
      }
      %dma_wait3A_106 = arith.constant 0 : i32
      %dma_wait3A_107 = arith.constant 0 : i32
      %dma_wait3A_108 = tpu.memref_slice %arg8[%dma_wait3A_106, %dma_wait3A_107] : memref<2x64xi32, #tpu.memory_space<vmem>> -> memref<1x64xi32, #tpu.memory_space<vmem>>
      %dma_wait3A_109 = tpu.memref_squeeze %dma_wait3A_108 : memref<1x64xi32, #tpu.memory_space<vmem>> -> memref<64xi32, #tpu.memory_space<vmem>>
      %dma_wait3A_110 = arith.constant 0 : i32
      %dma_wait3A_111 = arith.constant 0 : i32
      %dma_wait3A_112 = tpu.memref_slice %arg2[%dma_wait3A_110, %dma_wait3A_111] : memref<10240x128xf32, #tpu.memory_space<hbm>> -> memref<10240x128xf32, #tpu.memory_space<hbm>>
      tpu.wait_indirect_dma semaphore(%arg20 : memref<!tpu.dma_semaphore, #tpu.memory_space<semaphore_mem>>) src(%dma_wait3A_112 : memref<10240x128xf32, #tpu.memory_space<hbm>>) dst(%arg12 : memref<64x128xf32, #tpu.memory_space<vmem>>)
      %dma_start3A_113 = arith.constant 1 : i32
      %dma_start3A_114 = arith.constant 0 : i32
      %dma_start3A_115 = tpu.memref_slice %arg8[%dma_start3A_113, %dma_start3A_114] : memref<2x64xi32, #tpu.memory_space<vmem>> -> memref<1x64xi32, #tpu.memory_space<vmem>>
      %dma_start3A_116 = tpu.memref_squeeze %dma_start3A_115 : memref<1x64xi32, #tpu.memory_space<vmem>> -> memref<64xi32, #tpu.memory_space<vmem>>
      %dma_start3A_117 = arith.constant 0 : i32
      %dma_start3A_118 = arith.constant 0 : i32
      %dma_start3A_119 = tpu.memref_slice %arg7[%dma_start3A_117, %dma_start3A_118] : memref<10240x128xf32, #tpu.memory_space<vmem_shared>> -> memref<10240x128xf32, #tpu.memory_space<vmem_shared>>
      tpu.enqueue_indirect_dma source(%arg12 : memref<64x128xf32, #tpu.memory_space<vmem>>) target(%dma_start3A_119 : memref<10240x128xf32, #tpu.memory_space<vmem_shared>>) offsets(%dma_start3A_116 : memref<64xi32, #tpu.memory_space<vmem>>) semaphore(%arg24 : memref<!tpu.dma_semaphore, #tpu.memory_space<semaphore_mem>>) {add = true}
      %mul3A_120 = arith.constant 4 : i32
      %mul3A_121 = arith.muli %mul3A_120, %while3A_88 : i32
      %add3A_122 = arith.constant 1 : i32
      %add3A_123 = arith.addi %mul3A_121, %add3A_122 : i32
      %ge3A_124 = arith.constant 2 : i32
      %ge3A_125 = arith.cmpi sge, %add3A_123, %ge3A_124 : i32
      %convert_element_type3A_126 = arith.extui %ge3A_125 : i1 to i32
      %cond3A_127 = arith.constant 0 : i32
      %cond3A_128 = arith.cmpi ne, %convert_element_type3A_126, %cond3A_127 : i32
      scf.if %cond3A_128 {
        %dma_wait3A_225 = arith.constant 1 : i32
        %dma_wait3A_226 = arith.constant 0 : i32
        %dma_wait3A_227 = tpu.memref_slice %arg11[%dma_wait3A_225, %dma_wait3A_226] : memref<2x64xi32, #tpu.memory_space<vmem>> -> memref<1x64xi32, #tpu.memory_space<vmem>>
        %dma_wait3A_228 = tpu.memref_squeeze %dma_wait3A_227 : memref<1x64xi32, #tpu.memory_space<vmem>> -> memref<64xi32, #tpu.memory_space<vmem>>
        %dma_wait3A_229 = arith.constant 0 : i32
        %dma_wait3A_230 = arith.constant 0 : i32
        %dma_wait3A_231 = tpu.memref_slice %arg7[%dma_wait3A_229, %dma_wait3A_230] : memref<10240x128xf32, #tpu.memory_space<vmem_shared>> -> memref<10240x128xf32, #tpu.memory_space<vmem_shared>>
        tpu.wait_indirect_dma semaphore(%arg27 : memref<!tpu.dma_semaphore, #tpu.memory_space<semaphore_mem>>) src(%arg15 : memref<64x128xf32, #tpu.memory_space<vmem>>) dst(%dma_wait3A_231 : memref<10240x128xf32, #tpu.memory_space<vmem_shared>>)
      } else {
      }
      %add3A_129 = arith.constant 2 : i32
      %add3A_130 = arith.addi %add3A_123, %add3A_129 : i32
      %lt3A_131 = arith.cmpi slt, %add3A_130, %select_n3A : i32
      %convert_element_type3A_132 = arith.extui %lt3A_131 : i1 to i32
      %cond3A_133 = arith.constant 0 : i32
      %cond3A_134 = arith.cmpi ne, %convert_element_type3A_132, %cond3A_133 : i32
      scf.if %cond3A_134 {
        %add3A_225 = arith.addi %select_n3A_8, %add3A_123 : i32
        %add3A_226 = arith.constant 2 : i32
        %add3A_227 = arith.addi %add3A_225, %add3A_226 : i32
        %dma_start3A_228 = arith.constant 0 : i32
        %dma_start3A_229 = arith.constant 0 : i32
        %dma_start3A_230 = tpu.memref_slice %arg3[%add3A_227, %dma_start3A_228, %dma_start3A_229] : memref<5056x2x64xi32, #tpu.memory_space<hbm>> -> memref<1x2x64xi32, #tpu.memory_space<hbm>>
        %dma_start3A_231 = tpu.memref_squeeze %dma_start3A_230 : memref<1x2x64xi32, #tpu.memory_space<hbm>> -> memref<2x64xi32, #tpu.memory_space<hbm>>
        %dma_start3A_232 = arith.constant 0 : i32
        %dma_start3A_233 = arith.constant 0 : i32
        %dma_start3A_234 = tpu.memref_slice %arg3[%add3A_227, %dma_start3A_232, %dma_start3A_233] : memref<5056x2x64xi32, #tpu.memory_space<hbm>> -> memref<1x2x64xi32, #tpu.memory_space<hbm>>
        %dma_start3A_235 = tpu.memref_squeeze %dma_start3A_234 : memref<1x2x64xi32, #tpu.memory_space<hbm>> -> memref<2x64xi32, #tpu.memory_space<hbm>>
        tpu.enqueue_dma source(%dma_start3A_235 : memref<2x64xi32, #tpu.memory_space<hbm>>) target(%arg11 : memref<2x64xi32, #tpu.memory_space<vmem>>) target_semaphore(%arg19 : memref<!tpu.dma_semaphore, #tpu.memory_space<semaphore_mem>>)
      } else {
      }
      %add3A_135 = arith.constant 1 : i32
      %add3A_136 = arith.addi %add3A_123, %add3A_135 : i32
      %lt3A_137 = arith.cmpi slt, %add3A_136, %select_n3A : i32
      %convert_element_type3A_138 = arith.extui %lt3A_137 : i1 to i32
      %cond3A_139 = arith.constant 0 : i32
      %cond3A_140 = arith.cmpi ne, %convert_element_type3A_138, %cond3A_139 : i32
      scf.if %cond3A_140 {
        %add3A_225 = arith.addi %select_n3A_8, %add3A_123 : i32
        %add3A_226 = arith.constant 1 : i32
        %add3A_227 = arith.addi %add3A_225, %add3A_226 : i32
        %dma_wait3A_228 = arith.constant 0 : i32
        %dma_wait3A_229 = arith.constant 0 : i32
        %dma_wait3A_230 = tpu.memref_slice %arg3[%add3A_227, %dma_wait3A_228, %dma_wait3A_229] : memref<5056x2x64xi32, #tpu.memory_space<hbm>> -> memref<1x2x64xi32, #tpu.memory_space<hbm>>
        %dma_wait3A_231 = tpu.memref_squeeze %dma_wait3A_230 : memref<1x2x64xi32, #tpu.memory_space<hbm>> -> memref<2x64xi32, #tpu.memory_space<hbm>>
        %dma_wait3A_232 = arith.constant 0 : i32
        %dma_wait3A_233 = arith.constant 0 : i32
        %dma_wait3A_234 = tpu.memref_slice %arg3[%add3A_227, %dma_wait3A_232, %dma_wait3A_233] : memref<5056x2x64xi32, #tpu.memory_space<hbm>> -> memref<1x2x64xi32, #tpu.memory_space<hbm>>
        %dma_wait3A_235 = tpu.memref_squeeze %dma_wait3A_234 : memref<1x2x64xi32, #tpu.memory_space<hbm>> -> memref<2x64xi32, #tpu.memory_space<hbm>>
        tpu.wait_dma2 semaphore(%arg18 : memref<!tpu.dma_semaphore, #tpu.memory_space<semaphore_mem>>) src(%dma_wait3A_235 : memref<2x64xi32, #tpu.memory_space<hbm>>) dst(%arg10 : memref<2x64xi32, #tpu.memory_space<vmem>>)
        %dma_start3A_236 = arith.constant 0 : i32
        %dma_start3A_237 = arith.constant 0 : i32
        %dma_start3A_238 = tpu.memref_slice %arg10[%dma_start3A_236, %dma_start3A_237] : memref<2x64xi32, #tpu.memory_space<vmem>> -> memref<1x64xi32, #tpu.memory_space<vmem>>
        %dma_start3A_239 = tpu.memref_squeeze %dma_start3A_238 : memref<1x64xi32, #tpu.memory_space<vmem>> -> memref<64xi32, #tpu.memory_space<vmem>>
        %dma_start3A_240 = arith.constant 0 : i32
        %dma_start3A_241 = arith.constant 0 : i32
        %dma_start3A_242 = tpu.memref_slice %arg2[%dma_start3A_240, %dma_start3A_241] : memref<10240x128xf32, #tpu.memory_space<hbm>> -> memref<10240x128xf32, #tpu.memory_space<hbm>>
        tpu.enqueue_indirect_dma source(%dma_start3A_242 : memref<10240x128xf32, #tpu.memory_space<hbm>>) target(%arg14 : memref<64x128xf32, #tpu.memory_space<vmem>>) offsets(%dma_start3A_239 : memref<64xi32, #tpu.memory_space<vmem>>) semaphore(%arg22 : memref<!tpu.dma_semaphore, #tpu.memory_space<semaphore_mem>>)
      } else {
      }
      %dma_wait3A_141 = arith.constant 0 : i32
      %dma_wait3A_142 = arith.constant 0 : i32
      %dma_wait3A_143 = tpu.memref_slice %arg9[%dma_wait3A_141, %dma_wait3A_142] : memref<2x64xi32, #tpu.memory_space<vmem>> -> memref<1x64xi32, #tpu.memory_space<vmem>>
      %dma_wait3A_144 = tpu.memref_squeeze %dma_wait3A_143 : memref<1x64xi32, #tpu.memory_space<vmem>> -> memref<64xi32, #tpu.memory_space<vmem>>
      %dma_wait3A_145 = arith.constant 0 : i32
      %dma_wait3A_146 = arith.constant 0 : i32
      %dma_wait3A_147 = tpu.memref_slice %arg2[%dma_wait3A_145, %dma_wait3A_146] : memref<10240x128xf32, #tpu.memory_space<hbm>> -> memref<10240x128xf32, #tpu.memory_space<hbm>>
      tpu.wait_indirect_dma semaphore(%arg21 : memref<!tpu.dma_semaphore, #tpu.memory_space<semaphore_mem>>) src(%dma_wait3A_147 : memref<10240x128xf32, #tpu.memory_space<hbm>>) dst(%arg13 : memref<64x128xf32, #tpu.memory_space<vmem>>)
      %dma_start3A_148 = arith.constant 1 : i32
      %dma_start3A_149 = arith.constant 0 : i32
      %dma_start3A_150 = tpu.memref_slice %arg9[%dma_start3A_148, %dma_start3A_149] : memref<2x64xi32, #tpu.memory_space<vmem>> -> memref<1x64xi32, #tpu.memory_space<vmem>>
      %dma_start3A_151 = tpu.memref_squeeze %dma_start3A_150 : memref<1x64xi32, #tpu.memory_space<vmem>> -> memref<64xi32, #tpu.memory_space<vmem>>
      %dma_start3A_152 = arith.constant 0 : i32
      %dma_start3A_153 = arith.constant 0 : i32
      %dma_start3A_154 = tpu.memref_slice %arg7[%dma_start3A_152, %dma_start3A_153] : memref<10240x128xf32, #tpu.memory_space<vmem_shared>> -> memref<10240x128xf32, #tpu.memory_space<vmem_shared>>
      tpu.enqueue_indirect_dma source(%arg13 : memref<64x128xf32, #tpu.memory_space<vmem>>) target(%dma_start3A_154 : memref<10240x128xf32, #tpu.memory_space<vmem_shared>>) offsets(%dma_start3A_151 : memref<64xi32, #tpu.memory_space<vmem>>) semaphore(%arg25 : memref<!tpu.dma_semaphore, #tpu.memory_space<semaphore_mem>>) {add = true}
      %mul3A_155 = arith.constant 4 : i32
      %mul3A_156 = arith.muli %mul3A_155, %while3A_88 : i32
      %add3A_157 = arith.constant 2 : i32
      %add3A_158 = arith.addi %mul3A_156, %add3A_157 : i32
      %ge3A_159 = arith.constant 2 : i32
      %ge3A_160 = arith.cmpi sge, %add3A_158, %ge3A_159 : i32
      %convert_element_type3A_161 = arith.extui %ge3A_160 : i1 to i32
      %cond3A_162 = arith.constant 0 : i32
      %cond3A_163 = arith.cmpi ne, %convert_element_type3A_161, %cond3A_162 : i32
      scf.if %cond3A_163 {
        %dma_wait3A_225 = arith.constant 1 : i32
        %dma_wait3A_226 = arith.constant 0 : i32
        %dma_wait3A_227 = tpu.memref_slice %arg8[%dma_wait3A_225, %dma_wait3A_226] : memref<2x64xi32, #tpu.memory_space<vmem>> -> memref<1x64xi32, #tpu.memory_space<vmem>>
        %dma_wait3A_228 = tpu.memref_squeeze %dma_wait3A_227 : memref<1x64xi32, #tpu.memory_space<vmem>> -> memref<64xi32, #tpu.memory_space<vmem>>
        %dma_wait3A_229 = arith.constant 0 : i32
        %dma_wait3A_230 = arith.constant 0 : i32
        %dma_wait3A_231 = tpu.memref_slice %arg7[%dma_wait3A_229, %dma_wait3A_230] : memref<10240x128xf32, #tpu.memory_space<vmem_shared>> -> memref<10240x128xf32, #tpu.memory_space<vmem_shared>>
        tpu.wait_indirect_dma semaphore(%arg24 : memref<!tpu.dma_semaphore, #tpu.memory_space<semaphore_mem>>) src(%arg12 : memref<64x128xf32, #tpu.memory_space<vmem>>) dst(%dma_wait3A_231 : memref<10240x128xf32, #tpu.memory_space<vmem_shared>>)
      } else {
      }
      %add3A_164 = arith.constant 2 : i32
      %add3A_165 = arith.addi %add3A_158, %add3A_164 : i32
      %lt3A_166 = arith.cmpi slt, %add3A_165, %select_n3A : i32
      %convert_element_type3A_167 = arith.extui %lt3A_166 : i1 to i32
      %cond3A_168 = arith.constant 0 : i32
      %cond3A_169 = arith.cmpi ne, %convert_element_type3A_167, %cond3A_168 : i32
      scf.if %cond3A_169 {
        %add3A_225 = arith.addi %select_n3A_8, %add3A_158 : i32
        %add3A_226 = arith.constant 2 : i32
        %add3A_227 = arith.addi %add3A_225, %add3A_226 : i32
        %dma_start3A_228 = arith.constant 0 : i32
        %dma_start3A_229 = arith.constant 0 : i32
        %dma_start3A_230 = tpu.memref_slice %arg3[%add3A_227, %dma_start3A_228, %dma_start3A_229] : memref<5056x2x64xi32, #tpu.memory_space<hbm>> -> memref<1x2x64xi32, #tpu.memory_space<hbm>>
        %dma_start3A_231 = tpu.memref_squeeze %dma_start3A_230 : memref<1x2x64xi32, #tpu.memory_space<hbm>> -> memref<2x64xi32, #tpu.memory_space<hbm>>
        %dma_start3A_232 = arith.constant 0 : i32
        %dma_start3A_233 = arith.constant 0 : i32
        %dma_start3A_234 = tpu.memref_slice %arg3[%add3A_227, %dma_start3A_232, %dma_start3A_233] : memref<5056x2x64xi32, #tpu.memory_space<hbm>> -> memref<1x2x64xi32, #tpu.memory_space<hbm>>
        %dma_start3A_235 = tpu.memref_squeeze %dma_start3A_234 : memref<1x2x64xi32, #tpu.memory_space<hbm>> -> memref<2x64xi32, #tpu.memory_space<hbm>>
        tpu.enqueue_dma source(%dma_start3A_235 : memref<2x64xi32, #tpu.memory_space<hbm>>) target(%arg8 : memref<2x64xi32, #tpu.memory_space<vmem>>) target_semaphore(%arg16 : memref<!tpu.dma_semaphore, #tpu.memory_space<semaphore_mem>>)
      } else {
      }
      %add3A_170 = arith.constant 1 : i32
      %add3A_171 = arith.addi %add3A_158, %add3A_170 : i32
      %lt3A_172 = arith.cmpi slt, %add3A_171, %select_n3A : i32
      %convert_element_type3A_173 = arith.extui %lt3A_172 : i1 to i32
      %cond3A_174 = arith.constant 0 : i32
      %cond3A_175 = arith.cmpi ne, %convert_element_type3A_173, %cond3A_174 : i32
      scf.if %cond3A_175 {
        %add3A_225 = arith.addi %select_n3A_8, %add3A_158 : i32
        %add3A_226 = arith.constant 1 : i32
        %add3A_227 = arith.addi %add3A_225, %add3A_226 : i32
        %dma_wait3A_228 = arith.constant 0 : i32
        %dma_wait3A_229 = arith.constant 0 : i32
        %dma_wait3A_230 = tpu.memref_slice %arg3[%add3A_227, %dma_wait3A_228, %dma_wait3A_229] : memref<5056x2x64xi32, #tpu.memory_space<hbm>> -> memref<1x2x64xi32, #tpu.memory_space<hbm>>
        %dma_wait3A_231 = tpu.memref_squeeze %dma_wait3A_230 : memref<1x2x64xi32, #tpu.memory_space<hbm>> -> memref<2x64xi32, #tpu.memory_space<hbm>>
        %dma_wait3A_232 = arith.constant 0 : i32
        %dma_wait3A_233 = arith.constant 0 : i32
        %dma_wait3A_234 = tpu.memref_slice %arg3[%add3A_227, %dma_wait3A_232, %dma_wait3A_233] : memref<5056x2x64xi32, #tpu.memory_space<hbm>> -> memref<1x2x64xi32, #tpu.memory_space<hbm>>
        %dma_wait3A_235 = tpu.memref_squeeze %dma_wait3A_234 : memref<1x2x64xi32, #tpu.memory_space<hbm>> -> memref<2x64xi32, #tpu.memory_space<hbm>>
        tpu.wait_dma2 semaphore(%arg19 : memref<!tpu.dma_semaphore, #tpu.memory_space<semaphore_mem>>) src(%dma_wait3A_235 : memref<2x64xi32, #tpu.memory_space<hbm>>) dst(%arg11 : memref<2x64xi32, #tpu.memory_space<vmem>>)
        %dma_start3A_236 = arith.constant 0 : i32
        %dma_start3A_237 = arith.constant 0 : i32
        %dma_start3A_238 = tpu.memref_slice %arg11[%dma_start3A_236, %dma_start3A_237] : memref<2x64xi32, #tpu.memory_space<vmem>> -> memref<1x64xi32, #tpu.memory_space<vmem>>
        %dma_start3A_239 = tpu.memref_squeeze %dma_start3A_238 : memref<1x64xi32, #tpu.memory_space<vmem>> -> memref<64xi32, #tpu.memory_space<vmem>>
        %dma_start3A_240 = arith.constant 0 : i32
        %dma_start3A_241 = arith.constant 0 : i32
        %dma_start3A_242 = tpu.memref_slice %arg2[%dma_start3A_240, %dma_start3A_241] : memref<10240x128xf32, #tpu.memory_space<hbm>> -> memref<10240x128xf32, #tpu.memory_space<hbm>>
        tpu.enqueue_indirect_dma source(%dma_start3A_242 : memref<10240x128xf32, #tpu.memory_space<hbm>>) target(%arg15 : memref<64x128xf32, #tpu.memory_space<vmem>>) offsets(%dma_start3A_239 : memref<64xi32, #tpu.memory_space<vmem>>) semaphore(%arg23 : memref<!tpu.dma_semaphore, #tpu.memory_space<semaphore_mem>>)
      } else {
      }
      %dma_wait3A_176 = arith.constant 0 : i32
      %dma_wait3A_177 = arith.constant 0 : i32
      %dma_wait3A_178 = tpu.memref_slice %arg10[%dma_wait3A_176, %dma_wait3A_177] : memref<2x64xi32, #tpu.memory_space<vmem>> -> memref<1x64xi32, #tpu.memory_space<vmem>>
      %dma_wait3A_179 = tpu.memref_squeeze %dma_wait3A_178 : memref<1x64xi32, #tpu.memory_space<vmem>> -> memref<64xi32, #tpu.memory_space<vmem>>
      %dma_wait3A_180 = arith.constant 0 : i32
      %dma_wait3A_181 = arith.constant 0 : i32
      %dma_wait3A_182 = tpu.memref_slice %arg2[%dma_wait3A_180, %dma_wait3A_181] : memref<10240x128xf32, #tpu.memory_space<hbm>> -> memref<10240x128xf32, #tpu.memory_space<hbm>>
      tpu.wait_indirect_dma semaphore(%arg22 : memref<!tpu.dma_semaphore, #tpu.memory_space<semaphore_mem>>) src(%dma_wait3A_182 : memref<10240x128xf32, #tpu.memory_space<hbm>>) dst(%arg14 : memref<64x128xf32, #tpu.memory_space<vmem>>)
      %dma_start3A_183 = arith.constant 1 : i32
      %dma_start3A_184 = arith.constant 0 : i32
      %dma_start3A_185 = tpu.memref_slice %arg10[%dma_start3A_183, %dma_start3A_184] : memref<2x64xi32, #tpu.memory_space<vmem>> -> memref<1x64xi32, #tpu.memory_space<vmem>>
      %dma_start3A_186 = tpu.memref_squeeze %dma_start3A_185 : memref<1x64xi32, #tpu.memory_space<vmem>> -> memref<64xi32, #tpu.memory_space<vmem>>
      %dma_start3A_187 = arith.constant 0 : i32
      %dma_start3A_188 = arith.constant 0 : i32
      %dma_start3A_189 = tpu.memref_slice %arg7[%dma_start3A_187, %dma_start3A_188] : memref<10240x128xf32, #tpu.memory_space<vmem_shared>> -> memref<10240x128xf32, #tpu.memory_space<vmem_shared>>
      tpu.enqueue_indirect_dma source(%arg14 : memref<64x128xf32, #tpu.memory_space<vmem>>) target(%dma_start3A_189 : memref<10240x128xf32, #tpu.memory_space<vmem_shared>>) offsets(%dma_start3A_186 : memref<64xi32, #tpu.memory_space<vmem>>) semaphore(%arg26 : memref<!tpu.dma_semaphore, #tpu.memory_space<semaphore_mem>>) {add = true}
      %mul3A_190 = arith.constant 4 : i32
      %mul3A_191 = arith.muli %mul3A_190, %while3A_88 : i32
      %add3A_192 = arith.constant 3 : i32
      %add3A_193 = arith.addi %mul3A_191, %add3A_192 : i32
      %ge3A_194 = arith.constant 2 : i32
      %ge3A_195 = arith.cmpi sge, %add3A_193, %ge3A_194 : i32
      %convert_element_type3A_196 = arith.extui %ge3A_195 : i1 to i32
      %cond3A_197 = arith.constant 0 : i32
      %cond3A_198 = arith.cmpi ne, %convert_element_type3A_196, %cond3A_197 : i32
      scf.if %cond3A_198 {
        %dma_wait3A_225 = arith.constant 1 : i32
        %dma_wait3A_226 = arith.constant 0 : i32
        %dma_wait3A_227 = tpu.memref_slice %arg9[%dma_wait3A_225, %dma_wait3A_226] : memref<2x64xi32, #tpu.memory_space<vmem>> -> memref<1x64xi32, #tpu.memory_space<vmem>>
        %dma_wait3A_228 = tpu.memref_squeeze %dma_wait3A_227 : memref<1x64xi32, #tpu.memory_space<vmem>> -> memref<64xi32, #tpu.memory_space<vmem>>
        %dma_wait3A_229 = arith.constant 0 : i32
        %dma_wait3A_230 = arith.constant 0 : i32
        %dma_wait3A_231 = tpu.memref_slice %arg7[%dma_wait3A_229, %dma_wait3A_230] : memref<10240x128xf32, #tpu.memory_space<vmem_shared>> -> memref<10240x128xf32, #tpu.memory_space<vmem_shared>>
        tpu.wait_indirect_dma semaphore(%arg25 : memref<!tpu.dma_semaphore, #tpu.memory_space<semaphore_mem>>) src(%arg13 : memref<64x128xf32, #tpu.memory_space<vmem>>) dst(%dma_wait3A_231 : memref<10240x128xf32, #tpu.memory_space<vmem_shared>>)
      } else {
      }
      %add3A_199 = arith.constant 2 : i32
      %add3A_200 = arith.addi %add3A_193, %add3A_199 : i32
      %lt3A_201 = arith.cmpi slt, %add3A_200, %select_n3A : i32
      %convert_element_type3A_202 = arith.extui %lt3A_201 : i1 to i32
      %cond3A_203 = arith.constant 0 : i32
      %cond3A_204 = arith.cmpi ne, %convert_element_type3A_202, %cond3A_203 : i32
      scf.if %cond3A_204 {
        %add3A_225 = arith.addi %select_n3A_8, %add3A_193 : i32
        %add3A_226 = arith.constant 2 : i32
        %add3A_227 = arith.addi %add3A_225, %add3A_226 : i32
        %dma_start3A_228 = arith.constant 0 : i32
        %dma_start3A_229 = arith.constant 0 : i32
        %dma_start3A_230 = tpu.memref_slice %arg3[%add3A_227, %dma_start3A_228, %dma_start3A_229] : memref<5056x2x64xi32, #tpu.memory_space<hbm>> -> memref<1x2x64xi32, #tpu.memory_space<hbm>>
        %dma_start3A_231 = tpu.memref_squeeze %dma_start3A_230 : memref<1x2x64xi32, #tpu.memory_space<hbm>> -> memref<2x64xi32, #tpu.memory_space<hbm>>
        %dma_start3A_232 = arith.constant 0 : i32
        %dma_start3A_233 = arith.constant 0 : i32
        %dma_start3A_234 = tpu.memref_slice %arg3[%add3A_227, %dma_start3A_232, %dma_start3A_233] : memref<5056x2x64xi32, #tpu.memory_space<hbm>> -> memref<1x2x64xi32, #tpu.memory_space<hbm>>
        %dma_start3A_235 = tpu.memref_squeeze %dma_start3A_234 : memref<1x2x64xi32, #tpu.memory_space<hbm>> -> memref<2x64xi32, #tpu.memory_space<hbm>>
        tpu.enqueue_dma source(%dma_start3A_235 : memref<2x64xi32, #tpu.memory_space<hbm>>) target(%arg9 : memref<2x64xi32, #tpu.memory_space<vmem>>) target_semaphore(%arg17 : memref<!tpu.dma_semaphore, #tpu.memory_space<semaphore_mem>>)
      } else {
      }
      %add3A_205 = arith.constant 1 : i32
      %add3A_206 = arith.addi %add3A_193, %add3A_205 : i32
      %lt3A_207 = arith.cmpi slt, %add3A_206, %select_n3A : i32
      %convert_element_type3A_208 = arith.extui %lt3A_207 : i1 to i32
      %cond3A_209 = arith.constant 0 : i32
      %cond3A_210 = arith.cmpi ne, %convert_element_type3A_208, %cond3A_209 : i32
      scf.if %cond3A_210 {
        %add3A_225 = arith.addi %select_n3A_8, %add3A_193 : i32
        %add3A_226 = arith.constant 1 : i32
        %add3A_227 = arith.addi %add3A_225, %add3A_226 : i32
        %dma_wait3A_228 = arith.constant 0 : i32
        %dma_wait3A_229 = arith.constant 0 : i32
        %dma_wait3A_230 = tpu.memref_slice %arg3[%add3A_227, %dma_wait3A_228, %dma_wait3A_229] : memref<5056x2x64xi32, #tpu.memory_space<hbm>> -> memref<1x2x64xi32, #tpu.memory_space<hbm>>
        %dma_wait3A_231 = tpu.memref_squeeze %dma_wait3A_230 : memref<1x2x64xi32, #tpu.memory_space<hbm>> -> memref<2x64xi32, #tpu.memory_space<hbm>>
        %dma_wait3A_232 = arith.constant 0 : i32
        %dma_wait3A_233 = arith.constant 0 : i32
        %dma_wait3A_234 = tpu.memref_slice %arg3[%add3A_227, %dma_wait3A_232, %dma_wait3A_233] : memref<5056x2x64xi32, #tpu.memory_space<hbm>> -> memref<1x2x64xi32, #tpu.memory_space<hbm>>
        %dma_wait3A_235 = tpu.memref_squeeze %dma_wait3A_234 : memref<1x2x64xi32, #tpu.memory_space<hbm>> -> memref<2x64xi32, #tpu.memory_space<hbm>>
        tpu.wait_dma2 semaphore(%arg16 : memref<!tpu.dma_semaphore, #tpu.memory_space<semaphore_mem>>) src(%dma_wait3A_235 : memref<2x64xi32, #tpu.memory_space<hbm>>) dst(%arg8 : memref<2x64xi32, #tpu.memory_space<vmem>>)
        %dma_start3A_236 = arith.constant 0 : i32
        %dma_start3A_237 = arith.constant 0 : i32
        %dma_start3A_238 = tpu.memref_slice %arg8[%dma_start3A_236, %dma_start3A_237] : memref<2x64xi32, #tpu.memory_space<vmem>> -> memref<1x64xi32, #tpu.memory_space<vmem>>
        %dma_start3A_239 = tpu.memref_squeeze %dma_start3A_238 : memref<1x64xi32, #tpu.memory_space<vmem>> -> memref<64xi32, #tpu.memory_space<vmem>>
        %dma_start3A_240 = arith.constant 0 : i32
        %dma_start3A_241 = arith.constant 0 : i32
        %dma_start3A_242 = tpu.memref_slice %arg2[%dma_start3A_240, %dma_start3A_241] : memref<10240x128xf32, #tpu.memory_space<hbm>> -> memref<10240x128xf32, #tpu.memory_space<hbm>>
        tpu.enqueue_indirect_dma source(%dma_start3A_242 : memref<10240x128xf32, #tpu.memory_space<hbm>>) target(%arg12 : memref<64x128xf32, #tpu.memory_space<vmem>>) offsets(%dma_start3A_239 : memref<64xi32, #tpu.memory_space<vmem>>) semaphore(%arg20 : memref<!tpu.dma_semaphore, #tpu.memory_space<semaphore_mem>>)
      } else {
      }
      %dma_wait3A_211 = arith.constant 0 : i32
      %dma_wait3A_212 = arith.constant 0 : i32
      %dma_wait3A_213 = tpu.memref_slice %arg11[%dma_wait3A_211, %dma_wait3A_212] : memref<2x64xi32, #tpu.memory_space<vmem>> -> memref<1x64xi32, #tpu.memory_space<vmem>>
      %dma_wait3A_214 = tpu.memref_squeeze %dma_wait3A_213 : memref<1x64xi32, #tpu.memory_space<vmem>> -> memref<64xi32, #tpu.memory_space<vmem>>
      %dma_wait3A_215 = arith.constant 0 : i32
      %dma_wait3A_216 = arith.constant 0 : i32
      %dma_wait3A_217 = tpu.memref_slice %arg2[%dma_wait3A_215, %dma_wait3A_216] : memref<10240x128xf32, #tpu.memory_space<hbm>> -> memref<10240x128xf32, #tpu.memory_space<hbm>>
      tpu.wait_indirect_dma semaphore(%arg23 : memref<!tpu.dma_semaphore, #tpu.memory_space<semaphore_mem>>) src(%dma_wait3A_217 : memref<10240x128xf32, #tpu.memory_space<hbm>>) dst(%arg15 : memref<64x128xf32, #tpu.memory_space<vmem>>)
      %dma_start3A_218 = arith.constant 1 : i32
      %dma_start3A_219 = arith.constant 0 : i32
      %dma_start3A_220 = tpu.memref_slice %arg11[%dma_start3A_218, %dma_start3A_219] : memref<2x64xi32, #tpu.memory_space<vmem>> -> memref<1x64xi32, #tpu.memory_space<vmem>>
      %dma_start3A_221 = tpu.memref_squeeze %dma_start3A_220 : memref<1x64xi32, #tpu.memory_space<vmem>> -> memref<64xi32, #tpu.memory_space<vmem>>
      %dma_start3A_222 = arith.constant 0 : i32
      %dma_start3A_223 = arith.constant 0 : i32
      %dma_start3A_224 = tpu.memref_slice %arg7[%dma_start3A_222, %dma_start3A_223] : memref<10240x128xf32, #tpu.memory_space<vmem_shared>> -> memref<10240x128xf32, #tpu.memory_space<vmem_shared>>
      tpu.enqueue_indirect_dma source(%arg15 : memref<64x128xf32, #tpu.memory_space<vmem>>) target(%dma_start3A_224 : memref<10240x128xf32, #tpu.memory_space<vmem_shared>>) offsets(%dma_start3A_221 : memref<64xi32, #tpu.memory_space<vmem>>) semaphore(%arg27 : memref<!tpu.dma_semaphore, #tpu.memory_space<semaphore_mem>>) {add = true}
    }
    %while3A_70 = arith.constant 1 : i32
    scf.for %while3A_88 = %while3A_68 to %while3A_64 step %while3A_70  : i32 {
      %mul3A_89 = arith.constant 4 : i32
      %mul3A_90 = arith.muli %mul3A_89, %while3A_88 : i32
      %add3A_91 = arith.constant 0 : i32
      %add3A_92 = arith.addi %mul3A_90, %add3A_91 : i32
      %ge3A = arith.constant 2 : i32
      %ge3A_93 = arith.cmpi sge, %add3A_92, %ge3A : i32
      %convert_element_type3A = arith.extui %ge3A_93 : i1 to i32
      %cond3A = arith.constant 0 : i32
      %cond3A_94 = arith.cmpi ne, %convert_element_type3A, %cond3A : i32
      scf.if %cond3A_94 {
        %dma_wait3A_225 = arith.constant 1 : i32
        %dma_wait3A_226 = arith.constant 0 : i32
        %dma_wait3A_227 = tpu.memref_slice %arg10[%dma_wait3A_225, %dma_wait3A_226] : memref<2x64xi32, #tpu.memory_space<vmem>> -> memref<1x64xi32, #tpu.memory_space<vmem>>
        %dma_wait3A_228 = tpu.memref_squeeze %dma_wait3A_227 : memref<1x64xi32, #tpu.memory_space<vmem>> -> memref<64xi32, #tpu.memory_space<vmem>>
        %dma_wait3A_229 = arith.constant 0 : i32
        %dma_wait3A_230 = arith.constant 0 : i32
        %dma_wait3A_231 = tpu.memref_slice %arg7[%dma_wait3A_229, %dma_wait3A_230] : memref<10240x128xf32, #tpu.memory_space<vmem_shared>> -> memref<10240x128xf32, #tpu.memory_space<vmem_shared>>
        tpu.wait_indirect_dma semaphore(%arg26 : memref<!tpu.dma_semaphore, #tpu.memory_space<semaphore_mem>>) src(%arg14 : memref<64x128xf32, #tpu.memory_space<vmem>>) dst(%dma_wait3A_231 : memref<10240x128xf32, #tpu.memory_space<vmem_shared>>)
      } else {
      }
      %add3A_95 = arith.constant 2 : i32
      %add3A_96 = arith.addi %add3A_92, %add3A_95 : i32
      %lt3A = arith.cmpi slt, %add3A_96, %select_n3A : i32
      %convert_element_type3A_97 = arith.extui %lt3A : i1 to i32
      %cond3A_98 = arith.constant 0 : i32
      %cond3A_99 = arith.cmpi ne, %convert_element_type3A_97, %cond3A_98 : i32
      scf.if %cond3A_99 {
        %add3A_225 = arith.addi %select_n3A_8, %add3A_92 : i32
        %add3A_226 = arith.constant 2 : i32
        %add3A_227 = arith.addi %add3A_225, %add3A_226 : i32
        %dma_start3A_228 = arith.constant 0 : i32
        %dma_start3A_229 = arith.constant 0 : i32
        %dma_start3A_230 = tpu.memref_slice %arg3[%add3A_227, %dma_start3A_228, %dma_start3A_229] : memref<5056x2x64xi32, #tpu.memory_space<hbm>> -> memref<1x2x64xi32, #tpu.memory_space<hbm>>
        %dma_start3A_231 = tpu.memref_squeeze %dma_start3A_230 : memref<1x2x64xi32, #tpu.memory_space<hbm>> -> memref<2x64xi32, #tpu.memory_space<hbm>>
        %dma_start3A_232 = arith.constant 0 : i32
        %dma_start3A_233 = arith.constant 0 : i32
        %dma_start3A_234 = tpu.memref_slice %arg3[%add3A_227, %dma_start3A_232, %dma_start3A_233] : memref<5056x2x64xi32, #tpu.memory_space<hbm>> -> memref<1x2x64xi32, #tpu.memory_space<hbm>>
        %dma_start3A_235 = tpu.memref_squeeze %dma_start3A_234 : memref<1x2x64xi32, #tpu.memory_space<hbm>> -> memref<2x64xi32, #tpu.memory_space<hbm>>
        tpu.enqueue_dma source(%dma_start3A_235 : memref<2x64xi32, #tpu.memory_space<hbm>>) target(%arg10 : memref<2x64xi32, #tpu.memory_space<vmem>>) target_semaphore(%arg18 : memref<!tpu.dma_semaphore, #tpu.memory_space<semaphore_mem>>)
      } else {
      }
      %add3A_100 = arith.constant 1 : i32
      %add3A_101 = arith.addi %add3A_92, %add3A_100 : i32
      %lt3A_102 = arith.cmpi slt, %add3A_101, %select_n3A : i32
      %convert_element_type3A_103 = arith.extui %lt3A_102 : i1 to i32
      %cond3A_104 = arith.constant 0 : i32
      %cond3A_105 = arith.cmpi ne, %convert_element_type3A_103, %cond3A_104 : i32
      scf.if %cond3A_105 {
        %add3A_225 = arith.addi %select_n3A_8, %add3A_92 : i32
        %add3A_226 = arith.constant 1 : i32
        %add3A_227 = arith.addi %add3A_225, %add3A_226 : i32
        %dma_wait3A_228 = arith.constant 0 : i32
        %dma_wait3A_229 = arith.constant 0 : i32
        %dma_wait3A_230 = tpu.memref_slice %arg3[%add3A_227, %dma_wait3A_228, %dma_wait3A_229] : memref<5056x2x64xi32, #tpu.memory_space<hbm>> -> memref<1x2x64xi32, #tpu.memory_space<hbm>>
        %dma_wait3A_231 = tpu.memref_squeeze %dma_wait3A_230 : memref<1x2x64xi32, #tpu.memory_space<hbm>> -> memref<2x64xi32, #tpu.memory_space<hbm>>
        %dma_wait3A_232 = arith.constant 0 : i32
        %dma_wait3A_233 = arith.constant 0 : i32
        %dma_wait3A_234 = tpu.memref_slice %arg3[%add3A_227, %dma_wait3A_232, %dma_wait3A_233] : memref<5056x2x64xi32, #tpu.memory_space<hbm>> -> memref<1x2x64xi32, #tpu.memory_space<hbm>>
        %dma_wait3A_235 = tpu.memref_squeeze %dma_wait3A_234 : memref<1x2x64xi32, #tpu.memory_space<hbm>> -> memref<2x64xi32, #tpu.memory_space<hbm>>
        tpu.wait_dma2 semaphore(%arg17 : memref<!tpu.dma_semaphore, #tpu.memory_space<semaphore_mem>>) src(%dma_wait3A_235 : memref<2x64xi32, #tpu.memory_space<hbm>>) dst(%arg9 : memref<2x64xi32, #tpu.memory_space<vmem>>)
        %dma_start3A_236 = arith.constant 0 : i32
        %dma_start3A_237 = arith.constant 0 : i32
        %dma_start3A_238 = tpu.memref_slice %arg9[%dma_start3A_236, %dma_start3A_237] : memref<2x64xi32, #tpu.memory_space<vmem>> -> memref<1x64xi32, #tpu.memory_space<vmem>>
        %dma_start3A_239 = tpu.memref_squeeze %dma_start3A_238 : memref<1x64xi32, #tpu.memory_space<vmem>> -> memref<64xi32, #tpu.memory_space<vmem>>
        %dma_start3A_240 = arith.constant 0 : i32
        %dma_start3A_241 = arith.constant 0 : i32
        %dma_start3A_242 = tpu.memref_slice %arg2[%dma_start3A_240, %dma_start3A_241] : memref<10240x128xf32, #tpu.memory_space<hbm>> -> memref<10240x128xf32, #tpu.memory_space<hbm>>
        tpu.enqueue_indirect_dma source(%dma_start3A_242 : memref<10240x128xf32, #tpu.memory_space<hbm>>) target(%arg13 : memref<64x128xf32, #tpu.memory_space<vmem>>) offsets(%dma_start3A_239 : memref<64xi32, #tpu.memory_space<vmem>>) semaphore(%arg21 : memref<!tpu.dma_semaphore, #tpu.memory_space<semaphore_mem>>)
      } else {
      }
      %dma_wait3A_106 = arith.constant 0 : i32
      %dma_wait3A_107 = arith.constant 0 : i32
      %dma_wait3A_108 = tpu.memref_slice %arg8[%dma_wait3A_106, %dma_wait3A_107] : memref<2x64xi32, #tpu.memory_space<vmem>> -> memref<1x64xi32, #tpu.memory_space<vmem>>
      %dma_wait3A_109 = tpu.memref_squeeze %dma_wait3A_108 : memref<1x64xi32, #tpu.memory_space<vmem>> -> memref<64xi32, #tpu.memory_space<vmem>>
      %dma_wait3A_110 = arith.constant 0 : i32
      %dma_wait3A_111 = arith.constant 0 : i32
      %dma_wait3A_112 = tpu.memref_slice %arg2[%dma_wait3A_110, %dma_wait3A_111] : memref<10240x128xf32, #tpu.memory_space<hbm>> -> memref<10240x128xf32, #tpu.memory_space<hbm>>
      tpu.wait_indirect_dma semaphore(%arg20 : memref<!tpu.dma_semaphore, #tpu.memory_space<semaphore_mem>>) src(%dma_wait3A_112 : memref<10240x128xf32, #tpu.memory_space<hbm>>) dst(%arg12 : memref<64x128xf32, #tpu.memory_space<vmem>>)
      %dma_start3A_113 = arith.constant 1 : i32
      %dma_start3A_114 = arith.constant 0 : i32
      %dma_start3A_115 = tpu.memref_slice %arg8[%dma_start3A_113, %dma_start3A_114] : memref<2x64xi32, #tpu.memory_space<vmem>> -> memref<1x64xi32, #tpu.memory_space<vmem>>
      %dma_start3A_116 = tpu.memref_squeeze %dma_start3A_115 : memref<1x64xi32, #tpu.memory_space<vmem>> -> memref<64xi32, #tpu.memory_space<vmem>>
      %dma_start3A_117 = arith.constant 0 : i32
      %dma_start3A_118 = arith.constant 0 : i32
      %dma_start3A_119 = tpu.memref_slice %arg7[%dma_start3A_117, %dma_start3A_118] : memref<10240x128xf32, #tpu.memory_space<vmem_shared>> -> memref<10240x128xf32, #tpu.memory_space<vmem_shared>>
      tpu.enqueue_indirect_dma source(%arg12 : memref<64x128xf32, #tpu.memory_space<vmem>>) target(%dma_start3A_119 : memref<10240x128xf32, #tpu.memory_space<vmem_shared>>) offsets(%dma_start3A_116 : memref<64xi32, #tpu.memory_space<vmem>>) semaphore(%arg24 : memref<!tpu.dma_semaphore, #tpu.memory_space<semaphore_mem>>) {add = true}
      %mul3A_120 = arith.constant 4 : i32
      %mul3A_121 = arith.muli %mul3A_120, %while3A_88 : i32
      %add3A_122 = arith.constant 1 : i32
      %add3A_123 = arith.addi %mul3A_121, %add3A_122 : i32
      %ge3A_124 = arith.constant 2 : i32
      %ge3A_125 = arith.cmpi sge, %add3A_123, %ge3A_124 : i32
      %convert_element_type3A_126 = arith.extui %ge3A_125 : i1 to i32
      %cond3A_127 = arith.constant 0 : i32
      %cond3A_128 = arith.cmpi ne, %convert_element_type3A_126, %cond3A_127 : i32
      scf.if %cond3A_128 {
        %dma_wait3A_225 = arith.constant 1 : i32
        %dma_wait3A_226 = arith.constant 0 : i32
        %dma_wait3A_227 = tpu.memref_slice %arg11[%dma_wait3A_225, %dma_wait3A_226] : memref<2x64xi32, #tpu.memory_space<vmem>> -> memref<1x64xi32, #tpu.memory_space<vmem>>
        %dma_wait3A_228 = tpu.memref_squeeze %dma_wait3A_227 : memref<1x64xi32, #tpu.memory_space<vmem>> -> memref<64xi32, #tpu.memory_space<vmem>>
        %dma_wait3A_229 = arith.constant 0 : i32
        %dma_wait3A_230 = arith.constant 0 : i32
        %dma_wait3A_231 = tpu.memref_slice %arg7[%dma_wait3A_229, %dma_wait3A_230] : memref<10240x128xf32, #tpu.memory_space<vmem_shared>> -> memref<10240x128xf32, #tpu.memory_space<vmem_shared>>
        tpu.wait_indirect_dma semaphore(%arg27 : memref<!tpu.dma_semaphore, #tpu.memory_space<semaphore_mem>>) src(%arg15 : memref<64x128xf32, #tpu.memory_space<vmem>>) dst(%dma_wait3A_231 : memref<10240x128xf32, #tpu.memory_space<vmem_shared>>)
      } else {
      }
      %add3A_129 = arith.constant 2 : i32
      %add3A_130 = arith.addi %add3A_123, %add3A_129 : i32
      %lt3A_131 = arith.cmpi slt, %add3A_130, %select_n3A : i32
      %convert_element_type3A_132 = arith.extui %lt3A_131 : i1 to i32
      %cond3A_133 = arith.constant 0 : i32
      %cond3A_134 = arith.cmpi ne, %convert_element_type3A_132, %cond3A_133 : i32
      scf.if %cond3A_134 {
        %add3A_225 = arith.addi %select_n3A_8, %add3A_123 : i32
        %add3A_226 = arith.constant 2 : i32
        %add3A_227 = arith.addi %add3A_225, %add3A_226 : i32
        %dma_start3A_228 = arith.constant 0 : i32
        %dma_start3A_229 = arith.constant 0 : i32
        %dma_start3A_230 = tpu.memref_slice %arg3[%add3A_227, %dma_start3A_228, %dma_start3A_229] : memref<5056x2x64xi32, #tpu.memory_space<hbm>> -> memref<1x2x64xi32, #tpu.memory_space<hbm>>
        %dma_start3A_231 = tpu.memref_squeeze %dma_start3A_230 : memref<1x2x64xi32, #tpu.memory_space<hbm>> -> memref<2x64xi32, #tpu.memory_space<hbm>>
        %dma_start3A_232 = arith.constant 0 : i32
        %dma_start3A_233 = arith.constant 0 : i32
        %dma_start3A_234 = tpu.memref_slice %arg3[%add3A_227, %dma_start3A_232, %dma_start3A_233] : memref<5056x2x64xi32, #tpu.memory_space<hbm>> -> memref<1x2x64xi32, #tpu.memory_space<hbm>>
        %dma_start3A_235 = tpu.memref_squeeze %dma_start3A_234 : memref<1x2x64xi32, #tpu.memory_space<hbm>> -> memref<2x64xi32, #tpu.memory_space<hbm>>
        tpu.enqueue_dma source(%dma_start3A_235 : memref<2x64xi32, #tpu.memory_space<hbm>>) target(%arg11 : memref<2x64xi32, #tpu.memory_space<vmem>>) target_semaphore(%arg19 : memref<!tpu.dma_semaphore, #tpu.memory_space<semaphore_mem>>)
      } else {
      }
      %add3A_135 = arith.constant 1 : i32
      %add3A_136 = arith.addi %add3A_123, %add3A_135 : i32
      %lt3A_137 = arith.cmpi slt, %add3A_136, %select_n3A : i32
      %convert_element_type3A_138 = arith.extui %lt3A_137 : i1 to i32
      %cond3A_139 = arith.constant 0 : i32
      %cond3A_140 = arith.cmpi ne, %convert_element_type3A_138, %cond3A_139 : i32
      scf.if %cond3A_140 {
        %add3A_225 = arith.addi %select_n3A_8, %add3A_123 : i32
        %add3A_226 = arith.constant 1 : i32
        %add3A_227 = arith.addi %add3A_225, %add3A_226 : i32
        %dma_wait3A_228 = arith.constant 0 : i32
        %dma_wait3A_229 = arith.constant 0 : i32
        %dma_wait3A_230 = tpu.memref_slice %arg3[%add3A_227, %dma_wait3A_228, %dma_wait3A_229] : memref<5056x2x64xi32, #tpu.memory_space<hbm>> -> memref<1x2x64xi32, #tpu.memory_space<hbm>>
        %dma_wait3A_231 = tpu.memref_squeeze %dma_wait3A_230 : memref<1x2x64xi32, #tpu.memory_space<hbm>> -> memref<2x64xi32, #tpu.memory_space<hbm>>
        %dma_wait3A_232 = arith.constant 0 : i32
        %dma_wait3A_233 = arith.constant 0 : i32
        %dma_wait3A_234 = tpu.memref_slice %arg3[%add3A_227, %dma_wait3A_232, %dma_wait3A_233] : memref<5056x2x64xi32, #tpu.memory_space<hbm>> -> memref<1x2x64xi32, #tpu.memory_space<hbm>>
        %dma_wait3A_235 = tpu.memref_squeeze %dma_wait3A_234 : memref<1x2x64xi32, #tpu.memory_space<hbm>> -> memref<2x64xi32, #tpu.memory_space<hbm>>
        tpu.wait_dma2 semaphore(%arg18 : memref<!tpu.dma_semaphore, #tpu.memory_space<semaphore_mem>>) src(%dma_wait3A_235 : memref<2x64xi32, #tpu.memory_space<hbm>>) dst(%arg10 : memref<2x64xi32, #tpu.memory_space<vmem>>)
        %dma_start3A_236 = arith.constant 0 : i32
        %dma_start3A_237 = arith.constant 0 : i32
        %dma_start3A_238 = tpu.memref_slice %arg10[%dma_start3A_236, %dma_start3A_237] : memref<2x64xi32, #tpu.memory_space<vmem>> -> memref<1x64xi32, #tpu.memory_space<vmem>>
        %dma_start3A_239 = tpu.memref_squeeze %dma_start3A_238 : memref<1x64xi32, #tpu.memory_space<vmem>> -> memref<64xi32, #tpu.memory_space<vmem>>
        %dma_start3A_240 = arith.constant 0 : i32
        %dma_start3A_241 = arith.constant 0 : i32
        %dma_start3A_242 = tpu.memref_slice %arg2[%dma_start3A_240, %dma_start3A_241] : memref<10240x128xf32, #tpu.memory_space<hbm>> -> memref<10240x128xf32, #tpu.memory_space<hbm>>
        tpu.enqueue_indirect_dma source(%dma_start3A_242 : memref<10240x128xf32, #tpu.memory_space<hbm>>) target(%arg14 : memref<64x128xf32, #tpu.memory_space<vmem>>) offsets(%dma_start3A_239 : memref<64xi32, #tpu.memory_space<vmem>>) semaphore(%arg22 : memref<!tpu.dma_semaphore, #tpu.memory_space<semaphore_mem>>)
      } else {
      }
      %dma_wait3A_141 = arith.constant 0 : i32
      %dma_wait3A_142 = arith.constant 0 : i32
      %dma_wait3A_143 = tpu.memref_slice %arg9[%dma_wait3A_141, %dma_wait3A_142] : memref<2x64xi32, #tpu.memory_space<vmem>> -> memref<1x64xi32, #tpu.memory_space<vmem>>
      %dma_wait3A_144 = tpu.memref_squeeze %dma_wait3A_143 : memref<1x64xi32, #tpu.memory_space<vmem>> -> memref<64xi32, #tpu.memory_space<vmem>>
      %dma_wait3A_145 = arith.constant 0 : i32
      %dma_wait3A_146 = arith.constant 0 : i32
      %dma_wait3A_147 = tpu.memref_slice %arg2[%dma_wait3A_145, %dma_wait3A_146] : memref<10240x128xf32, #tpu.memory_space<hbm>> -> memref<10240x128xf32, #tpu.memory_space<hbm>>
      tpu.wait_indirect_dma semaphore(%arg21 : memref<!tpu.dma_semaphore, #tpu.memory_space<semaphore_mem>>) src(%dma_wait3A_147 : memref<10240x128xf32, #tpu.memory_space<hbm>>) dst(%arg13 : memref<64x128xf32, #tpu.memory_space<vmem>>)
      %dma_start3A_148 = arith.constant 1 : i32
      %dma_start3A_149 = arith.constant 0 : i32
      %dma_start3A_150 = tpu.memref_slice %arg9[%dma_start3A_148, %dma_start3A_149] : memref<2x64xi32, #tpu.memory_space<vmem>> -> memref<1x64xi32, #tpu.memory_space<vmem>>
      %dma_start3A_151 = tpu.memref_squeeze %dma_start3A_150 : memref<1x64xi32, #tpu.memory_space<vmem>> -> memref<64xi32, #tpu.memory_space<vmem>>
      %dma_start3A_152 = arith.constant 0 : i32
      %dma_start3A_153 = arith.constant 0 : i32
      %dma_start3A_154 = tpu.memref_slice %arg7[%dma_start3A_152, %dma_start3A_153] : memref<10240x128xf32, #tpu.memory_space<vmem_shared>> -> memref<10240x128xf32, #tpu.memory_space<vmem_shared>>
      tpu.enqueue_indirect_dma source(%arg13 : memref<64x128xf32, #tpu.memory_space<vmem>>) target(%dma_start3A_154 : memref<10240x128xf32, #tpu.memory_space<vmem_shared>>) offsets(%dma_start3A_151 : memref<64xi32, #tpu.memory_space<vmem>>) semaphore(%arg25 : memref<!tpu.dma_semaphore, #tpu.memory_space<semaphore_mem>>) {add = true}
      %mul3A_155 = arith.constant 4 : i32
      %mul3A_156 = arith.muli %mul3A_155, %while3A_88 : i32
      %add3A_157 = arith.constant 2 : i32
      %add3A_158 = arith.addi %mul3A_156, %add3A_157 : i32
      %ge3A_159 = arith.constant 2 : i32
      %ge3A_160 = arith.cmpi sge, %add3A_158, %ge3A_159 : i32
      %convert_element_type3A_161 = arith.extui %ge3A_160 : i1 to i32
      %cond3A_162 = arith.constant 0 : i32
      %cond3A_163 = arith.cmpi ne, %convert_element_type3A_161, %cond3A_162 : i32
      scf.if %cond3A_163 {
        %dma_wait3A_225 = arith.constant 1 : i32
        %dma_wait3A_226 = arith.constant 0 : i32
        %dma_wait3A_227 = tpu.memref_slice %arg8[%dma_wait3A_225, %dma_wait3A_226] : memref<2x64xi32, #tpu.memory_space<vmem>> -> memref<1x64xi32, #tpu.memory_space<vmem>>
        %dma_wait3A_228 = tpu.memref_squeeze %dma_wait3A_227 : memref<1x64xi32, #tpu.memory_space<vmem>> -> memref<64xi32, #tpu.memory_space<vmem>>
        %dma_wait3A_229 = arith.constant 0 : i32
        %dma_wait3A_230 = arith.constant 0 : i32
        %dma_wait3A_231 = tpu.memref_slice %arg7[%dma_wait3A_229, %dma_wait3A_230] : memref<10240x128xf32, #tpu.memory_space<vmem_shared>> -> memref<10240x128xf32, #tpu.memory_space<vmem_shared>>
        tpu.wait_indirect_dma semaphore(%arg24 : memref<!tpu.dma_semaphore, #tpu.memory_space<semaphore_mem>>) src(%arg12 : memref<64x128xf32, #tpu.memory_space<vmem>>) dst(%dma_wait3A_231 : memref<10240x128xf32, #tpu.memory_space<vmem_shared>>)
      } else {
      }
      %add3A_164 = arith.constant 2 : i32
      %add3A_165 = arith.addi %add3A_158, %add3A_164 : i32
      %lt3A_166 = arith.cmpi slt, %add3A_165, %select_n3A : i32
      %convert_element_type3A_167 = arith.extui %lt3A_166 : i1 to i32
      %cond3A_168 = arith.constant 0 : i32
      %cond3A_169 = arith.cmpi ne, %convert_element_type3A_167, %cond3A_168 : i32
      scf.if %cond3A_169 {
        %add3A_225 = arith.addi %select_n3A_8, %add3A_158 : i32
        %add3A_226 = arith.constant 2 : i32
        %add3A_227 = arith.addi %add3A_225, %add3A_226 : i32
        %dma_start3A_228 = arith.constant 0 : i32
        %dma_start3A_229 = arith.constant 0 : i32
        %dma_start3A_230 = tpu.memref_slice %arg3[%add3A_227, %dma_start3A_228, %dma_start3A_229] : memref<5056x2x64xi32, #tpu.memory_space<hbm>> -> memref<1x2x64xi32, #tpu.memory_space<hbm>>
        %dma_start3A_231 = tpu.memref_squeeze %dma_start3A_230 : memref<1x2x64xi32, #tpu.memory_space<hbm>> -> memref<2x64xi32, #tpu.memory_space<hbm>>
        %dma_start3A_232 = arith.constant 0 : i32
        %dma_start3A_233 = arith.constant 0 : i32
        %dma_start3A_234 = tpu.memref_slice %arg3[%add3A_227, %dma_start3A_232, %dma_start3A_233] : memref<5056x2x64xi32, #tpu.memory_space<hbm>> -> memref<1x2x64xi32, #tpu.memory_space<hbm>>
        %dma_start3A_235 = tpu.memref_squeeze %dma_start3A_234 : memref<1x2x64xi32, #tpu.memory_space<hbm>> -> memref<2x64xi32, #tpu.memory_space<hbm>>
        tpu.enqueue_dma source(%dma_start3A_235 : memref<2x64xi32, #tpu.memory_space<hbm>>) target(%arg8 : memref<2x64xi32, #tpu.memory_space<vmem>>) target_semaphore(%arg16 : memref<!tpu.dma_semaphore, #tpu.memory_space<semaphore_mem>>)
      } else {
      }
      %add3A_170 = arith.constant 1 : i32
      %add3A_171 = arith.addi %add3A_158, %add3A_170 : i32
      %lt3A_172 = arith.cmpi slt, %add3A_171, %select_n3A : i32
      %convert_element_type3A_173 = arith.extui %lt3A_172 : i1 to i32
      %cond3A_174 = arith.constant 0 : i32
      %cond3A_175 = arith.cmpi ne, %convert_element_type3A_173, %cond3A_174 : i32
      scf.if %cond3A_175 {
        %add3A_225 = arith.addi %select_n3A_8, %add3A_158 : i32
        %add3A_226 = arith.constant 1 : i32
        %add3A_227 = arith.addi %add3A_225, %add3A_226 : i32
        %dma_wait3A_228 = arith.constant 0 : i32
        %dma_wait3A_229 = arith.constant 0 : i32
        %dma_wait3A_230 = tpu.memref_slice %arg3[%add3A_227, %dma_wait3A_228, %dma_wait3A_229] : memref<5056x2x64xi32, #tpu.memory_space<hbm>> -> memref<1x2x64xi32, #tpu.memory_space<hbm>>
        %dma_wait3A_231 = tpu.memref_squeeze %dma_wait3A_230 : memref<1x2x64xi32, #tpu.memory_space<hbm>> -> memref<2x64xi32, #tpu.memory_space<hbm>>
        %dma_wait3A_232 = arith.constant 0 : i32
        %dma_wait3A_233 = arith.constant 0 : i32
        %dma_wait3A_234 = tpu.memref_slice %arg3[%add3A_227, %dma_wait3A_232, %dma_wait3A_233] : memref<5056x2x64xi32, #tpu.memory_space<hbm>> -> memref<1x2x64xi32, #tpu.memory_space<hbm>>
        %dma_wait3A_235 = tpu.memref_squeeze %dma_wait3A_234 : memref<1x2x64xi32, #tpu.memory_space<hbm>> -> memref<2x64xi32, #tpu.memory_space<hbm>>
        tpu.wait_dma2 semaphore(%arg19 : memref<!tpu.dma_semaphore, #tpu.memory_space<semaphore_mem>>) src(%dma_wait3A_235 : memref<2x64xi32, #tpu.memory_space<hbm>>) dst(%arg11 : memref<2x64xi32, #tpu.memory_space<vmem>>)
        %dma_start3A_236 = arith.constant 0 : i32
        %dma_start3A_237 = arith.constant 0 : i32
        %dma_start3A_238 = tpu.memref_slice %arg11[%dma_start3A_236, %dma_start3A_237] : memref<2x64xi32, #tpu.memory_space<vmem>> -> memref<1x64xi32, #tpu.memory_space<vmem>>
        %dma_start3A_239 = tpu.memref_squeeze %dma_start3A_238 : memref<1x64xi32, #tpu.memory_space<vmem>> -> memref<64xi32, #tpu.memory_space<vmem>>
        %dma_start3A_240 = arith.constant 0 : i32
        %dma_start3A_241 = arith.constant 0 : i32
        %dma_start3A_242 = tpu.memref_slice %arg2[%dma_start3A_240, %dma_start3A_241] : memref<10240x128xf32, #tpu.memory_space<hbm>> -> memref<10240x128xf32, #tpu.memory_space<hbm>>
        tpu.enqueue_indirect_dma source(%dma_start3A_242 : memref<10240x128xf32, #tpu.memory_space<hbm>>) target(%arg15 : memref<64x128xf32, #tpu.memory_space<vmem>>) offsets(%dma_start3A_239 : memref<64xi32, #tpu.memory_space<vmem>>) semaphore(%arg23 : memref<!tpu.dma_semaphore, #tpu.memory_space<semaphore_mem>>)
      } else {
      }
      %dma_wait3A_176 = arith.constant 0 : i32
      %dma_wait3A_177 = arith.constant 0 : i32
      %dma_wait3A_178 = tpu.memref_slice %arg10[%dma_wait3A_176, %dma_wait3A_177] : memref<2x64xi32, #tpu.memory_space<vmem>> -> memref<1x64xi32, #tpu.memory_space<vmem>>
      %dma_wait3A_179 = tpu.memref_squeeze %dma_wait3A_178 : memref<1x64xi32, #tpu.memory_space<vmem>> -> memref<64xi32, #tpu.memory_space<vmem>>
      %dma_wait3A_180 = arith.constant 0 : i32
      %dma_wait3A_181 = arith.constant 0 : i32
      %dma_wait3A_182 = tpu.memref_slice %arg2[%dma_wait3A_180, %dma_wait3A_181] : memref<10240x128xf32, #tpu.memory_space<hbm>> -> memref<10240x128xf32, #tpu.memory_space<hbm>>
      tpu.wait_indirect_dma semaphore(%arg22 : memref<!tpu.dma_semaphore, #tpu.memory_space<semaphore_mem>>) src(%dma_wait3A_182 : memref<10240x128xf32, #tpu.memory_space<hbm>>) dst(%arg14 : memref<64x128xf32, #tpu.memory_space<vmem>>)
      %dma_start3A_183 = arith.constant 1 : i32
      %dma_start3A_184 = arith.constant 0 : i32
      %dma_start3A_185 = tpu.memref_slice %arg10[%dma_start3A_183, %dma_start3A_184] : memref<2x64xi32, #tpu.memory_space<vmem>> -> memref<1x64xi32, #tpu.memory_space<vmem>>
      %dma_start3A_186 = tpu.memref_squeeze %dma_start3A_185 : memref<1x64xi32, #tpu.memory_space<vmem>> -> memref<64xi32, #tpu.memory_space<vmem>>
      %dma_start3A_187 = arith.constant 0 : i32
      %dma_start3A_188 = arith.constant 0 : i32
      %dma_start3A_189 = tpu.memref_slice %arg7[%dma_start3A_187, %dma_start3A_188] : memref<10240x128xf32, #tpu.memory_space<vmem_shared>> -> memref<10240x128xf32, #tpu.memory_space<vmem_shared>>
      tpu.enqueue_indirect_dma source(%arg14 : memref<64x128xf32, #tpu.memory_space<vmem>>) target(%dma_start3A_189 : memref<10240x128xf32, #tpu.memory_space<vmem_shared>>) offsets(%dma_start3A_186 : memref<64xi32, #tpu.memory_space<vmem>>) semaphore(%arg26 : memref<!tpu.dma_semaphore, #tpu.memory_space<semaphore_mem>>) {add = true}
      %mul3A_190 = arith.constant 4 : i32
      %mul3A_191 = arith.muli %mul3A_190, %while3A_88 : i32
      %add3A_192 = arith.constant 3 : i32
      %add3A_193 = arith.addi %mul3A_191, %add3A_192 : i32
      %ge3A_194 = arith.constant 2 : i32
      %ge3A_195 = arith.cmpi sge, %add3A_193, %ge3A_194 : i32
      %convert_element_type3A_196 = arith.extui %ge3A_195 : i1 to i32
      %cond3A_197 = arith.constant 0 : i32
      %cond3A_198 = arith.cmpi ne, %convert_element_type3A_196, %cond3A_197 : i32
      scf.if %cond3A_198 {
        %dma_wait3A_225 = arith.constant 1 : i32
        %dma_wait3A_226 = arith.constant 0 : i32
        %dma_wait3A_227 = tpu.memref_slice %arg9[%dma_wait3A_225, %dma_wait3A_226] : memref<2x64xi32, #tpu.memory_space<vmem>> -> memref<1x64xi32, #tpu.memory_space<vmem>>
        %dma_wait3A_228 = tpu.memref_squeeze %dma_wait3A_227 : memref<1x64xi32, #tpu.memory_space<vmem>> -> memref<64xi32, #tpu.memory_space<vmem>>
        %dma_wait3A_229 = arith.constant 0 : i32
        %dma_wait3A_230 = arith.constant 0 : i32
        %dma_wait3A_231 = tpu.memref_slice %arg7[%dma_wait3A_229, %dma_wait3A_230] : memref<10240x128xf32, #tpu.memory_space<vmem_shared>> -> memref<10240x128xf32, #tpu.memory_space<vmem_shared>>
        tpu.wait_indirect_dma semaphore(%arg25 : memref<!tpu.dma_semaphore, #tpu.memory_space<semaphore_mem>>) src(%arg13 : memref<64x128xf32, #tpu.memory_space<vmem>>) dst(%dma_wait3A_231 : memref<10240x128xf32, #tpu.memory_space<vmem_shared>>)
      } else {
      }
      %add3A_199 = arith.constant 2 : i32
      %add3A_200 = arith.addi %add3A_193, %add3A_199 : i32
      %lt3A_201 = arith.cmpi slt, %add3A_200, %select_n3A : i32
      %convert_element_type3A_202 = arith.extui %lt3A_201 : i1 to i32
      %cond3A_203 = arith.constant 0 : i32
      %cond3A_204 = arith.cmpi ne, %convert_element_type3A_202, %cond3A_203 : i32
      scf.if %cond3A_204 {
        %add3A_225 = arith.addi %select_n3A_8, %add3A_193 : i32
        %add3A_226 = arith.constant 2 : i32
        %add3A_227 = arith.addi %add3A_225, %add3A_226 : i32
        %dma_start3A_228 = arith.constant 0 : i32
        %dma_start3A_229 = arith.constant 0 : i32
        %dma_start3A_230 = tpu.memref_slice %arg3[%add3A_227, %dma_start3A_228, %dma_start3A_229] : memref<5056x2x64xi32, #tpu.memory_space<hbm>> -> memref<1x2x64xi32, #tpu.memory_space<hbm>>
        %dma_start3A_231 = tpu.memref_squeeze %dma_start3A_230 : memref<1x2x64xi32, #tpu.memory_space<hbm>> -> memref<2x64xi32, #tpu.memory_space<hbm>>
        %dma_start3A_232 = arith.constant 0 : i32
        %dma_start3A_233 = arith.constant 0 : i32
        %dma_start3A_234 = tpu.memref_slice %arg3[%add3A_227, %dma_start3A_232, %dma_start3A_233] : memref<5056x2x64xi32, #tpu.memory_space<hbm>> -> memref<1x2x64xi32, #tpu.memory_space<hbm>>
        %dma_start3A_235 = tpu.memref_squeeze %dma_start3A_234 : memref<1x2x64xi32, #tpu.memory_space<hbm>> -> memref<2x64xi32, #tpu.memory_space<hbm>>
        tpu.enqueue_dma source(%dma_start3A_235 : memref<2x64xi32, #tpu.memory_space<hbm>>) target(%arg9 : memref<2x64xi32, #tpu.memory_space<vmem>>) target_semaphore(%arg17 : memref<!tpu.dma_semaphore, #tpu.memory_space<semaphore_mem>>)
      } else {
      }
      %add3A_205 = arith.constant 1 : i32
      %add3A_206 = arith.addi %add3A_193, %add3A_205 : i32
      %lt3A_207 = arith.cmpi slt, %add3A_206, %select_n3A : i32
      %convert_element_type3A_208 = arith.extui %lt3A_207 : i1 to i32
      %cond3A_209 = arith.constant 0 : i32
      %cond3A_210 = arith.cmpi ne, %convert_element_type3A_208, %cond3A_209 : i32
      scf.if %cond3A_210 {
        %add3A_225 = arith.addi %select_n3A_8, %add3A_193 : i32
        %add3A_226 = arith.constant 1 : i32
        %add3A_227 = arith.addi %add3A_225, %add3A_226 : i32
        %dma_wait3A_228 = arith.constant 0 : i32
        %dma_wait3A_229 = arith.constant 0 : i32
        %dma_wait3A_230 = tpu.memref_slice %arg3[%add3A_227, %dma_wait3A_228, %dma_wait3A_229] : memref<5056x2x64xi32, #tpu.memory_space<hbm>> -> memref<1x2x64xi32, #tpu.memory_space<hbm>>
        %dma_wait3A_231 = tpu.memref_squeeze %dma_wait3A_230 : memref<1x2x64xi32, #tpu.memory_space<hbm>> -> memref<2x64xi32, #tpu.memory_space<hbm>>
        %dma_wait3A_232 = arith.constant 0 : i32
        %dma_wait3A_233 = arith.constant 0 : i32
        %dma_wait3A_234 = tpu.memref_slice %arg3[%add3A_227, %dma_wait3A_232, %dma_wait3A_233] : memref<5056x2x64xi32, #tpu.memory_space<hbm>> -> memref<1x2x64xi32, #tpu.memory_space<hbm>>
        %dma_wait3A_235 = tpu.memref_squeeze %dma_wait3A_234 : memref<1x2x64xi32, #tpu.memory_space<hbm>> -> memref<2x64xi32, #tpu.memory_space<hbm>>
        tpu.wait_dma2 semaphore(%arg16 : memref<!tpu.dma_semaphore, #tpu.memory_space<semaphore_mem>>) src(%dma_wait3A_235 : memref<2x64xi32, #tpu.memory_space<hbm>>) dst(%arg8 : memref<2x64xi32, #tpu.memory_space<vmem>>)
        %dma_start3A_236 = arith.constant 0 : i32
        %dma_start3A_237 = arith.constant 0 : i32
        %dma_start3A_238 = tpu.memref_slice %arg8[%dma_start3A_236, %dma_start3A_237] : memref<2x64xi32, #tpu.memory_space<vmem>> -> memref<1x64xi32, #tpu.memory_space<vmem>>
        %dma_start3A_239 = tpu.memref_squeeze %dma_start3A_238 : memref<1x64xi32, #tpu.memory_space<vmem>> -> memref<64xi32, #tpu.memory_space<vmem>>
        %dma_start3A_240 = arith.constant 0 : i32
        %dma_start3A_241 = arith.constant 0 : i32
        %dma_start3A_242 = tpu.memref_slice %arg2[%dma_start3A_240, %dma_start3A_241] : memref<10240x128xf32, #tpu.memory_space<hbm>> -> memref<10240x128xf32, #tpu.memory_space<hbm>>
        tpu.enqueue_indirect_dma source(%dma_start3A_242 : memref<10240x128xf32, #tpu.memory_space<hbm>>) target(%arg12 : memref<64x128xf32, #tpu.memory_space<vmem>>) offsets(%dma_start3A_239 : memref<64xi32, #tpu.memory_space<vmem>>) semaphore(%arg20 : memref<!tpu.dma_semaphore, #tpu.memory_space<semaphore_mem>>)
      } else {
      }
      %dma_wait3A_211 = arith.constant 0 : i32
      %dma_wait3A_212 = arith.constant 0 : i32
      %dma_wait3A_213 = tpu.memref_slice %arg11[%dma_wait3A_211, %dma_wait3A_212] : memref<2x64xi32, #tpu.memory_space<vmem>> -> memref<1x64xi32, #tpu.memory_space<vmem>>
      %dma_wait3A_214 = tpu.memref_squeeze %dma_wait3A_213 : memref<1x64xi32, #tpu.memory_space<vmem>> -> memref<64xi32, #tpu.memory_space<vmem>>
      %dma_wait3A_215 = arith.constant 0 : i32
      %dma_wait3A_216 = arith.constant 0 : i32
      %dma_wait3A_217 = tpu.memref_slice %arg2[%dma_wait3A_215, %dma_wait3A_216] : memref<10240x128xf32, #tpu.memory_space<hbm>> -> memref<10240x128xf32, #tpu.memory_space<hbm>>
      tpu.wait_indirect_dma semaphore(%arg23 : memref<!tpu.dma_semaphore, #tpu.memory_space<semaphore_mem>>) src(%dma_wait3A_217 : memref<10240x128xf32, #tpu.memory_space<hbm>>) dst(%arg15 : memref<64x128xf32, #tpu.memory_space<vmem>>)
      %dma_start3A_218 = arith.constant 1 : i32
      %dma_start3A_219 = arith.constant 0 : i32
      %dma_start3A_220 = tpu.memref_slice %arg11[%dma_start3A_218, %dma_start3A_219] : memref<2x64xi32, #tpu.memory_space<vmem>> -> memref<1x64xi32, #tpu.memory_space<vmem>>
      %dma_start3A_221 = tpu.memref_squeeze %dma_start3A_220 : memref<1x64xi32, #tpu.memory_space<vmem>> -> memref<64xi32, #tpu.memory_space<vmem>>
      %dma_start3A_222 = arith.constant 0 : i32
      %dma_start3A_223 = arith.constant 0 : i32
      %dma_start3A_224 = tpu.memref_slice %arg7[%dma_start3A_222, %dma_start3A_223] : memref<10240x128xf32, #tpu.memory_space<vmem_shared>> -> memref<10240x128xf32, #tpu.memory_space<vmem_shared>>
      tpu.enqueue_indirect_dma source(%arg15 : memref<64x128xf32, #tpu.memory_space<vmem>>) target(%dma_start3A_224 : memref<10240x128xf32, #tpu.memory_space<vmem_shared>>) offsets(%dma_start3A_221 : memref<64xi32, #tpu.memory_space<vmem>>) semaphore(%arg27 : memref<!tpu.dma_semaphore, #tpu.memory_space<semaphore_mem>>) {add = true}
    }
    %dma_wait3A_71 = arith.constant 1 : i32
    %dma_wait3A_72 = arith.constant 0 : i32
    %dma_wait3A_73 = tpu.memref_slice %arg10[%dma_wait3A_71, %dma_wait3A_72] : memref<2x64xi32, #tpu.memory_space<vmem>> -> memref<1x64xi32, #tpu.memory_space<vmem>>
    %dma_wait3A_74 = tpu.memref_squeeze %dma_wait3A_73 : memref<1x64xi32, #tpu.memory_space<vmem>> -> memref<64xi32, #tpu.memory_space<vmem>>
    %dma_wait3A_75 = arith.constant 0 : i32
    %dma_wait3A_76 = arith.constant 0 : i32
    %dma_wait3A_77 = tpu.memref_slice %arg7[%dma_wait3A_75, %dma_wait3A_76] : memref<10240x128xf32, #tpu.memory_space<vmem_shared>> -> memref<10240x128xf32, #tpu.memory_space<vmem_shared>>
    tpu.wait_indirect_dma semaphore(%arg26 : memref<!tpu.dma_semaphore, #tpu.memory_space<semaphore_mem>>) src(%arg14 : memref<64x128xf32, #tpu.memory_space<vmem>>) dst(%dma_wait3A_77 : memref<10240x128xf32, #tpu.memory_space<vmem_shared>>)
    %dma_wait3A_78 = arith.constant 1 : i32
    %dma_wait3A_79 = arith.constant 0 : i32
    %dma_wait3A_80 = tpu.memref_slice %arg11[%dma_wait3A_78, %dma_wait3A_79] : memref<2x64xi32, #tpu.memory_space<vmem>> -> memref<1x64xi32, #tpu.memory_space<vmem>>
    %dma_wait3A_81 = tpu.memref_squeeze %dma_wait3A_80 : memref<1x64xi32, #tpu.memory_space<vmem>> -> memref<64xi32, #tpu.memory_space<vmem>>
    %dma_wait3A_82 = arith.constant 0 : i32
    %dma_wait3A_83 = arith.constant 0 : i32
    %dma_wait3A_84 = tpu.memref_slice %arg7[%dma_wait3A_82, %dma_wait3A_83] : memref<10240x128xf32, #tpu.memory_space<vmem_shared>> -> memref<10240x128xf32, #tpu.memory_space<vmem_shared>>
    tpu.wait_indirect_dma semaphore(%arg27 : memref<!tpu.dma_semaphore, #tpu.memory_space<semaphore_mem>>) src(%arg15 : memref<64x128xf32, #tpu.memory_space<vmem>>) dst(%dma_wait3A_84 : memref<10240x128xf32, #tpu.memory_space<vmem_shared>>)
    %barrier3A_85 = arith.constant 0 : index
    tpu.barrier barrier_id(%barrier3A_85)
    %mul3A_86 = arith.constant 640 : i32
    %mul3A_87 = arith.muli %arg1, %mul3A_86 : i32
    "tpu.region"() ({
      %run_scoped3A = tpu.sem_alloc : memref<!tpu.dma_semaphore, #tpu.memory_space<semaphore_mem>>
      %dma_start3A_88 = arith.constant 0 : i32
      %dma_start3A_89 = tpu.memref_slice %arg6[%arg0, %mul3A_87, %dma_start3A_88] : memref<2x10240x128xf32, #tpu.memory_space<hbm>> -> memref<1x640x128xf32, #tpu.memory_space<hbm>>
      %dma_start3A_90 = tpu.memref_squeeze %dma_start3A_89 : memref<1x640x128xf32, #tpu.memory_space<hbm>> -> memref<640x128xf32, #tpu.memory_space<hbm>>
      %dma_start3A_91 = arith.constant 0 : i32
      %dma_start3A_92 = tpu.memref_slice %arg7[%mul3A_87, %dma_start3A_91] : memref<10240x128xf32, #tpu.memory_space<vmem_shared>> -> memref<640x128xf32, #tpu.memory_space<vmem_shared>>
      tpu.enqueue_dma source(%dma_start3A_92 : memref<640x128xf32, #tpu.memory_space<vmem_shared>>) target(%dma_start3A_90 : memref<640x128xf32, #tpu.memory_space<hbm>>) target_semaphore(%run_scoped3A : memref<!tpu.dma_semaphore, #tpu.memory_space<semaphore_mem>>)
      %dma_wait3A_93 = arith.constant 0 : i32
      %dma_wait3A_94 = tpu.memref_slice %arg6[%arg0, %mul3A_87, %dma_wait3A_93] : memref<2x10240x128xf32, #tpu.memory_space<hbm>> -> memref<1x640x128xf32, #tpu.memory_space<hbm>>
      %dma_wait3A_95 = tpu.memref_squeeze %dma_wait3A_94 : memref<1x640x128xf32, #tpu.memory_space<hbm>> -> memref<640x128xf32, #tpu.memory_space<hbm>>
      %dma_wait3A_96 = arith.constant 0 : i32
      %dma_wait3A_97 = tpu.memref_slice %arg7[%mul3A_87, %dma_wait3A_96] : memref<10240x128xf32, #tpu.memory_space<vmem_shared>> -> memref<640x128xf32, #tpu.memory_space<vmem_shared>>
      tpu.wait_dma2 semaphore(%run_scoped3A : memref<!tpu.dma_semaphore, #tpu.memory_space<semaphore_mem>>) src(%dma_wait3A_97 : memref<640x128xf32, #tpu.memory_space<vmem_shared>>) dst(%dma_wait3A_95 : memref<640x128xf32, #tpu.memory_space<hbm>>)
      tpu.yield
    }) : () -> ()
    return
  }
}

module attributes {stable_mosaic.version = 14 : i64} {
  func.func @_linear_body(%arg0: i32, %arg1: memref<80x128xf32, #tpu.memory_space<vmem>>, %arg2: memref<128x128xf32, #tpu.memory_space<vmem>>, %arg3: memref<1x128xf32, #tpu.memory_space<vmem>>, %arg4: memref<80x128xf32, #tpu.memory_space<vmem>>) attributes {dimension_semantics = [#tpu.dimension_semantics<arbitrary>], iteration_bounds = array<i64: 128>, scalar_prefetch = 0 : i64, scratch_operands = 0 : i64, tpu.core_type = #tpu.core_type<tc>, window_params = [{transform_indices = @transform_0, window_bounds = array<i64: 80, 128>}, {pipeline_mode = #tpu.pipeline_mode<synchronous>, transform_indices = @transform_1, window_bounds = array<i64: 128, 128>}, {pipeline_mode = #tpu.pipeline_mode<synchronous>, transform_indices = @transform_2, window_bounds = array<i64: 1, 128>}, {transform_indices = @transform_3, window_bounds = array<i64: 80, 128>}]} {
    %get3A = arith.constant 0 : index
    %get3A_0 = arith.constant 0 : index
    %get3A_1 = vector.load %arg1[%get3A, %get3A_0] : memref<80x128xf32, #tpu.memory_space<vmem>>, vector<80x128xf32>
    %get3A_2 = arith.constant 0 : index
    %get3A_3 = arith.constant 0 : index
    %get3A_4 = vector.load %arg2[%get3A_2, %get3A_3] : memref<128x128xf32, #tpu.memory_space<vmem>>, vector<128x128xf32>
    %dot_general3A = arith.constant dense<0.000000e+00> : vector<80x128xf32>
    %dot_general3A_5 = tpu.matmul %get3A_1, %get3A_4, %dot_general3A {dimension_numbers = #tpu.dot_dimension_numbers<[1], [1], [0], [0], [0, 0, 1, 0], [], []>, transpose_lhs_hint = false} : vector<80x128xf32>, vector<128x128xf32>, vector<80x128xf32> -> vector<80x128xf32>
    %get3A_6 = arith.constant 0 : index
    %get3A_7 = arith.constant 0 : index
    %get3A_8 = vector.load %arg3[%get3A_6, %get3A_7] : memref<1x128xf32, #tpu.memory_space<vmem>>, vector<1x128xf32>
    %add3A = vector.broadcast %get3A_8 : vector<1x128xf32> to vector<80x128xf32>
    %add3A_9 = arith.addf %dot_general3A_5, %add3A : vector<80x128xf32>
    %lt3A = arith.constant 125 : i32
    %lt3A_10 = arith.cmpi slt, %arg0, %lt3A : i32
    %jit3A = arith.constant 0.000000e+00 : f32
    %broadcast_in_dim3A = vector.broadcast %jit3A : f32 to vector<80x128xf32>
    %select_n3A = arith.select %lt3A_10, %add3A_9, %broadcast_in_dim3A : vector<80x128xf32>
    %swap3A = arith.constant 0 : index
    %swap3A_11 = arith.constant 0 : index
    %swap3A_12 = vector.load %arg4[%swap3A, %swap3A_11] : memref<80x128xf32, #tpu.memory_space<vmem>>, vector<80x128xf32>
    tpu.vector_store %arg4[%swap3A, %swap3A_11], %select_n3A {strides = array<i32>} : memref<80x128xf32, #tpu.memory_space<vmem>>, vector<80x128xf32>,
    return
  }
  func.func @transform_0(%arg0: i32) -> (i32, i32) {
    %min3A = arith.constant 124 : i32
    %min3A_0 = arith.minsi %arg0, %min3A : i32
    %c0_i32 = arith.constant 0 : i32
    %c0_i32_1 = arith.constant 0 : i32
    return %min3A_0, %c0_i32 : i32, i32
  }
  func.func @transform_1(%arg0: i32) -> (i32, i32) {
    %c0_i32 = arith.constant 0 : i32
    %c0_i32_0 = arith.constant 0 : i32
    %c0_i32_1 = arith.constant 0 : i32
    return %c0_i32, %c0_i32_0 : i32, i32
  }
  func.func @transform_2(%arg0: i32) -> (i32, i32) {
    %c0_i32 = arith.constant 0 : i32
    %c0_i32_0 = arith.constant 0 : i32
    %c0_i32_1 = arith.constant 0 : i32
    return %c0_i32, %c0_i32_0 : i32, i32
  }
  func.func @transform_3(%arg0: i32) -> (i32, i32) {
    %c0_i32 = arith.constant 0 : i32
    %c0_i32_0 = arith.constant 0 : i32
    return %arg0, %c0_i32 : i32, i32
  }
}

module attributes {stable_mosaic.version = 14 : i64} {
  func.func @_scale_body(%arg0: i32, %arg1: memref<2x80x128xf32, #tpu.memory_space<vmem>>, %arg2: memref<2x80x1xf32, #tpu.memory_space<vmem>>, %arg3: memref<80x1xf32, #tpu.memory_space<vmem>>, %arg4: memref<80x128xf32, #tpu.memory_space<vmem>>) attributes {dimension_semantics = [#tpu.dimension_semantics<arbitrary>], iteration_bounds = array<i64: 128>, scalar_prefetch = 0 : i64, scratch_operands = 0 : i64, tpu.core_type = #tpu.core_type<tc>, window_params = [{transform_indices = @transform_0, window_bounds = array<i64: 2, 80, 128>}, {transform_indices = @transform_1, window_bounds = array<i64: 2, 80, 1>}, {transform_indices = @transform_2, window_bounds = array<i64: 80, 1>}, {transform_indices = @transform_3, window_bounds = array<i64: 80, 128>}]} {
    %get3A = arith.constant 0 : index
    %get3A_0 = arith.constant 0 : index
    %get3A_1 = vector.load %arg3[%get3A, %get3A_0] : memref<80x1xf32, #tpu.memory_space<vmem>>, vector<80x1xf32>
    %get3A_2 = arith.constant 0 : index
    %get3A_3 = arith.constant 0 : index
    %get3A_4 = arith.constant 0 : index
    %get3A_5 = vector.load %arg2[%get3A_2, %get3A_3, %get3A_4] : memref<2x80x1xf32, #tpu.memory_space<vmem>>, vector<1x80x1xf32>
    %get3A_6 = vector.shape_cast %get3A_5 : vector<1x80x1xf32> to vector<80x1xf32>
    %get3A_7 = arith.constant 1 : index
    %get3A_8 = arith.constant 0 : index
    %get3A_9 = arith.constant 0 : index
    %get3A_10 = vector.load %arg2[%get3A_7, %get3A_8, %get3A_9] : memref<2x80x1xf32, #tpu.memory_space<vmem>>, vector<1x80x1xf32>
    %get3A_11 = vector.shape_cast %get3A_10 : vector<1x80x1xf32> to vector<80x1xf32>
    %add3A = arith.addf %get3A_6, %get3A_11 : vector<80x1xf32>
    %add3A_12 = arith.constant 9.99999997E-7 : f32
    %add3A_13 = vector.broadcast %add3A_12 : f32 to vector<80x1xf32>
    %add3A_14 = arith.addf %add3A, %add3A_13 : vector<80x1xf32>
    %div3A = arith.divf %get3A_1, %add3A_14 : vector<80x1xf32>
    %get3A_15 = arith.constant 0 : index
    %get3A_16 = arith.constant 0 : index
    %get3A_17 = arith.constant 0 : index
    %get3A_18 = vector.load %arg1[%get3A_15, %get3A_16, %get3A_17] : memref<2x80x128xf32, #tpu.memory_space<vmem>>, vector<1x80x128xf32>
    %get3A_19 = vector.shape_cast %get3A_18 : vector<1x80x128xf32> to vector<80x128xf32>
    %get3A_20 = arith.constant 1 : index
    %get3A_21 = arith.constant 0 : index
    %get3A_22 = arith.constant 0 : index
    %get3A_23 = vector.load %arg1[%get3A_20, %get3A_21, %get3A_22] : memref<2x80x128xf32, #tpu.memory_space<vmem>>, vector<1x80x128xf32>
    %get3A_24 = vector.shape_cast %get3A_23 : vector<1x80x128xf32> to vector<80x128xf32>
    %add3A_25 = arith.addf %get3A_19, %get3A_24 : vector<80x128xf32>
    %mul3A = vector.broadcast %div3A : vector<80x1xf32> to vector<80x128xf32>
    %mul3A_26 = arith.mulf %add3A_25, %mul3A : vector<80x128xf32>
    %swap3A = arith.constant 0 : index
    %swap3A_27 = arith.constant 0 : index
    %swap3A_28 = vector.load %arg4[%swap3A, %swap3A_27] : memref<80x128xf32, #tpu.memory_space<vmem>>, vector<80x128xf32>
    tpu.vector_store %arg4[%swap3A, %swap3A_27], %mul3A_26 {strides = array<i32>} : memref<80x128xf32, #tpu.memory_space<vmem>>, vector<80x128xf32>,
    return
  }
  func.func @transform_0(%arg0: i32) -> (i32, i32, i32) {
    %c0_i32 = arith.constant 0 : i32
    %c0_i32_0 = arith.constant 0 : i32
    %c0_i32_1 = arith.constant 0 : i32
    return %c0_i32, %arg0, %c0_i32_0 : i32, i32, i32
  }
  func.func @transform_1(%arg0: i32) -> (i32, i32, i32) {
    %c0_i32 = arith.constant 0 : i32
    %c0_i32_0 = arith.constant 0 : i32
    %c0_i32_1 = arith.constant 0 : i32
    return %c0_i32, %arg0, %c0_i32_0 : i32, i32, i32
  }
  func.func @transform_2(%arg0: i32) -> (i32, i32) {
    %c0_i32 = arith.constant 0 : i32
    %c0_i32_0 = arith.constant 0 : i32
    return %arg0, %c0_i32 : i32, i32
  }
  func.func @transform_3(%arg0: i32) -> (i32, i32) {
    %c0_i32 = arith.constant 0 : i32
    %c0_i32_0 = arith.constant 0 : i32
    return %arg0, %c0_i32 : i32, i32
  }
}

module attributes {stable_mosaic.version = 14 : i64} {
  func.func @_scale_body(%arg0: i32, %arg1: memref<2x80x128xf32, #tpu.memory_space<vmem>>, %arg2: memref<2x80x1xf32, #tpu.memory_space<vmem>>, %arg3: memref<80x1xf32, #tpu.memory_space<vmem>>, %arg4: memref<80x128xf32, #tpu.memory_space<vmem>>) attributes {dimension_semantics = [#tpu.dimension_semantics<arbitrary>], iteration_bounds = array<i64: 125>, scalar_prefetch = 0 : i64, scratch_operands = 0 : i64, tpu.core_type = #tpu.core_type<tc>, window_params = [{transform_indices = @transform_0, window_bounds = array<i64: 2, 80, 128>}, {transform_indices = @transform_1, window_bounds = array<i64: 2, 80, 1>}, {transform_indices = @transform_2, window_bounds = array<i64: 80, 1>}, {transform_indices = @transform_3, window_bounds = array<i64: 80, 128>}]} {
    %get3A = arith.constant 0 : index
    %get3A_0 = arith.constant 0 : index
    %get3A_1 = vector.load %arg3[%get3A, %get3A_0] : memref<80x1xf32, #tpu.memory_space<vmem>>, vector<80x1xf32>
    %get3A_2 = arith.constant 0 : index
    %get3A_3 = arith.constant 0 : index
    %get3A_4 = arith.constant 0 : index
    %get3A_5 = vector.load %arg2[%get3A_2, %get3A_3, %get3A_4] : memref<2x80x1xf32, #tpu.memory_space<vmem>>, vector<1x80x1xf32>
    %get3A_6 = vector.shape_cast %get3A_5 : vector<1x80x1xf32> to vector<80x1xf32>
    %get3A_7 = arith.constant 1 : index
    %get3A_8 = arith.constant 0 : index
    %get3A_9 = arith.constant 0 : index
    %get3A_10 = vector.load %arg2[%get3A_7, %get3A_8, %get3A_9] : memref<2x80x1xf32, #tpu.memory_space<vmem>>, vector<1x80x1xf32>
    %get3A_11 = vector.shape_cast %get3A_10 : vector<1x80x1xf32> to vector<80x1xf32>
    %add3A = arith.addf %get3A_6, %get3A_11 : vector<80x1xf32>
    %add3A_12 = arith.constant 9.99999997E-7 : f32
    %add3A_13 = vector.broadcast %add3A_12 : f32 to vector<80x1xf32>
    %add3A_14 = arith.addf %add3A, %add3A_13 : vector<80x1xf32>
    %div3A = arith.divf %get3A_1, %add3A_14 : vector<80x1xf32>
    %get3A_15 = arith.constant 0 : index
    %get3A_16 = arith.constant 0 : index
    %get3A_17 = arith.constant 0 : index
    %get3A_18 = vector.load %arg1[%get3A_15, %get3A_16, %get3A_17] : memref<2x80x128xf32, #tpu.memory_space<vmem>>, vector<1x80x128xf32>
    %get3A_19 = vector.shape_cast %get3A_18 : vector<1x80x128xf32> to vector<80x128xf32>
    %get3A_20 = arith.constant 1 : index
    %get3A_21 = arith.constant 0 : index
    %get3A_22 = arith.constant 0 : index
    %get3A_23 = vector.load %arg1[%get3A_20, %get3A_21, %get3A_22] : memref<2x80x128xf32, #tpu.memory_space<vmem>>, vector<1x80x128xf32>
    %get3A_24 = vector.shape_cast %get3A_23 : vector<1x80x128xf32> to vector<80x128xf32>
    %add3A_25 = arith.addf %get3A_19, %get3A_24 : vector<80x128xf32>
    %mul3A = vector.broadcast %div3A : vector<80x1xf32> to vector<80x128xf32>
    %mul3A_26 = arith.mulf %add3A_25, %mul3A : vector<80x128xf32>
    %swap3A = arith.constant 0 : index
    %swap3A_27 = arith.constant 0 : index
    %swap3A_28 = vector.load %arg4[%swap3A, %swap3A_27] : memref<80x128xf32, #tpu.memory_space<vmem>>, vector<80x128xf32>
    tpu.vector_store %arg4[%swap3A, %swap3A_27], %mul3A_26 {strides = array<i32>} : memref<80x128xf32, #tpu.memory_space<vmem>>, vector<80x128xf32>,
    return
  }
  func.func @transform_0(%arg0: i32) -> (i32, i32, i32) {
    %c0_i32 = arith.constant 0 : i32
    %c0_i32_0 = arith.constant 0 : i32
    %c0_i32_1 = arith.constant 0 : i32
    return %c0_i32, %arg0, %c0_i32_0 : i32, i32, i32
  }
  func.func @transform_1(%arg0: i32) -> (i32, i32, i32) {
    %c0_i32 = arith.constant 0 : i32
    %c0_i32_0 = arith.constant 0 : i32
    %c0_i32_1 = arith.constant 0 : i32
    return %c0_i32, %arg0, %c0_i32_0 : i32, i32, i32
  }
  func.func @transform_2(%arg0: i32) -> (i32, i32) {
    %c0_i32 = arith.constant 0 : i32
    %c0_i32_0 = arith.constant 0 : i32
    return %arg0, %c0_i32 : i32, i32
  }
  func.func @transform_3(%arg0: i32) -> (i32, i32) {
    %c0_i32 = arith.constant 0 : i32
    %c0_i32_0 = arith.constant 0 : i32
    return %arg0, %c0_i32 : i32, i32
  }
}

</mosaic_0001>

<sc_bundles>
// kernel: kernel.10.cloned.1.call-start
scs
__scs_entry_jumppad:
0x0: {  	(pc) =	sbr.rel $0x88, $3  }
0x1: {  	(tag) =	ssettag $0x0;
	lr =	simm.s32 $0x1  }
0x2: {  	[smem:$0x3F9C] =	sst lr;
	_ =	strace $0xD0000000  }
0x3: {  	_ = 	snop  }
0x4: {  	_ = 	snop  }
0x5: {  	_ = 	snop  }
0x6: {  	_ = 	snop  }
0x7: {  	_ = 	snop  }
__scs_overlays_trampoline_lowered:
0x8: {  	[smem:$0x3FAB] =	sst s0  }
0x9: {  	[smem:$0x3FAC] =	sst s1  }
0xa: {  	[smem:$0x3FAD] =	sst s2  }
0xb: {  	[smem:$0x3FAE] =	sst s3  }
0xc: {  	[smem:$0x3FAF] =	sst s4  }
0xd: {  	[smem:$0x3FB0] =	sst s5  }
0xe: {  	[smem:$0x3FB1] =	sst s6  }
0xf: {  	[smem:$0x3FB2] =	sst s7  }
0x10: {  	[smem:$0x3FB3] =	sst s8  }
0x11: {  	[smem:$0x3FB4] =	sst s9;
	s0 =	simm.s32 @!p0 $0x0  }
0x12: {  	s1 =	sld [smem:$0x3F9A];
	s0 =	simm.s32 @p0 $0x1  }
0x13: {  	[smem:$0x3FB5] =	sst s0;
	s0 =	simm.s32 @!p1 $0x0  }
0x14: {  	s2 =	sld [smem:$0x3F99];
	s0 =	simm.s32 @p1 $0x1  }
0x15: {  	[smem:$0x3FB6] =	sst s0;
	s0 =	simm.s32 @!p2 $0x0  }
0x16: {  	s3 =	sld [smem:$0x3FDB];
	s0 =	simm.s32 @p2 $0x1  }
0x17: {  	s4 =	simm.s32 $0x1BF5;
	[smem:$0x3FB8] =	sst s0  }
0x18: {  	s0 =	sld [smem:$0x3F9B];
	_ =	swait.ge [sflag:s4], $0x0  }
0x19: {  	s7 =	sld [smem:$0x3F9C]  }
0x1a: {  	s8 =	sadd.s32 $0xFFFFE003, lr  }
0x1b: {  	s9 =	sadd.s32 $0xFFFFFEF7, lr;
	s5 =	simm.s32 $0xFFFFFFFF;
	p2 =	slt.u32 s8, $0xFFFFF086  }
0x1c: {  	p1 =	slt.u32 s9, $0xF7A;
	s5 =	simm.s32 @!p2 $0x0  }
0x1d: {  	s5 =	simm.s32 @p1 $0x1;
	p0 =	seq.s32 s7, s2  }
0x1e: {  	s7 =	smul.u32 @!p0 $0xF7A, s2;
	p2 =	seq.s32 @!p0 s5, $0x0  }
0x1f: {  	s9 =	smul.u32 $0xF7A, s1;
	s8 =	simm.s32 @!p0 $0x1BF5;
	p2 =	por !p2, p0  }
0x20: {  	[sflag:s8] =	ssyncset.s32 @!p0 $0xFFFFF086;
	s6 =	sadd.s32 @!p0 s3, s7;
	s7 =	simm.s32 @!p0 $0x108  }
0x21: {  	s3 =	sadd.s32 s3, s9;
	s6 =	sadd.s32 @!p0 $0x88, s6;
	s7 =	simm.s32 @p2 $0x1082  }
0x22: {  	[simem:s7], [sflag:s8] =	dma.local @!p0 [hbm:s6], $0xF7A  }
0x23: {  	s9 =	sor.u32 $0xD0000000, s2;
	s6 =	simm.s32 $0x108;
	_ =	swait.ge @!p0 [sflag:s8], $0x0  }
0x24: {  	s3 =	sadd.s32 $0x88, s3;
	s6 =	simm.s32 @!p1 $0x1082;
	[sflag:s4] =	ssyncset.s32 $0xFFFFF086  }
0x25: {  	[simem:s6], [sflag:s4] =	dma.local [hbm:s3], $0xF7A  }
0x26: {  	[smem:$0x3F9C] =	sst s1;
	(tag) =	ssettag s2;
	_ =	strace s9  }
0x27: {  	s1 =	sld [smem:$0x3FAC]  }
0x28: {  	s2 =	sld [smem:$0x3FAD]  }
0x29: {  	s4 =	sld [smem:$0x3FAF]  }
0x2a: {  	p0 =	seq.s32 s5, $0x0;
	s5 =	sld [smem:$0x3FB0]  }
0x2b: {  	s6 =	sld [smem:$0x3FB1]  }
0x2c: {  	s7 =	sld [smem:$0x3FB2]  }
0x2d: {  	s3 =	simm.s32 $0x108;
	s8 =	sld [smem:$0x3FB3]  }
0x2e: {  	s3 =	simm.s32 @!p0 $0x1082;
	s9 =	sld [smem:$0x3FB4]  }
0x2f: {  	lr =	sadd.s32 s0, s3;
	s0 =	sld [smem:$0x3FAB]  }
0x30: {  	s3 =	sld [smem:$0x3FAE]  }
0x31: {  	[smem:$0x3FB7] =	sst s10  }
0x32: {  	s10 =	sld [smem:$0x3FB5];
	_ =	sdelay $0x3  }
0x33: {  	p0 =	seq.s32 s10, $0x1;
	s10 =	sld [smem:$0x3FB7];
	_ =	sdelay $0x3  }
0x34: {  	[smem:$0x3FB7] =	sst s10  }
0x35: {  	s10 =	sld [smem:$0x3FB6];
	_ =	sdelay $0x3  }
0x36: {  	p1 =	seq.s32 s10, $0x1;
	s10 =	sld [smem:$0x3FB7];
	_ =	sdelay $0x3  }
0x37: {  	[smem:$0x3FB7] =	sst s10  }
0x38: {  	s10 =	sld [smem:$0x3FB8]  }
0x39: {  	_ = 	snop;
	(pc) =	sbr.ind lr, $3  }
0x3a: {  	_ = 	snop  }
0x3b: {  	_ = 	snop  }
0x3c: {  	p2 =	seq.s32 s10, $0x1;
	s10 =	sld [smem:$0x3FB7]  }
0x3d: {  	_ =	shalt  }
0x3e: {  	_ =	shalt  }
0x3f: {  	_ =	shalt  }
0x40: {  	_ =	shalt  }
0x41: {  	_ =	shalt  }
0x42: {  	_ =	shalt  }
0x43: {  	_ =	shalt  }
0x44: {  	_ =	shalt  }
0x45: {  	_ =	shalt  }
0x46: {  	_ =	shalt  }
0x47: {  	_ =	shalt  }
0x48: {  	_ =	shalt  }
0x49: {  	_ =	shalt  }
0x4a: {  	_ =	shalt  }
0x4b: {  	_ =	shalt  }
0x4c: {  	_ =	shalt  }
0x4d: {  	_ =	shalt  }
0x4e: {  	_ =	shalt  }
0x4f: {  	_ =	shalt  }
0x50: {  	_ =	shalt  }
0x51: {  	_ =	shalt  }
0x52: {  	_ =	shalt  }
0x53: {  	_ =	shalt  }
0x54: {  	_ =	shalt  }
0x55: {  	_ =	shalt  }
0x56: {  	_ =	shalt  }
0x57: {  	_ =	shalt  }
0x58: {  	_ =	shalt  }
0x59: {  	_ =	shalt  }
0x5a: {  	_ =	shalt  }
0x5b: {  	_ =	shalt  }
0x5c: {  	_ =	shalt  }
0x5d: {  	_ =	shalt  }
0x5e: {  	_ =	shalt  }
0x5f: {  	_ =	shalt  }
0x60: {  	_ =	shalt  }
0x61: {  	_ =	shalt  }
0x62: {  	_ =	shalt  }
0x63: {  	_ =	shalt  }
0x64: {  	_ =	shalt  }
0x65: {  	_ =	shalt  }
0x66: {  	_ =	shalt  }
0x67: {  	_ =	shalt  }
0x68: {  	_ =	shalt  }
0x69: {  	_ =	shalt  }
0x6a: {  	_ =	shalt  }
0x6b: {  	_ =	shalt  }
0x6c: {  	_ =	shalt  }
0x6d: {  	_ =	shalt  }
0x6e: {  	_ =	shalt  }
0x6f: {  	_ =	shalt  }
0x70: {  	_ =	shalt  }
0x71: {  	_ =	shalt  }
0x72: {  	_ =	shalt  }
0x73: {  	_ =	shalt  }
0x74: {  	_ =	shalt  }
0x75: {  	_ =	shalt  }
0x76: {  	_ =	shalt  }
0x77: {  	_ =	shalt  }
0x78: {  	_ =	shalt  }
0x79: {  	_ =	shalt  }
0x7a: {  	_ =	shalt  }
0x7b: {  	_ =	shalt  }
0x7c: {  	_ =	shalt  }
0x7d: {  	_ =	shalt  }
0x7e: {  	_ =	shalt  }
0x7f: {  	_ =	shalt  }
0x80: {  	_ =	shalt  }
0x81: {  	_ =	shalt  }
0x82: {  	_ =	shalt  }
0x83: {  	_ =	shalt  }
0x84: {  	_ =	shalt  }
0x85: {  	_ =	shalt  }
0x86: {  	_ =	shalt  }
0x87: {  	_ =	shalt  }
.Lfunc_end0:
.L_simem_size_0:
called_computation.1_lowered:
.L_overlay_start_0:
0x88: {  	s2 =	sld [smem:$0x3FD9]  }
0x89: {  	s3 =	sld [smem:$0x3FFE];
	_ =	sdelay $0x1  }
0x8a: {  	s1 =	srdreg.scid  }
0x8b: {  	s0 =	sand.u32 $0x1, s1  }
0x8c: {  	s16 =	sshll.u32 s0, $0xA;
	s2 =	sadd.s32 s3, s2  }
0x8d: {  	s2 =	sadd.s32 s2, s16  }
0x8e: {  	[smem:$0x3FC3] =	sst s2  }
0x8f: {  	_ = 	snop  }
0x90: {  	(tm) =	ssettm $0x1  }
0x91: {  	s17 =	sld [smem:$0x3FFB];
	_ =	sdelay $0x3  }
0x92: {  	_ =	strace s17  }
0x93: {  	s2 =	sld [smem:$0x3FFC];
	_ =	sdelay $0x3  }
0x94: {  	_ =	strace s2  }
0x95: {  	s2 =	sld [smem:$0x3FFD];
	_ =	sdelay $0x3  }
0x96: {  	_ =	strace s2  }
0x97: {  	_ =	strace $0x8FFFFFFF  }
0x98: {  	s18 =	sld [smem:$0x3FDB];
	_ =	sdelay $0x1  }
0x99: {  	s19 =	simm.s32 $_scs_section_size  }
0x9a: {  	s4 =	simm.s32 $_size__tile_overlayer_lowered;
	s5 =	simm.s32 $_tile_overlayer_lowered  }
0x9b: {  	s22 =	simm.s32 $0x1BFF;
	s21 =	sshll.u32 s5, $0x1;
	s2 =	sadd.s32 s19, s18  }
0x9c: {  	s6 =	simm.s32 $0x0;
	s20 =	sshll.u32 s4, $0x1;
	s4 =	sadd.s32 s21, s2  }
0x9d: {  	[timem:s6], [sflag:s22] =	dma.local [hbm:s4], s20  }
0x9e: {  	_ =	swait.ge [sflag:s22], s20  }
0x9f: {  	s3 =	ssub.s32 $0x0, s20;
	[sflag:s22] =	ssyncset.done $0x0  }
0xa0: {  	[sflag:s22] =	ssyncadd.s32 s3;
	_ =	sdelay $0x1  }
0xa1: {  	s23 =	simm.s32 $0x1B8B  }
0xa2: {  	_ =	swait.ge [sflag:s23], $0x1  }
0xa3: {  	[sflag:s23] =	ssyncset.done $0x0  }
0xa4: {  	s25 =	simm.s32 $0x1B8E;
	s24 =	sld [smem:$0x3FFE];
	[sflag:s23] =	ssyncadd.s32 $0xFFFFFFFF  }
0xa5: {  	s26 =	simm.s32 $execute0_lowered;
	[smem:$0x3FD2] =	sst s25  }
0xa6: {  	s4 =	sshll.u32 s26, $0x1;
	_ =	strace $0x80000049;
	[dreg:$0x1] =	wrdreg $0xFFFFFFFF  }
0xa7: {  	s28 =	simm.s32 $_size_execute0_lowered;
	s2 =	sadd.s32 s2, s4;
	[dreg:$0x0] =	wrdreg $0x0  }
0xa8: {  	s4 =	sshll.u32 s28, $0x1;
	[dreg:$0x2] =	wrdreg s2  }
0xa9: {  	[dreg:$0x3] =	wrdreg s4  }
0xaa: {  	[dreg:$0x4] =	wrdreg $0xC0  }
0xab: {  	_ =	task [dreg:s6], $0x5FFFF  }
0xac: {  	[dreg:$0x1] =	wrdreg $0xFFFFFFFF  }
0xad: {  	[dreg:$0x0] =	wrdreg $0x60  }
0xae: {  	[dreg:$0x2] =	wrdreg s24  }
0xaf: {  	[dreg:$0x3] =	wrdreg $0x0  }
0xb0: {  	[dreg:$0x4] =	wrdreg $0x9  }
0xb1: {  	_ =	task.clear_ibuf [dreg:s6], $0x5FFFF;
	_ =	strace $0x90000049  }
0xb2: {  	s29 =	simm.s32 $0x9;
	_ =	strace $0x8000004B  }
0xb3: {  	_ =	swait.ge [sflag:s29], $0x1  }
0xb4: {  	[sflag:s29] =	ssyncadd.s32 $0xFFFFFFFF  }
0xb5: {  	_ =	strace $0x9000004B  }
0xb6: {  	_ =	sfence  }
0xb7: {  	s30 =	sld [smem:$0x0];
	_ =	sdelay $0x2  }
0xb8: {  	s31 =	sshll.u32 s1, $0xD;
	s1 =	sshrl.u32 s1, $0x2  }
0xb9: {  	s3 =	sand.u32 $0x4000, s31;
	s1 =	sadd.s32 s1, s30  }
0xba: {  	s0 =	sor.u32 s3, s0;
	s1 =	sshll.u32 s1, $0x11  }
0xbb: {  	s0 =	sor.u32 s1, s0  }
0xbc: {  	s0 =	sadd.s32 $0x8F2B, s0  }
0xbd: {  	[sflag:s0] =	ssyncadd.remote.s32 $0x1  }
0xbe: {  	_ =	sfence.sel $0xFFFF  }
0xbf: {  	[dreg:$0x0] =	wrdreg $0xFFFFFFFF;
	(pc) =	sbr.abs _section_cstart, $3  }
0xc0: {  	[dreg:$0x1] =	wrdreg $0xFFFFFFFF  }
0xc1: {  	_ =	task.clear_ibuf [dreg:s6], $0x2FFFF;
	_ =	strace $0x9FFFFFFF  }
0xc2: {  	(tm) =	ssettm $0x7FFFFFFF  }
0xc3: {  	_ =	shalt  }
tec
execute0_lowered:
.L_overlay_start_1:
0x0: {  	(tag) =	ssettag $0x1  }
0x1: {  	s0 =	rddreg [dreg:$0x0]  }
0x2: {  	s2 =	rddreg [dreg:$0x1];
	s3 =	simm.s32 $0x0;
	s13 =	stileid.u32  }
0x3: {  	s1 =	srdreg.scid;
	s20 =	simm.s32 $0x14080;
	s21 =	simm.s32 $0x14180  }
0x4: {  	s22 =	simm.s32 $0x16400;
	s28 =	simm.s32 $0xA;
	s29 =	simm.s32 $0x8  }
0x5: {  	s30 =	simm.s32 $0xB;
	s31 =	simm.s32 $0xC;
	[smem:$0x7FF] =	sst s3  }
0x6: {  	s23 =	smul.u32 $0x14000, s13;
	s1 =	sand.u32 $0x1, s1;
	s15 =	sadd.s32 $0x29640, s0  }
0x7: {  	s9 =	smul.u32 $0x110, s13;
	_ =	strace $0x8000004A;
	[dreg:$0x3] =	wrdreg s15  }
0x8: {  	s4 =	sadd.s32 $0x50E00, s0;
	s11 =	smul.u32 $0x50000, s13;
	[dreg:$0x7] =	wrdreg s20  }
0x9: {  	s5 =	sadd.s32 $0x29600, s0;
	s6 =	smul.u32 $0x140000, s1;
	[dreg:$0x8] =	wrdreg s21  }
0xa: {  	s24 =	ssub.s32 $0x2, s1;
	p0 =	seq.s32 s1, $0x0;
	[dreg:$0x9] =	wrdreg s22  }
0xb: {  	s21 =	simm.s32 $0x40;
	s22 =	simm.s32 $0x14400;
	s7 =	sshrl.u32 s23, $0x3  }
0xc: {  	s10 =	sshrl.u32 s24, $0x1;
	s1 =	sadd.s32 $0x2C0, s9;
	s25 =	sshrl.u32 s11, $0x2  }
0xd: {  	s11 =	sshll.u32 s13, $0x6;
	s8 =	sadd.s32 s7, s0;
	s3 =	sadd.s32 s23, s6  }
0xe: {  	s7 =	smul.u32 $0x2C, s13;
	s12 =	ssub.s32 s24, s10;
	s6 =	simm.s32 $0x2C  }
0xf: {  	s26 =	sadd.s32 s25, s2;
	s10 =	sor.u32 $0x1C0D, s11;
	s23 =	simm.s32 $0x14280  }
0x10: {  	s24 =	simm.s32 $0x18400;
	s25 =	simm.s32 $0x14380;
	[dreg:$0xa] =	wrdreg s23  }
0x11: {  	s3 =	sshrl.u32 s3, $0x3;
	s6 =	simm.s32 @!p0 $0x110;
	[dreg:$0xb] =	wrdreg s24  }
0x12: {  	s8 =	sadd.s32 $0x78E00, s8;
	s19 =	smax.u32 s12, $0x1;
	[dreg:$0xc] =	wrdreg s25  }
0x13: {  	s23 =	simm.s32 $0x5;
	s24 =	simm.s32 $0x6;
	[dreg:$0xe] =	wrdreg s8  }
0x14: {  	s25 =	simm.s32 $0x9;
	s16 =	sshrl.u32 s6, $0x2;
	[dreg:$0x13] =	wrdreg s19  }
0x15: {  	s3 =	sadd.s32 s3, s0;
	s17 =	sadd.s32 $0xFFFFFFFC, s6;
	[dreg:$0x11] =	wrdreg s16  }
0x16: {  	s1 =	smov.u32 @p0 s7;
	s18 =	sadd.s32 $0xFFFFFFFB, s6;
	[dreg:$0x4] =	wrdreg s17  }
0x17: {  	s0 =	sadd.s32 $0x29660, s0;
	s7 =	sshll.u32 s1, $0x5;
	[dreg:$0x5] =	wrdreg s18  }
0x18: {  	s3 =	sadd.s32 $0xA1400, s3;
	s1 =	sshll.u32 s1, $0x8;
	[dreg:$0x6] =	wrdreg s0  }
0x19: {  	s16 =	sshrl.u32 s26, $0x3;
	s26 =	simm.s32 $0x1A400;
	[dreg:$0x12] =	wrdreg s3  }
0x1a: {  	s17 =	simm.s32 $0xD;
	s13 =	sadd.s32 s5, s7;
	[dreg:$0xd] =	wrdreg s26  }
0x1b: {  	s0 =	simm.s32 $0x0;
	[dreg:$0xf] =	wrdreg s13;
	s14 =	sadd.s32 $0x20, s13  }
0x1c: {  	s15 =	sadd.s32 $0x500, s1;
	s26 =	simm.s32 $0x7;
	[dreg:$0x10] =	wrdreg s14  }
.LBB2_1:
0x1d: {  	s1 =	rddreg [dreg:$0xe]  }
0x1e: {  	[spmem:s16], [sflag:s10] =	dma.local [hbm:s1], $0x2800  }
0x1f: {  	_ =	swait.ge [sflag:s17], $0x2800  }
0x20: {  	[sflag:s17] =	ssyncset.done $0x0  }
0x21: {  	[sflag:s17] =	ssyncadd.s32 $0xFFFFD800  }
0x22: {  	[bflag:$0x0] =	sbarrier.arrive $0xFFFF  }
0x23: {  	s14 =	simm.s32 $0x0;
	s8 =	simm.s32 $0x14000;
	s3 =	rddreg [dreg:$0xf]  }
0x24: {  	[tilespmem:s8], [sflag:$0x1] =	stream.linear.gather [hbm4b:s3+s14], $0x100, $0x38;
	[tilespmem:$0x1C400] =	vst v63  }
0x25: {  	s9 =	simm.s32 $0x14100;
	s19 =	simm.s32 $0x1;
	s18 =	rddreg [dreg:$0x10]  }
0x26: {  	[tilespmem:s9], [sflag:$0x2] =	stream.linear.gather [hbm4b:s18+s14], $0x100, $0x38;
	[tilespmem:$0x1C400] =	vst v63  }
0x27: {  	_ =	swait.ge [sflag:s19], $0x100  }
0x28: {  	p1 =	por $0x1, $0x1;
	[sflag:s19] =	ssyncset.done $0x0  }
0x29: {  	s1 =	simm.s32 @!p1 $0xB;
	[sflag:s19] =	ssyncadd.s32 $0xFFFFFF00  }
0x2a: {  	[tilespmem:s22], [sflag:$0x5] =	stream.indirect.gather [hbm4b:s4+s21], $0x80, s8, s21, $0xb8;
	[tilespmem:$0x1C400] =	vst v63  }
0x2b: {  	p0 =	sle.u32 s6, $0x2;
	_ =	swait.ge @!p1 [sflag:s1], $0x2000  }
0x2c: {  	p2 =	sle.u32 s6, $0x1;
	s9 =	simm.s32 @!p0 $0x0;
	[sflag:s1] =	ssyncset.done @!p1 $0x0  }
0x2d: {  	s8 =	sand.u32 @!p0 $0x1FFFFF80, s7;
	s3 =	rddreg [dreg:$0x3];
	[sflag:s1] =	ssyncadd.s32 @!p1 $0xFFFFE000  }
0x2e: {  	s1 =	sadd.s32 @!p0 s8, s3;
	s3 =	simm.s32 @!p0 $0x14200;
	s8 =	simm.s32 @!p2 $0x2  }
0x2f: {  	[tilespmem:s3], [sflag:$0x3] =	stream.linear.gather @!p0 [hbm4b:s1+s9], $0x100, $0x38;
	[tilespmem:$0x1C400] =	vst v63  }
0x30: {  	_ =	swait.ge @!p2 [sflag:s8], $0x100  }
0x31: {  	s11 =	simm.s32 @!p2 $0x14100;
	[sflag:s8] =	ssyncset.done @!p2 $0x0  }
0x32: {  	s1 =	simm.s32 @!p2 $0x16400;
	s9 =	simm.s32 @!p2 $0x40;
	[sflag:s8] =	ssyncadd.s32 @!p2 $0xFFFFFF00  }
0x33: {  	[tilespmem:s1], [sflag:$0x6] =	stream.indirect.gather @!p2 [hbm4b:s4+s9], $0x80, s11, s9, $0xb8;
	[tilespmem:$0x1C400] =	vst v63  }
0x34: {  	_ =	swait.ge [sflag:s23], $0x2000  }
0x35: {  	[sflag:s23] =	ssyncset.done $0x0  }
0x36: {  	s8 =	simm.s32 @!p1 $0xC;
	s20 =	rddreg [dreg:$0x7];
	[sflag:s23] =	ssyncadd.s32 $0xFFFFE000  }
0x37: {  	[spmem:s2] =	stream.indirect.scatter.add.f32 [tilespmem:s22], [sflag:$0x9], $0x80, s20, s21, $0xb8;
	[tilespmem:$0x1C400] =	vst v63  }
0x38: {  	p2 =	sle.u32 s6, $0x3;
	s11 =	simm.s32 @!p0 $0x3;
	_ =	swait.ge @!p1 [sflag:s8], $0x2000  }
0x39: {  	s9 =	simm.s32 @!p2 $0x14300;
	s1 =	rddreg [dreg:$0x6];
	[sflag:s8] =	ssyncset.done @!p1 $0x0  }
0x3a: {  	[sflag:s8] =	ssyncadd.s32 @!p1 $0xFFFFE000;
	s1 =	sadd.s32 @!p2 s7, s1;
	s8 =	simm.s32 @!p2 $0x0  }
0x3b: {  	[tilespmem:s9], [sflag:$0x4] =	stream.linear.gather @!p2 [hbm4b:s1+s8], $0x100, $0x38;
	[tilespmem:$0x1C400] =	vst v63  }
0x3c: {  	_ =	swait.ge @!p0 [sflag:s11], $0x100  }
0x3d: {  	[sflag:s11] =	ssyncset.done @!p0 $0x0  }
0x3e: {  	s1 =	simm.s32 @!p0 $0x40;
	s8 =	simm.s32 @!p0 $0x18400;
	[sflag:s11] =	ssyncadd.s32 @!p0 $0xFFFFFF00  }
0x3f: {  	[tilespmem:s8], [sflag:$0x7] =	stream.indirect.gather @!p0 [hbm4b:s4+s1], $0x80, s3, s1, $0xb8;
	[tilespmem:$0x1C400] =	vst v63  }
0x40: {  	_ =	swait.ge [sflag:s24], $0x2000  }
0x41: {  	s8 =	rddreg [dreg:$0x8];
	[sflag:s24] =	ssyncset.done $0x0  }
0x42: {  	s11 =	rddreg [dreg:$0x9];
	[sflag:s24] =	ssyncadd.s32 $0xFFFFE000  }
0x43: {  	[spmem:s2] =	stream.indirect.scatter.add.f32 [tilespmem:s11], [sflag:$0xA], $0x80, s8, s21, $0xb8;
	[tilespmem:$0x1C400] =	vst v63  }
0x44: {  	_ =	swait.ge [sflag:s25], $0x2000  }
0x45: {  	s12 =	rddreg [dreg:$0x4]  }
0x46: {  	p1 =	sle.u32 s12, $0x0  }
0x47: {  	[sflag:s25] =	ssyncset.done $0x0;
	s1 =	sadd.s32 @!p1 $0xFFFFFF00, s15  }
0x48: {  	s8 =	simm.s32 @!p2 $0x4;
	[sflag:s25] =	ssyncadd.s32 $0xFFFFE000;
	s1 =	sshrl.u32 @!p1 s1, $0x3  }
0x49: {  	s3 =	simm.s32 @!p1 $0x0;
	s11 =	simm.s32 @!p1 $0x14000;
	s1 =	sadd.s32 @!p1 s5, s1  }
0x4a: {  	[tilespmem:s11], [sflag:$0x1] =	stream.linear.gather @!p1 [hbm4b:s1+s3], $0x100, $0x38;
	[tilespmem:$0x1C400] =	vst v63  }
0x4b: {  	_ =	swait.ge @!p2 [sflag:s8], $0x100  }
0x4c: {  	[sflag:s8] =	ssyncset.done @!p2 $0x0  }
0x4d: {  	s1 =	simm.s32 @!p2 $0x40;
	s3 =	simm.s32 @!p2 $0x1A400;
	[sflag:s8] =	ssyncadd.s32 @!p2 $0xFFFFFF00  }
0x4e: {  	[tilespmem:s3], [sflag:$0x8] =	stream.indirect.gather @!p2 [hbm4b:s4+s1], $0x80, s9, s1, $0xb8;
	[tilespmem:$0x1C400] =	vst v63  }
0x4f: {  	_ =	swait.ge [sflag:s26], $0x2000  }
0x50: {  	s13 =	rddreg [dreg:$0xa];
	[sflag:s26] =	ssyncset.done $0x0  }
0x51: {  	s14 =	rddreg [dreg:$0xb];
	[sflag:s26] =	ssyncadd.s32 $0xFFFFE000  }
0x52: {  	[spmem:s2] =	stream.indirect.scatter.add.f32 [tilespmem:s14], [sflag:$0xB], $0x80, s13, s21, $0xb8;
	[tilespmem:$0x1C400] =	vst v63  }
0x53: {  	_ =	swait.ge [sflag:s28], $0x2000  }
0x54: {  	s20 =	rddreg [dreg:$0x11]  }
0x55: {  	s1 =	sadd.s32 $0xFFFFFFFF, s20  }
0x56: {  	p0 =	sne.s32 s1, $0x0  }
.Ltmp0:
0x57: {  	_ = 	snop;
	(pc) =	sbr.rel @!p0 .LBB2_3-.Ltmp0, $4  }
0x58: {  	s19 =	sadd.s32 $0x80, s7;
	s12 =	simm.s32 @!p1 $0x1;
	s18 =	rddreg [dreg:$0x5]  }
0x59: {  	s8 =	sadd.s32 $0x400, s15;
	[sflag:s28] =	ssyncset.done $0x0;
	p2 =	sle.u32 s18, $0x0  }
0x5a: {  	[sflag:s28] =	ssyncadd.s32 $0xFFFFE000;
	s3 =	sshrl.u32 @!p2 s15, $0x3;
	s13 =	simm.s32 @!p2 $0x0  }
0x5b: {  	s9 =	simm.s32 @!p2 $0x14100;
	s14 =	sadd.s32 @!p2 s5, s3;
	s3 =	simm.s32 $0x4  }
.LBB2_2:
0x5c: {  	[tilespmem:s9], [sflag:$0x2] =	stream.linear.gather @!p2 [hbm4b:s14+s13], $0x100, $0x38;
	[tilespmem:$0x1C400] =	vst v63  }
0x5d: {  	_ =	swait.ge @!p1 [sflag:s12], $0x100  }
0x5e: {  	s9 =	simm.s32 @!p1 $0x40;
	s13 =	simm.s32 @!p1 $0x14400;
	[sflag:s12] =	ssyncset.done @!p1 $0x0  }
0x5f: {  	p2 =	seq.s32 s3, $0x0;
	s18 =	sadd.s32 $0x2, s3;
	[sflag:s12] =	ssyncadd.s32 @!p1 $0xFFFFFF00  }
0x60: {  	[tilespmem:s13], [sflag:$0x5] =	stream.indirect.gather @!p1 [hbm4b:s4+s9], $0x80, s11, s9, $0xb8;
	[tilespmem:$0x1C400] =	vst v63  }
0x61: {  	s20 =	sadd.s32 $0x1, s3;
	s14 =	simm.s32 @!p2 $0xB;
	_ =	swait.ge [sflag:s29], $0x2000  }
0x62: {  	p3 =	sge.u32 s20, s6;
	[sflag:s29] =	ssyncset.done $0x0;
	s11 =	rddreg [dreg:$0xc]  }
0x63: {  	p1 =	sge.u32 s18, s6;
	s9 =	rddreg [dreg:$0xd];
	[sflag:s29] =	ssyncadd.s32 $0xFFFFE000  }
0x64: {  	[spmem:s2] =	stream.indirect.scatter.add.f32 [tilespmem:s9], [sflag:$0xC], $0x80, s11, s21, $0xb8;
	[tilespmem:$0x1C400] =	vst v63  }
0x65: {  	s12 =	sand.u32 @!p1 $0x1FFFFF80, s19;
	s18 =	simm.s32 @!p1 $0x0;
	_ =	swait.ge @!p2 [sflag:s14], $0x2000  }
0x66: {  	s20 =	simm.s32 @!p1 $0x14200;
	[sflag:s14] =	ssyncset.done @!p2 $0x0;
	s9 =	rddreg [dreg:$0x3]  }
0x67: {  	[sflag:s14] =	ssyncadd.s32 @!p2 $0xFFFFE000;
	s9 =	sadd.s32 @!p1 s12, s9;
	s12 =	simm.s32 @!p3 $0x2  }
0x68: {  	[tilespmem:s20], [sflag:$0x3] =	stream.linear.gather @!p1 [hbm4b:s9+s18], $0x100, $0x38;
	[tilespmem:$0x1C400] =	vst v63  }
0x69: {  	_ =	swait.ge @!p3 [sflag:s12], $0x100  }
0x6a: {  	s13 =	simm.s32 @!p3 $0x40;
	[sflag:s12] =	ssyncset.done @!p3 $0x0  }
0x6b: {  	s11 =	simm.s32 @!p3 $0x16400;
	s14 =	simm.s32 @!p3 $0x14100;
	[sflag:s12] =	ssyncadd.s32 @!p3 $0xFFFFFF00  }
0x6c: {  	[tilespmem:s11], [sflag:$0x6] =	stream.indirect.gather @!p3 [hbm4b:s4+s13], $0x80, s14, s13, $0xb8;
	[tilespmem:$0x1C400] =	vst v63  }
0x6d: {  	_ =	swait.ge [sflag:s23], $0x2000  }
0x6e: {  	s9 =	simm.s32 @!p2 $0xC;
	[sflag:s23] =	ssyncset.done $0x0  }
0x6f: {  	s14 =	sadd.s32 $0x3, s3;
	s13 =	rddreg [dreg:$0x7];
	[sflag:s23] =	ssyncadd.s32 $0xFFFFE000  }
0x70: {  	[spmem:s2] =	stream.indirect.scatter.add.f32 [tilespmem:s22], [sflag:$0x9], $0x80, s13, s21, $0xb8;
	[tilespmem:$0x1C400] =	vst v63  }
0x71: {  	s18 =	simm.s32 @!p1 $0x3;
	p3 =	sge.u32 s14, s6;
	_ =	swait.ge @!p2 [sflag:s9], $0x2000  }
0x72: {  	s12 =	simm.s32 @!p3 $0x14300;
	[sflag:s9] =	ssyncset.done @!p2 $0x0;
	s11 =	rddreg [dreg:$0x6]  }
0x73: {  	s14 =	simm.s32 @!p3 $0x0;
	[sflag:s9] =	ssyncadd.s32 @!p2 $0xFFFFE000;
	s11 =	sadd.s32 @!p3 s19, s11  }
0x74: {  	[tilespmem:s12], [sflag:$0x4] =	stream.linear.gather @!p3 [hbm4b:s11+s14], $0x100, $0x38;
	[tilespmem:$0x1C400] =	vst v63  }
0x75: {  	_ =	swait.ge @!p1 [sflag:s18], $0x100  }
0x76: {  	[sflag:s18] =	ssyncset.done @!p1 $0x0  }
0x77: {  	s13 =	simm.s32 @!p1 $0x18400;
	s9 =	simm.s32 @!p1 $0x40;
	[sflag:s18] =	ssyncadd.s32 @!p1 $0xFFFFFF00  }
0x78: {  	[tilespmem:s13], [sflag:$0x7] =	stream.indirect.gather @!p1 [hbm4b:s4+s9], $0x80, s20, s9, $0xb8;
	[tilespmem:$0x1C400] =	vst v63  }
0x79: {  	_ =	swait.ge [sflag:s24], $0x2000  }
0x7a: {  	s18 =	rddreg [dreg:$0x8];
	[sflag:s24] =	ssyncset.done $0x0  }
0x7b: {  	s20 =	rddreg [dreg:$0x9];
	[sflag:s24] =	ssyncadd.s32 $0xFFFFE000  }
0x7c: {  	[spmem:s2] =	stream.indirect.scatter.add.f32 [tilespmem:s20], [sflag:$0xA], $0x80, s18, s21, $0xb8;
	[tilespmem:$0x1C400] =	vst v63  }
0x7d: {  	_ =	swait.ge [sflag:s25], $0x2000  }
0x7e: {  	s13 =	rddreg [dreg:$0x4]  }
0x7f: {  	p1 =	sge.u32 s3, s13  }
0x80: {  	[sflag:s25] =	ssyncset.done $0x0;
	s9 =	sadd.s32 @!p1 $0xFFFFFF00, s8  }
0x81: {  	s14 =	simm.s32 @!p3 $0x4;
	[sflag:s25] =	ssyncadd.s32 $0xFFFFE000;
	s9 =	sshrl.u32 @!p1 s9, $0x3  }
0x82: {  	s13 =	simm.s32 @!p1 $0x0;
	s11 =	simm.s32 @!p1 $0x14000;
	s9 =	sadd.s32 @!p1 s5, s9  }
0x83: {  	[tilespmem:s11], [sflag:$0x1] =	stream.linear.gather @!p1 [hbm4b:s9+s13], $0x100, $0x38;
	[tilespmem:$0x1C400] =	vst v63  }
0x84: {  	_ =	swait.ge @!p3 [sflag:s14], $0x100  }
0x85: {  	[sflag:s14] =	ssyncset.done @!p3 $0x0  }
0x86: {  	s9 =	simm.s32 @!p3 $0x40;
	s13 =	simm.s32 @!p3 $0x1A400;
	[sflag:s14] =	ssyncadd.s32 @!p3 $0xFFFFFF00  }
0x87: {  	[tilespmem:s13], [sflag:$0x8] =	stream.indirect.gather @!p3 [hbm4b:s4+s9], $0x80, s12, s9, $0xb8;
	[tilespmem:$0x1C400] =	vst v63  }
0x88: {  	_ =	swait.ge [sflag:s26], $0x2000  }
0x89: {  	s1 =	sadd.s32 $0xFFFFFFFF, s1;
	[sflag:s26] =	ssyncset.done $0x0;
	s14 =	rddreg [dreg:$0xa]  }
0x8a: {  	p0 =	sne.s32 s1, $0x0;
	s18 =	rddreg [dreg:$0xb];
	[sflag:s26] =	ssyncadd.s32 $0xFFFFE000  }
0x8b: {  	[spmem:s2] =	stream.indirect.scatter.add.f32 [tilespmem:s18], [sflag:$0xB], $0x80, s14, s21, $0xb8;
	[tilespmem:$0x1C400] =	vst v63  }
.Ltmp1:
0x8c: {  	_ =	swait.ge [sflag:s28], $0x2000;
	(pc) =	sbr.rel @p0 .LBB2_2-.Ltmp1, $4  }
0x8d: {  	s19 =	sadd.s32 $0x80, s19;
	s20 =	rddreg [dreg:$0x5];
	[sflag:s28] =	ssyncset.done $0x0  }
0x8e: {  	s12 =	simm.s32 @!p1 $0x1;
	[sflag:s28] =	ssyncadd.s32 $0xFFFFE000;
	p2 =	sge.u32 s3, s20  }
0x8f: {  	s3 =	sadd.s32 $0x4, s3;
	s14 =	sshrl.u32 @!p2 s8, $0x3;
	s13 =	simm.s32 @!p2 $0x0  }
0x90: {  	s9 =	simm.s32 @!p2 $0x14100;
	s8 =	sadd.s32 $0x400, s8;
	s14 =	sadd.s32 @!p2 s5, s14  }
.LBB2_3:
0x91: {  	[tilespmem:s9], [sflag:$0x2] =	stream.linear.gather @!p2 [hbm4b:s14+s13], $0x100, $0x38;
	[tilespmem:$0x1C400] =	vst v63  }
0x92: {  	_ =	swait.ge @!p1 [sflag:s12], $0x100  }
0x93: {  	[sflag:s12] =	ssyncset.done @!p1 $0x0  }
0x94: {  	s1 =	simm.s32 @!p1 $0x40;
	s3 =	simm.s32 @!p1 $0x14400;
	[sflag:s12] =	ssyncadd.s32 @!p1 $0xFFFFFF00  }
0x95: {  	[tilespmem:s3], [sflag:$0x5] =	stream.indirect.gather @!p1 [hbm4b:s4+s1], $0x80, s11, s1, $0xb8;
	[tilespmem:$0x1C400] =	vst v63  }
0x96: {  	_ =	swait.ge [sflag:s29], $0x2000  }
0x97: {  	s14 =	rddreg [dreg:$0xc];
	[sflag:s29] =	ssyncset.done $0x0  }
0x98: {  	s18 =	rddreg [dreg:$0xd];
	[sflag:s29] =	ssyncadd.s32 $0xFFFFE000  }
0x99: {  	[spmem:s2] =	stream.indirect.scatter.add.f32 [tilespmem:s18], [sflag:$0xC], $0x80, s14, s21, $0xb8;
	[tilespmem:$0x1C400] =	vst v63  }
0x9a: {  	_ =	swait.ge [sflag:s30], $0x2000  }
0x9b: {  	[sflag:s30] =	ssyncset.done $0x0  }
0x9c: {  	[sflag:s30] =	ssyncadd.s32 $0xFFFFE000  }
0x9d: {  	_ =	swait.ge [sflag:s31], $0x2000  }
0x9e: {  	[sflag:s31] =	ssyncset.done $0x0  }
0x9f: {  	[sflag:s31] =	ssyncadd.s32 $0xFFFFE000  }
0xa0: {  	[bflag:$0x0] =	sbarrier.arrive $0xFFFF  }
0xa1: {  	s19 =	rddreg [dreg:$0x12]  }
0xa2: {  	[hbm:s19], [sflag:s10] =	dma.local [spmem:s16], $0x2800  }
0xa3: {  	_ =	swait.ge [sflag:s17], $0x2800  }
0xa4: {  	s0 =	sadd.s32 $0x1, s0;
	s20 =	rddreg [dreg:$0x13]  }
0xa5: {  	p0 =	sne.s32 s0, s20  }
.Ltmp2:
0xa6: {  	_ = 	snop;
	(pc) =	sbr.rel @p0 .LBB2_1-.Ltmp2, $3  }
0xa7: {  	_ =	sdelay $0x1  }
0xa8: {  	[sflag:s17] =	ssyncset.done $0x0  }
0xa9: {  	[sflag:s17] =	ssyncadd.s32 $0xFFFFD800  }
0xaa: {  	_ =	sfence.sel $0x180000  }
0xab: {  	[bflag:$0x0] =	sbarrier.arrive $0xFFFF  }
0xac: {  	_ =	strace $0x9000004A  }
0xad: {  	s0 =	stileid.u32;
	[bflag:$0x2] =	sbarrier.arrive $0xFFFF  }
0xae: {  	p0 =	sne.s32 s0, $0x0;
	s0 =	rddreg [dreg:$0x2]  }
0xaf: {  	s0 =	sadd.s32 @!p0 $0x100000, s0  }
0xb0: {  	[sflag:s0] =	ssyncadd.tile.s32 @!p0 $0x1;
	_ =	shalt  }
.Lfunc_end2:
_tile_overlayer_lowered:
.L_overlay_start_2:
0xb1: {  	(tag) =	ssettag $0x2  }
0xb2: {  	s0 =	rddreg [dreg:$0x0];
	s2 =	stileid.u32  }
0xb3: {  	s1 =	rddreg [dreg:$0x1];
	p0 =	sne.s32 s2, $0x0  }
0xb4: {  	s3 =	rddreg [dreg:$0x2];
	[bflag:$0x3] =	sbarrier.arrive $0xFFFF;
	s2 =	simm.s32 @!p0 $0x1C0D  }
0xb5: {  	[timem:s3], [sflag:s2] =	dma.local @!p0 [hbm:s0], s1  }
0xb6: {  	s0 =	simm.s32 @!p0 $0xD  }
0xb7: {  	_ =	swait.ge @!p0 [sflag:s0], s1  }
0xb8: {  	s1 =	ssub.s32 @!p0 $0x0, s1;
	[sflag:s0] =	ssyncset.done @!p0 $0x0  }
0xb9: {  	[sflag:s0] =	ssyncadd.s32 @!p0 s1  }
0xba: {  	[bflag:$0x3] =	sbarrier.arrive $0xFFFF  }
0xbb: {  	_ =	shalt  }

// kernel: kernel.7.cloned.1.call-start
scs
__scs_entry_jumppad:
0x0: {  	(pc) =	sbr.rel $0x88, $3  }
0x1: {  	(tag) =	ssettag $0x0;
	lr =	simm.s32 $0x1  }
0x2: {  	[smem:$0x3F9C] =	sst lr;
	_ =	strace $0xD0000000  }
0x3: {  	_ = 	snop  }
0x4: {  	_ = 	snop  }
0x5: {  	_ = 	snop  }
0x6: {  	_ = 	snop  }
0x7: {  	_ = 	snop  }
__scs_overlays_trampoline_lowered:
0x8: {  	[smem:$0x3FAB] =	sst s0  }
0x9: {  	[smem:$0x3FAC] =	sst s1  }
0xa: {  	[smem:$0x3FAD] =	sst s2  }
0xb: {  	[smem:$0x3FAE] =	sst s3  }
0xc: {  	[smem:$0x3FAF] =	sst s4  }
0xd: {  	[smem:$0x3FB0] =	sst s5  }
0xe: {  	[smem:$0x3FB1] =	sst s6  }
0xf: {  	[smem:$0x3FB2] =	sst s7  }
0x10: {  	[smem:$0x3FB3] =	sst s8  }
0x11: {  	[smem:$0x3FB4] =	sst s9;
	s0 =	simm.s32 @!p0 $0x0  }
0x12: {  	s1 =	sld [smem:$0x3F9A];
	s0 =	simm.s32 @p0 $0x1  }
0x13: {  	[smem:$0x3FB5] =	sst s0;
	s0 =	simm.s32 @!p1 $0x0  }
0x14: {  	s2 =	sld [smem:$0x3F99];
	s0 =	simm.s32 @p1 $0x1  }
0x15: {  	[smem:$0x3FB6] =	sst s0;
	s0 =	simm.s32 @!p2 $0x0  }
0x16: {  	s3 =	sld [smem:$0x3FDB];
	s0 =	simm.s32 @p2 $0x1  }
0x17: {  	s4 =	simm.s32 $0x1BF5;
	[smem:$0x3FB8] =	sst s0  }
0x18: {  	s0 =	sld [smem:$0x3F9B];
	_ =	swait.ge [sflag:s4], $0x0  }
0x19: {  	s7 =	sld [smem:$0x3F9C]  }
0x1a: {  	s8 =	sadd.s32 $0xFFFFE003, lr  }
0x1b: {  	s9 =	sadd.s32 $0xFFFFFEF7, lr;
	s5 =	simm.s32 $0xFFFFFFFF;
	p2 =	slt.u32 s8, $0xFFFFF086  }
0x1c: {  	p1 =	slt.u32 s9, $0xF7A;
	s5 =	simm.s32 @!p2 $0x0  }
0x1d: {  	s5 =	simm.s32 @p1 $0x1;
	p0 =	seq.s32 s7, s2  }
0x1e: {  	s7 =	smul.u32 @!p0 $0xF7A, s2;
	p2 =	seq.s32 @!p0 s5, $0x0  }
0x1f: {  	s9 =	smul.u32 $0xF7A, s1;
	s8 =	simm.s32 @!p0 $0x1BF5;
	p2 =	por !p2, p0  }
0x20: {  	[sflag:s8] =	ssyncset.s32 @!p0 $0xFFFFF086;
	s6 =	sadd.s32 @!p0 s3, s7;
	s7 =	simm.s32 @!p0 $0x108  }
0x21: {  	s3 =	sadd.s32 s3, s9;
	s6 =	sadd.s32 @!p0 $0x88, s6;
	s7 =	simm.s32 @p2 $0x1082  }
0x22: {  	[simem:s7], [sflag:s8] =	dma.local @!p0 [hbm:s6], $0xF7A  }
0x23: {  	s9 =	sor.u32 $0xD0000000, s2;
	s6 =	simm.s32 $0x108;
	_ =	swait.ge @!p0 [sflag:s8], $0x0  }
0x24: {  	s3 =	sadd.s32 $0x88, s3;
	s6 =	simm.s32 @!p1 $0x1082;
	[sflag:s4] =	ssyncset.s32 $0xFFFFF086  }
0x25: {  	[simem:s6], [sflag:s4] =	dma.local [hbm:s3], $0xF7A  }
0x26: {  	[smem:$0x3F9C] =	sst s1;
	(tag) =	ssettag s2;
	_ =	strace s9  }
0x27: {  	s1 =	sld [smem:$0x3FAC]  }
0x28: {  	s2 =	sld [smem:$0x3FAD]  }
0x29: {  	s4 =	sld [smem:$0x3FAF]  }
0x2a: {  	p0 =	seq.s32 s5, $0x0;
	s5 =	sld [smem:$0x3FB0]  }
0x2b: {  	s6 =	sld [smem:$0x3FB1]  }
0x2c: {  	s7 =	sld [smem:$0x3FB2]  }
0x2d: {  	s3 =	simm.s32 $0x108;
	s8 =	sld [smem:$0x3FB3]  }
0x2e: {  	s3 =	simm.s32 @!p0 $0x1082;
	s9 =	sld [smem:$0x3FB4]  }
0x2f: {  	lr =	sadd.s32 s0, s3;
	s0 =	sld [smem:$0x3FAB]  }
0x30: {  	s3 =	sld [smem:$0x3FAE]  }
0x31: {  	[smem:$0x3FB7] =	sst s10  }
0x32: {  	s10 =	sld [smem:$0x3FB5];
	_ =	sdelay $0x3  }
0x33: {  	p0 =	seq.s32 s10, $0x1;
	s10 =	sld [smem:$0x3FB7];
	_ =	sdelay $0x3  }
0x34: {  	[smem:$0x3FB7] =	sst s10  }
0x35: {  	s10 =	sld [smem:$0x3FB6];
	_ =	sdelay $0x3  }
0x36: {  	p1 =	seq.s32 s10, $0x1;
	s10 =	sld [smem:$0x3FB7];
	_ =	sdelay $0x3  }
0x37: {  	[smem:$0x3FB7] =	sst s10  }
0x38: {  	s10 =	sld [smem:$0x3FB8]  }
0x39: {  	_ = 	snop;
	(pc) =	sbr.ind lr, $3  }
0x3a: {  	_ = 	snop  }
0x3b: {  	_ = 	snop  }
0x3c: {  	p2 =	seq.s32 s10, $0x1;
	s10 =	sld [smem:$0x3FB7]  }
0x3d: {  	_ =	shalt  }
0x3e: {  	_ =	shalt  }
0x3f: {  	_ =	shalt  }
0x40: {  	_ =	shalt  }
0x41: {  	_ =	shalt  }
0x42: {  	_ =	shalt  }
0x43: {  	_ =	shalt  }
0x44: {  	_ =	shalt  }
0x45: {  	_ =	shalt  }
0x46: {  	_ =	shalt  }
0x47: {  	_ =	shalt  }
0x48: {  	_ =	shalt  }
0x49: {  	_ =	shalt  }
0x4a: {  	_ =	shalt  }
0x4b: {  	_ =	shalt  }
0x4c: {  	_ =	shalt  }
0x4d: {  	_ =	shalt  }
0x4e: {  	_ =	shalt  }
0x4f: {  	_ =	shalt  }
0x50: {  	_ =	shalt  }
0x51: {  	_ =	shalt  }
0x52: {  	_ =	shalt  }
0x53: {  	_ =	shalt  }
0x54: {  	_ =	shalt  }
0x55: {  	_ =	shalt  }
0x56: {  	_ =	shalt  }
0x57: {  	_ =	shalt  }
0x58: {  	_ =	shalt  }
0x59: {  	_ =	shalt  }
0x5a: {  	_ =	shalt  }
0x5b: {  	_ =	shalt  }
0x5c: {  	_ =	shalt  }
0x5d: {  	_ =	shalt  }
0x5e: {  	_ =	shalt  }
0x5f: {  	_ =	shalt  }
0x60: {  	_ =	shalt  }
0x61: {  	_ =	shalt  }
0x62: {  	_ =	shalt  }
0x63: {  	_ =	shalt  }
0x64: {  	_ =	shalt  }
0x65: {  	_ =	shalt  }
0x66: {  	_ =	shalt  }
0x67: {  	_ =	shalt  }
0x68: {  	_ =	shalt  }
0x69: {  	_ =	shalt  }
0x6a: {  	_ =	shalt  }
0x6b: {  	_ =	shalt  }
0x6c: {  	_ =	shalt  }
0x6d: {  	_ =	shalt  }
0x6e: {  	_ =	shalt  }
0x6f: {  	_ =	shalt  }
0x70: {  	_ =	shalt  }
0x71: {  	_ =	shalt  }
0x72: {  	_ =	shalt  }
0x73: {  	_ =	shalt  }
0x74: {  	_ =	shalt  }
0x75: {  	_ =	shalt  }
0x76: {  	_ =	shalt  }
0x77: {  	_ =	shalt  }
0x78: {  	_ =	shalt  }
0x79: {  	_ =	shalt  }
0x7a: {  	_ =	shalt  }
0x7b: {  	_ =	shalt  }
0x7c: {  	_ =	shalt  }
0x7d: {  	_ =	shalt  }
0x7e: {  	_ =	shalt  }
0x7f: {  	_ =	shalt  }
0x80: {  	_ =	shalt  }
0x81: {  	_ =	shalt  }
0x82: {  	_ =	shalt  }
0x83: {  	_ =	shalt  }
0x84: {  	_ =	shalt  }
0x85: {  	_ =	shalt  }
0x86: {  	_ =	shalt  }
0x87: {  	_ =	shalt  }
.Lfunc_end0:
.L_simem_size_0:
called_computation_lowered:
.L_overlay_start_0:
0x88: {  	s2 =	sld [smem:$0x3FD9]  }
0x89: {  	s3 =	sld [smem:$0x3FFE];
	_ =	sdelay $0x1  }
0x8a: {  	s1 =	srdreg.scid  }
0x8b: {  	s0 =	sand.u32 $0x1, s1  }
0x8c: {  	s17 =	sshll.u32 s0, $0xA;
	s2 =	sadd.s32 s3, s2  }
0x8d: {  	s2 =	sadd.s32 s2, s17  }
0x8e: {  	[smem:$0x3FC3] =	sst s2  }
0x8f: {  	_ = 	snop  }
0x90: {  	s2 =	sld [smem:$0x3FD0];
	(tm) =	ssettm $0x1  }
0x91: {  	s18 =	sld [smem:$0x3FFB];
	_ =	sdelay $0x3  }
0x92: {  	_ =	strace s18  }
0x93: {  	s3 =	sld [smem:$0x3FFC];
	_ =	sdelay $0x3  }
0x94: {  	_ =	strace s3  }
0x95: {  	s3 =	sld [smem:$0x3FFD];
	_ =	sdelay $0x3  }
0x96: {  	_ =	strace s3  }
0x97: {  	_ =	strace $0x8FFFFFFF  }
0x98: {  	s19 =	sld [smem:$0x3FDB];
	_ =	sdelay $0x1  }
0x99: {  	s4 =	simm.s32 $_scs_section_size  }
0x9a: {  	s5 =	simm.s32 $_size__tile_overlayer_lowered;
	s6 =	simm.s32 $_tile_overlayer_lowered  }
0x9b: {  	s22 =	simm.s32 $0x1BFF;
	s21 =	sshll.u32 s6, $0x1;
	s3 =	sadd.s32 s4, s19  }
0x9c: {  	s7 =	simm.s32 $0x0;
	s20 =	sshll.u32 s5, $0x1;
	s5 =	sadd.s32 s21, s3  }
0x9d: {  	[timem:s7], [sflag:s22] =	dma.local [hbm:s5], s20  }
0x9e: {  	_ =	swait.ge [sflag:s22], s20  }
0x9f: {  	s4 =	ssub.s32 $0x0, s20;
	[sflag:s22] =	ssyncset.done $0x0  }
0xa0: {  	[sflag:s22] =	ssyncadd.s32 s4;
	_ =	sdelay $0x1  }
0xa1: {  	s23 =	simm.s32 $0x1B8B  }
0xa2: {  	_ =	swait.ge [sflag:s23], $0x1  }
0xa3: {  	[sflag:s23] =	ssyncset.done $0x0  }
0xa4: {  	s25 =	simm.s32 $0x1B8E;
	s24 =	sld [smem:$0x3FFE];
	[sflag:s23] =	ssyncadd.s32 $0xFFFFFFFF  }
0xa5: {  	s26 =	simm.s32 $execute0_lowered;
	[smem:$0x3FD2] =	sst s25  }
0xa6: {  	s5 =	sshll.u32 s26, $0x1;
	_ =	strace $0x80000046;
	[dreg:$0x1] =	wrdreg $0xFFFFFFFF  }
0xa7: {  	s28 =	simm.s32 $_size_execute0_lowered;
	s3 =	sadd.s32 s3, s5;
	[dreg:$0x0] =	wrdreg $0x0  }
0xa8: {  	s5 =	sshll.u32 s28, $0x1;
	[dreg:$0x2] =	wrdreg s3  }
0xa9: {  	[dreg:$0x3] =	wrdreg s5  }
0xaa: {  	[dreg:$0x4] =	wrdreg $0xC0  }
0xab: {  	_ =	task [dreg:s7], $0x5FFFF  }
0xac: {  	[dreg:$0x1] =	wrdreg $0xFFFFFFFF  }
0xad: {  	[dreg:$0x0] =	wrdreg $0x60  }
0xae: {  	[dreg:$0x2] =	wrdreg s24  }
0xaf: {  	[dreg:$0x3] =	wrdreg s2  }
0xb0: {  	[dreg:$0x4] =	wrdreg $0x0  }
0xb1: {  	[dreg:$0x5] =	wrdreg $0x140000  }
0xb2: {  	[dreg:$0x6] =	wrdreg $0x142800  }
0xb3: {  	[dreg:$0x7] =	wrdreg $0x9  }
0xb4: {  	_ =	task.clear_ibuf [dreg:s7], $0x8FFFF;
	_ =	strace $0x90000046  }
0xb5: {  	s29 =	simm.s32 $0x9;
	_ =	strace $0x80000048  }
0xb6: {  	_ =	swait.ge [sflag:s29], $0x1  }
0xb7: {  	[sflag:s29] =	ssyncadd.s32 $0xFFFFFFFF  }
0xb8: {  	_ =	strace $0x90000048  }
0xb9: {  	_ =	sfence  }
0xba: {  	s30 =	sld [smem:$0x0];
	_ =	sdelay $0x2  }
0xbb: {  	s31 =	sshll.u32 s1, $0xD;
	s1 =	sshrl.u32 s1, $0x2  }
0xbc: {  	s3 =	sand.u32 $0x4000, s31;
	s1 =	sadd.s32 s1, s30  }
0xbd: {  	s0 =	sor.u32 s3, s0;
	s1 =	sshll.u32 s1, $0x11  }
0xbe: {  	s0 =	sor.u32 s1, s0  }
0xbf: {  	s0 =	sadd.s32 $0x8F2B, s0  }
0xc0: {  	[sflag:s0] =	ssyncadd.remote.s32 $0x1  }
0xc1: {  	_ =	sfence.sel $0xFFFF  }
0xc2: {  	[dreg:$0x0] =	wrdreg $0xFFFFFFFF;
	(pc) =	sbr.abs _section_cstart, $3  }
0xc3: {  	[dreg:$0x1] =	wrdreg $0xFFFFFFFF  }
0xc4: {  	_ =	task.clear_ibuf [dreg:s7], $0x2FFFF;
	_ =	strace $0x9FFFFFFF  }
0xc5: {  	(tm) =	ssettm $0x7FFFFFFF  }
tec
execute0_lowered:
.L_overlay_start_1:
0x0: {  	(tag) =	ssettag $0x1  }
0x1: {  	s0 =	rddreg [dreg:$0x0]  }
0x2: {  	s2 =	rddreg [dreg:$0x1]  }
0x3: {  	s1 =	rddreg [dreg:$0x2];
	s19 =	stileid.u32  }
0x4: {  	s3 =	rddreg [dreg:$0x3];
	s8 =	smul.u32 $0x14000, s19  }
0x5: {  	s4 =	rddreg [dreg:$0x4];
	s6 =	simm.s32 $0x0;
	s12 =	smul.u32 $0x280, s19  }
0x6: {  	s5 =	srdreg.scid;
	s29 =	simm.s32 $0x40;
	s11 =	smul.u32 $0x500, s19  }
0x7: {  	s30 =	simm.s32 $0x14900;
	s31 =	simm.s32 $0x5;
	s14 =	smul.u32 $0x2C, s19  }
0x8: {  	[smem:$0x7FF] =	sst s6;
	s5 =	sand.u32 $0x1, s5;
	s16 =	smul.u32 $0x110, s19  }
0x9: {  	s6 =	sadd.s32 $0x50E00, s0;
	s7 =	sadd.s32 $0x1E00, s0;
	s22 =	smul.u32 $0x50000, s19  }
0xa: {  	s23 =	sshll.u32 s19, $0x6;
	s28 =	sadd.s32 $0x1E40, s0;
	s19 =	simm.s32 $0x16900  }
0xb: {  	_ =	strace $0x80000047;
	s9 =	smul.u32 $0x140000, s5;
	s18 =	sshll.u32 s5, $0x7  }
0xc: {  	s20 =	ssub.s32 $0x2, s5;
	p0 =	seq.s32 s5, $0x0;
	[dreg:$0x6] =	wrdreg s28  }
0xd: {  	[dreg:$0xa] =	wrdreg s19;
	s28 =	simm.s32 $0x14800;
	s19 =	simm.s32 $0x14880  }
0xe: {  	s10 =	sshrl.u32 s8, $0x3;
	s17 =	sshrl.u32 s12, $0x3;
	s21 =	sshrl.u32 s20, $0x1  }
0xf: {  	s5 =	sadd.s32 $0x2C0, s16;
	s24 =	sadd.s32 s12, s3;
	s25 =	sadd.s32 s12, s4  }
0x10: {  	[dreg:$0xe] =	wrdreg s28;
	s10 =	sadd.s32 s10, s0;
	s8 =	sadd.s32 s8, s9  }
0x11: {  	s9 =	sadd.s32 s17, s0;
	s5 =	smov.u32 @p0 s14;
	[dreg:$0x12] =	wrdreg s24  }
0x12: {  	[dreg:$0x14] =	wrdreg s25;
	s25 =	simm.s32 $0x1A900;
	s8 =	sshrl.u32 s8, $0x3  }
0x13: {  	s10 =	sadd.s32 $0x78E00, s10;
	s9 =	sadd.s32 $0xA0E00, s9;
	[dreg:$0xd] =	wrdreg s25  }
0x14: {  	s26 =	sshll.u32 s5, $0x5;
	s25 =	simm.s32 $0x14500;
	[dreg:$0x10] =	wrdreg s10  }
0x15: {  	s13 =	sadd.s32 s8, s0;
	s8 =	sor.u32 s18, s11;
	[dreg:$0x13] =	wrdreg s9  }
0x16: {  	s18 =	ssub.s32 s20, s21;
	[dreg:$0x15] =	wrdreg s26;
	s10 =	sadd.s32 s7, s26  }
0x17: {  	s11 =	sshrl.u32 s22, $0x2;
	s20 =	simm.s32 $0x18900;
	[dreg:$0x16] =	wrdreg s10  }
0x18: {  	s22 =	sor.u32 $0x1C0D, s23;
	s23 =	simm.s32 $0x14700;
	[dreg:$0xb] =	wrdreg s20  }
0x19: {  	s26 =	sshll.u32 s5, $0x8;
	s5 =	simm.s32 $0x6;
	[dreg:$0xc] =	wrdreg s23  }
0x1a: {  	s9 =	simm.s32 $0x14680;
	s11 =	sadd.s32 s11, s1;
	[dreg:$0x11] =	wrdreg s22  }
0x1b: {  	s15 =	sshrl.u32 s8, $0x3;
	s10 =	sadd.s32 $0x20, s10;
	[dreg:$0xf] =	wrdreg s11  }
0x1c: {  	s8 =	simm.s32 $0x2C;
	s16 =	sadd.s32 $0xA1400, s13;
	[dreg:$0x17] =	wrdreg s10  }
0x1d: {  	s24 =	smax.u32 s18, $0x1;
	s20 =	simm.s32 $0xD;
	[dreg:$0x19] =	wrdreg s16  }
0x1e: {  	s17 =	sadd.s32 s15, s0;
	s0 =	sadd.s32 $0x1E60, s0;
	[dreg:$0x1c] =	wrdreg s24  }
0x1f: {  	s8 =	simm.s32 @!p0 $0x110;
	s2 =	sadd.s32 s2, s15;
	[dreg:$0x9] =	wrdreg s0  }
0x20: {  	s18 =	simm.s32 $0x8;
	s11 =	sadd.s32 $0xFFFFFFFC, s8;
	[dreg:$0x1a] =	wrdreg s2  }
0x21: {  	s15 =	simm.s32 $0x1;
	s12 =	sadd.s32 $0xFFFFFFFB, s8;
	[dreg:$0x7] =	wrdreg s11  }
0x22: {  	s10 =	simm.s32 $0x9;
	s14 =	sshrl.u32 s8, $0x2;
	[dreg:$0x8] =	wrdreg s12  }
0x23: {  	s24 =	simm.s32 $0x0;
	s21 =	sadd.s32 $0xF1400, s17;
	[dreg:$0x18] =	wrdreg s14  }
0x24: {  	s2 =	sadd.s32 $0x500, s26;
	s26 =	simm.s32 $0x14600;
	[dreg:$0x1b] =	wrdreg s21  }
0x25: {  	s0 =	simm.s32 $0x14580;
	s17 =	simm.s32 $0xA;
	[dreg:$0x1d] =	wrdreg s2  }
0x26: {  	v0 =	vimm.f32 $1.000000000e+00;
	s2 =	simm.s32 $0x1C900;
	s12 =	simm.s32 $0x7;
	s14 =	simm.s32 $0x14780  }
.LBB2_1:
0x27: {  	s11 =	rddreg [dreg:$0xf]  }
0x28: {  	s23 =	rddreg [dreg:$0x10];
	s13 =	sshrl.u32 s11, $0x3  }
0x29: {  	[dreg:$0x1f] =	wrdreg s13  }
0x2a: {  	[spmem:s13], [sflag:s22] =	dma.local [hbm:s23], $0x2800  }
0x2b: {  	_ =	swait.ge [sflag:s20], $0x2800  }
0x2c: {  	s13 =	rddreg [dreg:$0x12]  }
0x2d: {  	[sflag:s20] =	ssyncset.done $0x0;
	s21 =	rddreg [dreg:$0x13];
	s16 =	sshrl.u32 s13, $0x3  }
0x2e: {  	[sflag:s20] =	ssyncadd.s32 $0xFFFFD800;
	[smem:$0x7FC] =	sst s16  }
0x2f: {  	[spmem:s16], [sflag:s22] =	dma.local [hbm:s21], $0x50  }
0x30: {  	_ =	swait.ge [sflag:s20], $0x50  }
0x31: {  	s23 =	rddreg [dreg:$0x14]  }
0x32: {  	[sflag:s20] =	ssyncset.done $0x0;
	s13 =	sshrl.u32 s23, $0x3  }
0x33: {  	[sflag:s20] =	ssyncadd.s32 $0xFFFFFFB0;
	[smem:$0x7FD] =	sst s13  }
0x34: {  	[spmem:s13], [sflag:s22] =	dma.local [hbm:s21], $0x50  }
0x35: {  	_ =	swait.ge [sflag:s20], $0x50  }
0x36: {  	[sflag:s20] =	ssyncset.done $0x0  }
0x37: {  	[sflag:s20] =	ssyncadd.s32 $0xFFFFFFB0  }
0x38: {  	[tilespmem:$0x1C900] =	vst v0  }
0x39: {  	[tilespmem:$0x1C910] =	vst v0  }
0x3a: {  	[tilespmem:$0x1C920] =	vst v0  }
0x3b: {  	[tilespmem:$0x1C930] =	vst v0  }
0x3c: {  	[bflag:$0x0] =	sbarrier.arrive $0xFFFF  }
0x3d: {  	s16 =	simm.s32 $0x0;
	s20 =	rddreg [dreg:$0x16]  }
0x3e: {  	[tilespmem:s25], [sflag:$0x1] =	stream.linear.gather [hbm4b:s20+s16], $0x100, $0x38;
	[tilespmem:$0x1C980] =	vst v63  }
0x3f: {  	s21 =	rddreg [dreg:$0x17]  }
0x40: {  	[tilespmem:s26], [sflag:$0x2] =	stream.linear.gather [hbm4b:s21+s16], $0x100, $0x38;
	[tilespmem:$0x1C980] =	vst v63  }
0x41: {  	_ =	swait.ge [sflag:s15], $0x100  }
0x42: {  	s23 =	rddreg [dreg:$0x18]  }
0x43: {  	s13 =	sadd.s32 $0xFFFFFFFF, s23  }
0x44: {  	p1 =	sne.s32 s13, $0x0  }
.Ltmp0:
0x45: {  	_ = 	snop;
	(pc) =	sbr.rel @!p1 .LBB2_6-.Ltmp0, $4  }
0x46: {  	[sflag:s15] =	ssyncset.done $0x0  }
0x47: {  	[sflag:s15] =	ssyncadd.s32 $0xFFFFFF00;
	s15 =	rddreg [dreg:$0x15]  }
0x48: {  	p0 =	por $0x0, $0x0;
	s28 =	simm.s32 $0x0;
	s23 =	rddreg [dreg:$0x1d]  }
0x49: {  	[tilespmem:s30], [sflag:$0x5] =	stream.indirect.gather [hbm4b:s6+s29], $0x80, s25, s29, $0xb8;
	[tilespmem:$0x1C980] =	vst v63  }
0x4a: {  	p1 =	por $0x1, $0x1  }
0x4b: {  	[dreg:$0x1e] =	wrdreg s24;
	s15 =	simm.s32 @!p1 $0xB  }
0x4c: {  	_ =	swait.ge @!p1 [sflag:s15], $0x2000  }
0x4d: {  	[sflag:s15] =	ssyncset.done @!p1 $0x0  }
0x4e: {  	[sflag:s15] =	ssyncadd.s32 @!p1 $0xFFFFE000  }
0x4f: {  	_ =	swait.ge @!p1 [sflag:s15], $0x40  }
0x50: {  	[sflag:s15] =	ssyncset.done @!p1 $0x0  }
0x51: {  	[sflag:s15] =	ssyncadd.s32 @!p1 $0xFFFFFFC0  }
0x52: {  	p0 =	sle.u32 s8, $0x2;
	p2 =	sle.u32 s8, $0x1;
	_ =	swait.ge @!p1 [sflag:s15], $0x40  }
0x53: {  	s20 =	simm.s32 @!p0 $0x0;
	s23 =	simm.s32 @!p2 $0x2;
	s11 =	rddreg [dreg:$0x15]  }
0x54: {  	s16 =	rddreg [dreg:$0x6];
	[sflag:s15] =	ssyncset.done @!p1 $0x0;
	s28 =	sand.u32 @!p0 $0x1FFFFF80, s11  }
0x55: {  	[sflag:s15] =	ssyncadd.s32 @!p1 $0xFFFFFFC0;
	s15 =	simm.s32 @!p0 $0x14700;
	s16 =	sadd.s32 @!p0 s28, s16  }
0x56: {  	[tilespmem:s15], [sflag:$0x3] =	stream.linear.gather @!p0 [hbm4b:s16+s20], $0x100, $0x38;
	[tilespmem:$0x1C980] =	vst v63  }
0x57: {  	_ =	swait.ge @!p2 [sflag:s23], $0x100  }
0x58: {  	s28 =	simm.s32 @!p2 $0x14600;
	[sflag:s23] =	ssyncset.done @!p2 $0x0  }
0x59: {  	s16 =	simm.s32 @!p2 $0x16900;
	s20 =	simm.s32 @!p2 $0x40;
	[sflag:s23] =	ssyncadd.s32 @!p2 $0xFFFFFF00  }
0x5a: {  	[tilespmem:s16], [sflag:$0x6] =	stream.indirect.gather @!p2 [hbm4b:s6+s20], $0x80, s28, s20, $0xb8;
	[tilespmem:$0x1C980] =	vst v63  }
0x5b: {  	_ =	swait.ge [sflag:s31], $0x2000  }
0x5c: {  	[sflag:s31] =	ssyncset.done $0x0  }
0x5d: {  	[sflag:s31] =	ssyncadd.s32 $0xFFFFE000  }
0x5e: {  	[spmem:s1] =	stream.indirect.scatter.add.f32 [tilespmem:s30], [sflag:$0x9], $0x80, s0, s29, $0xb8;
	[tilespmem:$0x1C980] =	vst v63  }
0x5f: {  	_ = 	snop  }
0x60: {  	[spmem:s3] =	stream.indirect.scatter.add.f32 [tilespmem:s2], [sflag:$0x9], $0x1, s0, s29, $0xb8;
	[tilespmem:$0x1C980] =	vst v63  }
0x61: {  	s16 =	simm.s32 @!p1 $0xC  }
0x62: {  	[spmem:s4] =	stream.indirect.scatter.add.f32 [tilespmem:s2], [sflag:$0x9], $0x1, s25, s29, $0xb8;
	[tilespmem:$0x1C980] =	vst v63  }
0x63: {  	_ =	swait.ge @!p1 [sflag:s16], $0x2000  }
0x64: {  	[sflag:s16] =	ssyncset.done @!p1 $0x0  }
0x65: {  	[sflag:s16] =	ssyncadd.s32 @!p1 $0xFFFFE000  }
0x66: {  	_ =	swait.ge @!p1 [sflag:s16], $0x40  }
0x67: {  	[sflag:s16] =	ssyncset.done @!p1 $0x0  }
0x68: {  	[sflag:s16] =	ssyncadd.s32 @!p1 $0xFFFFFFC0  }
0x69: {  	_ =	swait.ge @!p1 [sflag:s16], $0x40  }
0x6a: {  	s23 =	simm.s32 @!p0 $0x3;
	[sflag:s16] =	ssyncset.done @!p1 $0x0  }
0x6b: {  	s20 =	rddreg [dreg:$0x9];
	[sflag:s16] =	ssyncadd.s32 @!p1 $0xFFFFFFC0;
	p1 =	sle.u32 s8, $0x3  }
0x6c: {  	s16 =	sadd.s32 @!p1 s11, s20;
	s20 =	simm.s32 @!p1 $0x0;
	s28 =	simm.s32 @!p1 $0x14800  }
0x6d: {  	[tilespmem:s28], [sflag:$0x4] =	stream.linear.gather @!p1 [hbm4b:s16+s20], $0x100, $0x38;
	[tilespmem:$0x1C980] =	vst v63  }
0x6e: {  	_ =	swait.ge @!p0 [sflag:s23], $0x100  }
0x6f: {  	[sflag:s23] =	ssyncset.done @!p0 $0x0  }
0x70: {  	s16 =	simm.s32 @!p0 $0x40;
	s20 =	simm.s32 @!p0 $0x18900;
	[sflag:s23] =	ssyncadd.s32 @!p0 $0xFFFFFF00  }
0x71: {  	[tilespmem:s20], [sflag:$0x7] =	stream.indirect.gather @!p0 [hbm4b:s6+s16], $0x80, s15, s16, $0xb8;
	[tilespmem:$0x1C980] =	vst v63  }
0x72: {  	_ =	swait.ge [sflag:s5], $0x2000  }
0x73: {  	[sflag:s5] =	ssyncset.done $0x0  }
0x74: {  	s20 =	rddreg [dreg:$0xa];
	[sflag:s5] =	ssyncadd.s32 $0xFFFFE000  }
0x75: {  	[spmem:s1] =	stream.indirect.scatter.add.f32 [tilespmem:s20], [sflag:$0xA], $0x80, s9, s29, $0xb8;
	[tilespmem:$0x1C980] =	vst v63  }
0x76: {  	_ = 	snop  }
0x77: {  	[spmem:s3] =	stream.indirect.scatter.add.f32 [tilespmem:s2], [sflag:$0xA], $0x1, s9, s29, $0xb8;
	[tilespmem:$0x1C980] =	vst v63  }
0x78: {  	_ = 	snop  }
0x79: {  	[spmem:s4] =	stream.indirect.scatter.add.f32 [tilespmem:s2], [sflag:$0xA], $0x1, s26, s29, $0xb8;
	[tilespmem:$0x1C980] =	vst v63  }
0x7a: {  	_ =	swait.ge [sflag:s10], $0x2000  }
0x7b: {  	[sflag:s10] =	ssyncset.done $0x0  }
0x7c: {  	[sflag:s10] =	ssyncadd.s32 $0xFFFFE000  }
0x7d: {  	_ =	swait.ge [sflag:s10], $0x40  }
0x7e: {  	[sflag:s10] =	ssyncset.done $0x0  }
0x7f: {  	[sflag:s10] =	ssyncadd.s32 $0xFFFFFFC0  }
0x80: {  	_ =	swait.ge [sflag:s10], $0x40  }
0x81: {  	s21 =	rddreg [dreg:$0x7]  }
0x82: {  	p2 =	sle.u32 s21, $0x0;
	s21 =	rddreg [dreg:$0x1d]  }
0x83: {  	[sflag:s10] =	ssyncset.done $0x0;
	s15 =	sadd.s32 @!p2 $0xFFFFFF00, s21  }
0x84: {  	s20 =	simm.s32 @!p1 $0x4;
	[sflag:s10] =	ssyncadd.s32 $0xFFFFFFC0;
	s15 =	sshrl.u32 @!p2 s15, $0x3  }
0x85: {  	s16 =	simm.s32 @!p2 $0x14500;
	s23 =	simm.s32 @!p2 $0x0;
	s15 =	sadd.s32 @!p2 s7, s15  }
0x86: {  	[tilespmem:s16], [sflag:$0x1] =	stream.linear.gather @!p2 [hbm4b:s15+s23], $0x100, $0x38;
	[tilespmem:$0x1C980] =	vst v63  }
0x87: {  	_ =	swait.ge @!p1 [sflag:s20], $0x100  }
0x88: {  	[sflag:s20] =	ssyncset.done @!p1 $0x0  }
0x89: {  	s15 =	simm.s32 @!p1 $0x40;
	[sflag:s20] =	ssyncadd.s32 @!p1 $0xFFFFFF00;
	s20 =	simm.s32 @!p1 $0x1A900  }
0x8a: {  	[tilespmem:s20], [sflag:$0x8] =	stream.indirect.gather @!p1 [hbm4b:s6+s15], $0x80, s28, s15, $0xb8;
	[tilespmem:$0x1C980] =	vst v63  }
0x8b: {  	_ =	swait.ge [sflag:s12], $0x2000  }
0x8c: {  	[sflag:s12] =	ssyncset.done $0x0  }
0x8d: {  	s22 =	rddreg [dreg:$0xb];
	[sflag:s12] =	ssyncadd.s32 $0xFFFFE000  }
0x8e: {  	[spmem:s1] =	stream.indirect.scatter.add.f32 [tilespmem:s22], [sflag:$0xB], $0x80, s14, s29, $0xb8;
	[tilespmem:$0x1C980] =	vst v63  }
0x8f: {  	_ = 	snop  }
0x90: {  	[spmem:s3] =	stream.indirect.scatter.add.f32 [tilespmem:s2], [sflag:$0xB], $0x1, s14, s29, $0xb8;
	[tilespmem:$0x1C980] =	vst v63  }
0x91: {  	s23 =	rddreg [dreg:$0xc]  }
0x92: {  	[spmem:s4] =	stream.indirect.scatter.add.f32 [tilespmem:s2], [sflag:$0xB], $0x1, s23, s29, $0xb8;
	[tilespmem:$0x1C980] =	vst v63  }
0x93: {  	_ =	swait.ge [sflag:s17], $0x2000  }
0x94: {  	[sflag:s17] =	ssyncset.done $0x0  }
0x95: {  	[sflag:s17] =	ssyncadd.s32 $0xFFFFE000  }
0x96: {  	_ =	swait.ge [sflag:s17], $0x40  }
0x97: {  	[sflag:s17] =	ssyncset.done $0x0  }
0x98: {  	[sflag:s17] =	ssyncadd.s32 $0xFFFFFFC0  }
0x99: {  	_ =	swait.ge [sflag:s17], $0x40  }
0x9a: {  	s13 =	sadd.s32 $0xFFFFFFFF, s13;
	s24 =	rddreg [dreg:$0x8]  }
0x9b: {  	p1 =	sne.s32 s13, $0x0;
	[sflag:s17] =	ssyncset.done $0x0;
	p0 =	sle.u32 s24, $0x0  }
.Ltmp1:
0x9c: {  	[sflag:s17] =	ssyncadd.s32 $0xFFFFFFC0;
	s15 =	sshrl.u32 @!p0 s21, $0x3;
	(pc) =	sbr.rel @!p1 .LBB2_3-.Ltmp1, $4  }
0x9d: {  	s23 =	simm.s32 @!p0 $0x0;
	s28 =	simm.s32 @!p0 $0x14600;
	s15 =	sadd.s32 @!p0 s7, s15  }
0x9e: {  	[tilespmem:s28], [sflag:$0x2] =	stream.linear.gather @!p0 [hbm4b:s15+s23], $0x100, $0x38;
	[tilespmem:$0x1C980] =	vst v63  }
0x9f: {  	s20 =	simm.s32 @!p2 $0x1;
	s23 =	sadd.s32 $0x400, s21;
	s15 =	sadd.s32 $0x80, s11  }
0xa0: {  	p0 =	por $0x1, $0x1;
	s28 =	simm.s32 $0x0;
	_ =	swait.ge @!p2 [sflag:s20], $0x100  }
.LBB2_4:
0xa1: {  	[sflag:s20] =	ssyncset.done @!p2 $0x0  }
0xa2: {  	s21 =	simm.s32 @!p2 $0x14900;
	[sflag:s20] =	ssyncadd.s32 @!p2 $0xFFFFFF00;
	s20 =	simm.s32 @!p2 $0x40  }
0xa3: {  	[tilespmem:s21], [sflag:$0x5] =	stream.indirect.gather @!p2 [hbm4b:s6+s20], $0x80, s16, s20, $0xb8;
	[tilespmem:$0x1C980] =	vst v63  }
0xa4: {  	_ =	swait.ge [sflag:s18], $0x2000  }
0xa5: {  	[sflag:s18] =	ssyncset.done $0x0  }
0xa6: {  	s28 =	sadd.s32 $0x4, s28;
	s21 =	rddreg [dreg:$0xd];
	[sflag:s18] =	ssyncadd.s32 $0xFFFFE000  }
0xa7: {  	[spmem:s1] =	stream.indirect.scatter.add.f32 [tilespmem:s21], [sflag:$0xC], $0x80, s19, s29, $0xb8;
	[tilespmem:$0x1C980] =	vst v63  }
0xa8: {  	p3 =	seq.s32 s28, $0x0  }
0xa9: {  	[spmem:s3] =	stream.indirect.scatter.add.f32 [tilespmem:s2], [sflag:$0xC], $0x1, s19, s29, $0xb8;
	[tilespmem:$0x1C980] =	vst v63  }
0xaa: {  	s24 =	rddreg [dreg:$0xe];
	s21 =	simm.s32 @!p3 $0xB  }
0xab: {  	[spmem:s4] =	stream.indirect.scatter.add.f32 [tilespmem:s2], [sflag:$0xC], $0x1, s24, s29, $0xb8;
	[tilespmem:$0x1C980] =	vst v63  }
0xac: {  	_ =	swait.ge @!p3 [sflag:s21], $0x2000  }
0xad: {  	[sflag:s21] =	ssyncset.done @!p3 $0x0  }
0xae: {  	[sflag:s21] =	ssyncadd.s32 @!p3 $0xFFFFE000  }
0xaf: {  	_ =	swait.ge @!p3 [sflag:s21], $0x40  }
0xb0: {  	[sflag:s21] =	ssyncset.done @!p3 $0x0  }
0xb1: {  	s22 =	sadd.s32 $0x2, s28;
	[sflag:s21] =	ssyncadd.s32 @!p3 $0xFFFFFFC0  }
0xb2: {  	s11 =	sadd.s32 $0x1, s28;
	p2 =	sge.u32 s22, s8;
	_ =	swait.ge @!p3 [sflag:s21], $0x40  }
0xb3: {  	p4 =	sge.u32 s11, s8;
	s20 =	simm.s32 @!p2 $0x0;
	[sflag:s21] =	ssyncset.done @!p3 $0x0  }
0xb4: {  	s22 =	rddreg [dreg:$0x6];
	[sflag:s21] =	ssyncadd.s32 @!p3 $0xFFFFFFC0;
	s21 =	sand.u32 @!p2 $0x1FFFFF80, s15  }
0xb5: {  	s11 =	simm.s32 @!p4 $0x2;
	s16 =	simm.s32 @!p2 $0x14700;
	s21 =	sadd.s32 @!p2 s21, s22  }
0xb6: {  	[tilespmem:s16], [sflag:$0x3] =	stream.linear.gather @!p2 [hbm4b:s21+s20], $0x100, $0x38;
	[tilespmem:$0x1C980] =	vst v63  }
0xb7: {  	_ =	swait.ge @!p4 [sflag:s11], $0x100  }
0xb8: {  	s22 =	simm.s32 @!p4 $0x14600;
	[sflag:s11] =	ssyncset.done @!p4 $0x0  }
0xb9: {  	s20 =	simm.s32 @!p4 $0x16900;
	s21 =	simm.s32 @!p4 $0x40;
	[sflag:s11] =	ssyncadd.s32 @!p4 $0xFFFFFF00  }
0xba: {  	[tilespmem:s20], [sflag:$0x6] =	stream.indirect.gather @!p4 [hbm4b:s6+s21], $0x80, s22, s21, $0xb8;
	[tilespmem:$0x1C980] =	vst v63  }
0xbb: {  	_ =	swait.ge [sflag:s31], $0x2000  }
0xbc: {  	[sflag:s31] =	ssyncset.done $0x0  }
0xbd: {  	[sflag:s31] =	ssyncadd.s32 $0xFFFFE000  }
0xbe: {  	[spmem:s1] =	stream.indirect.scatter.add.f32 [tilespmem:s30], [sflag:$0x9], $0x80, s0, s29, $0xb8;
	[tilespmem:$0x1C980] =	vst v63  }
0xbf: {  	_ = 	snop  }
0xc0: {  	[spmem:s3] =	stream.indirect.scatter.add.f32 [tilespmem:s2], [sflag:$0x9], $0x1, s0, s29, $0xb8;
	[tilespmem:$0x1C980] =	vst v63  }
0xc1: {  	s11 =	simm.s32 @!p3 $0xC  }
0xc2: {  	[spmem:s4] =	stream.indirect.scatter.add.f32 [tilespmem:s2], [sflag:$0x9], $0x1, s25, s29, $0xb8;
	[tilespmem:$0x1C980] =	vst v63  }
0xc3: {  	_ =	swait.ge @!p3 [sflag:s11], $0x2000  }
0xc4: {  	[sflag:s11] =	ssyncset.done @!p3 $0x0  }
0xc5: {  	[sflag:s11] =	ssyncadd.s32 @!p3 $0xFFFFE000  }
0xc6: {  	_ =	swait.ge @!p3 [sflag:s11], $0x40  }
0xc7: {  	[sflag:s11] =	ssyncset.done @!p3 $0x0  }
0xc8: {  	[sflag:s11] =	ssyncadd.s32 @!p3 $0xFFFFFFC0  }
0xc9: {  	_ =	swait.ge @!p3 [sflag:s11], $0x40  }
0xca: {  	s21 =	simm.s32 @!p2 $0x3;
	s22 =	sadd.s32 $0x3, s28;
	[sflag:s11] =	ssyncset.done @!p3 $0x0  }
0xcb: {  	s20 =	rddreg [dreg:$0x9];
	[sflag:s11] =	ssyncadd.s32 @!p3 $0xFFFFFFC0;
	p3 =	sge.u32 s22, s8  }
0xcc: {  	s11 =	sadd.s32 @!p3 s15, s20;
	s22 =	simm.s32 @!p3 $0x0;
	s20 =	simm.s32 @!p3 $0x14800  }
0xcd: {  	[tilespmem:s20], [sflag:$0x4] =	stream.linear.gather @!p3 [hbm4b:s11+s22], $0x100, $0x38;
	[tilespmem:$0x1C980] =	vst v63  }
0xce: {  	_ =	swait.ge @!p2 [sflag:s21], $0x100  }
0xcf: {  	[sflag:s21] =	ssyncset.done @!p2 $0x0  }
0xd0: {  	s11 =	simm.s32 @!p2 $0x40;
	[sflag:s21] =	ssyncadd.s32 @!p2 $0xFFFFFF00;
	s21 =	simm.s32 @!p2 $0x18900  }
0xd1: {  	[tilespmem:s21], [sflag:$0x7] =	stream.indirect.gather @!p2 [hbm4b:s6+s11], $0x80, s16, s11, $0xb8;
	[tilespmem:$0x1C980] =	vst v63  }
0xd2: {  	_ =	swait.ge [sflag:s5], $0x2000  }
0xd3: {  	[sflag:s5] =	ssyncset.done $0x0  }
0xd4: {  	s24 =	rddreg [dreg:$0xa];
	[sflag:s5] =	ssyncadd.s32 $0xFFFFE000  }
0xd5: {  	[spmem:s1] =	stream.indirect.scatter.add.f32 [tilespmem:s24], [sflag:$0xA], $0x80, s9, s29, $0xb8;
	[tilespmem:$0x1C980] =	vst v63  }
0xd6: {  	_ = 	snop  }
0xd7: {  	[spmem:s3] =	stream.indirect.scatter.add.f32 [tilespmem:s2], [sflag:$0xA], $0x1, s9, s29, $0xb8;
	[tilespmem:$0x1C980] =	vst v63  }
0xd8: {  	_ = 	snop  }
0xd9: {  	[spmem:s4] =	stream.indirect.scatter.add.f32 [tilespmem:s2], [sflag:$0xA], $0x1, s26, s29, $0xb8;
	[tilespmem:$0x1C980] =	vst v63  }
0xda: {  	_ =	swait.ge [sflag:s10], $0x2000  }
0xdb: {  	[sflag:s10] =	ssyncset.done $0x0  }
0xdc: {  	[sflag:s10] =	ssyncadd.s32 $0xFFFFE000  }
0xdd: {  	_ =	swait.ge [sflag:s10], $0x40  }
0xde: {  	[sflag:s10] =	ssyncset.done $0x0  }
0xdf: {  	[sflag:s10] =	ssyncadd.s32 $0xFFFFFFC0  }
0xe0: {  	_ =	swait.ge [sflag:s10], $0x40  }
0xe1: {  	s16 =	rddreg [dreg:$0x7]  }
0xe2: {  	p2 =	sge.u32 s28, s16  }
0xe3: {  	[sflag:s10] =	ssyncset.done $0x0;
	s11 =	sadd.s32 @!p2 $0xFFFFFF00, s23  }
0xe4: {  	s21 =	simm.s32 @!p3 $0x4;
	[sflag:s10] =	ssyncadd.s32 $0xFFFFFFC0;
	s11 =	sshrl.u32 @!p2 s11, $0x3  }
0xe5: {  	s16 =	simm.s32 @!p2 $0x14500;
	s22 =	simm.s32 @!p2 $0x0;
	s11 =	sadd.s32 @!p2 s7, s11  }
0xe6: {  	[tilespmem:s16], [sflag:$0x1] =	stream.linear.gather @!p2 [hbm4b:s11+s22], $0x100, $0x38;
	[tilespmem:$0x1C980] =	vst v63  }
0xe7: {  	_ =	swait.ge @!p3 [sflag:s21], $0x100  }
0xe8: {  	[sflag:s21] =	ssyncset.done @!p3 $0x0  }
0xe9: {  	s11 =	simm.s32 @!p3 $0x40;
	[sflag:s21] =	ssyncadd.s32 @!p3 $0xFFFFFF00;
	s21 =	simm.s32 @!p3 $0x1A900  }
0xea: {  	[tilespmem:s21], [sflag:$0x8] =	stream.indirect.gather @!p3 [hbm4b:s6+s11], $0x80, s20, s11, $0xb8;
	[tilespmem:$0x1C980] =	vst v63  }
0xeb: {  	_ =	swait.ge [sflag:s12], $0x2000  }
0xec: {  	[sflag:s12] =	ssyncset.done $0x0  }
0xed: {  	s21 =	rddreg [dreg:$0xb];
	[sflag:s12] =	ssyncadd.s32 $0xFFFFE000  }
0xee: {  	[spmem:s1] =	stream.indirect.scatter.add.f32 [tilespmem:s21], [sflag:$0xB], $0x80, s14, s29, $0xb8;
	[tilespmem:$0x1C980] =	vst v63  }
0xef: {  	_ = 	snop  }
0xf0: {  	[spmem:s3] =	stream.indirect.scatter.add.f32 [tilespmem:s2], [sflag:$0xB], $0x1, s14, s29, $0xb8;
	[tilespmem:$0x1C980] =	vst v63  }
0xf1: {  	s22 =	rddreg [dreg:$0xc]  }
0xf2: {  	[spmem:s4] =	stream.indirect.scatter.add.f32 [tilespmem:s2], [sflag:$0xB], $0x1, s22, s29, $0xb8;
	[tilespmem:$0x1C980] =	vst v63  }
0xf3: {  	_ =	swait.ge [sflag:s17], $0x2000  }
0xf4: {  	[sflag:s17] =	ssyncset.done $0x0  }
0xf5: {  	[sflag:s17] =	ssyncadd.s32 $0xFFFFE000  }
0xf6: {  	_ =	swait.ge [sflag:s17], $0x40  }
0xf7: {  	[sflag:s17] =	ssyncset.done $0x0  }
0xf8: {  	[sflag:s17] =	ssyncadd.s32 $0xFFFFFFC0  }
0xf9: {  	s13 =	sadd.s32 $0xFFFFFFFF, s13;
	_ =	swait.ge [sflag:s17], $0x40  }
0xfa: {  	p1 =	sne.s32 s13, $0x0;
	s24 =	rddreg [dreg:$0x8]  }
.Ltmp2:
0xfb: {  	[sflag:s17] =	ssyncset.done $0x0;
	p3 =	sge.u32 s28, s24;
	(pc) =	sbr.rel @p1 .LBB2_4-.Ltmp2, $4  }
0xfc: {  	s20 =	simm.s32 @!p2 $0x1;
	[sflag:s17] =	ssyncadd.s32 $0xFFFFFFC0;
	s11 =	sshrl.u32 @!p3 s23, $0x3  }
0xfd: {  	s21 =	simm.s32 @!p3 $0x0;
	s22 =	simm.s32 @!p3 $0x14600;
	s11 =	sadd.s32 @!p3 s7, s11  }
0xfe: {  	[tilespmem:s22], [sflag:$0x2] =	stream.linear.gather @!p3 [hbm4b:s11+s21], $0x100, $0x38;
	[tilespmem:$0x1C980] =	vst v63  }
0xff: {  	s15 =	sadd.s32 $0x80, s15;
	s23 =	sadd.s32 $0x400, s23;
	_ =	swait.ge @!p2 [sflag:s20], $0x100  }
0x100: {  	s22 =	rddreg [dreg:$0x11]  }
0x101: {  	s24 =	rddreg [dreg:$0x1e]  }
.LBB2_6:
0x102: {  	p1 =	por p2, !p0  }
0x103: {  	[sflag:s20] =	ssyncset.done @!p1 $0x0  }
0x104: {  	s11 =	simm.s32 @!p1 $0x40;
	s13 =	simm.s32 @!p1 $0x14900;
	[sflag:s20] =	ssyncadd.s32 @!p1 $0xFFFFFF00  }
0x105: {  	[tilespmem:s13], [sflag:$0x5] =	stream.indirect.gather @!p1 [hbm4b:s6+s11], $0x80, s16, s11, $0xb8;
	[tilespmem:$0x1C980] =	vst v63  }
0x106: {  	_ =	swait.ge @p0 [sflag:s18], $0x2000  }
0x107: {  	[sflag:s18] =	ssyncset.done @p0 $0x0  }
0x108: {  	s11 =	rddreg [dreg:$0xd];
	[sflag:s18] =	ssyncadd.s32 @p0 $0xFFFFE000  }
0x109: {  	[spmem:s1] =	stream.indirect.scatter.add.f32 @p0 [tilespmem:s11], [sflag:$0xC], $0x80, s19, s29, $0xb8;
	[tilespmem:$0x1C980] =	vst v63  }
0x10a: {  	s13 =	simm.s32 $0x0;
	s11 =	sadd.s32 @p0 $0x4, s28  }
0x10b: {  	s13 =	smov.u32 @p0 s11  }
0x10c: {  	p1 =	seq.s32 s13, $0x0  }
0x10d: {  	[spmem:s3] =	stream.indirect.scatter.add.f32 @p0 [tilespmem:s2], [sflag:$0xC], $0x1, s19, s29, $0xb8;
	[tilespmem:$0x1C980] =	vst v63  }
0x10e: {  	s11 =	rddreg [dreg:$0xe];
	s16 =	simm.s32 @!p1 $0xB  }
0x10f: {  	[spmem:s4] =	stream.indirect.scatter.add.f32 @p0 [tilespmem:s2], [sflag:$0xC], $0x1, s11, s29, $0xb8;
	[tilespmem:$0x1C980] =	vst v63  }
0x110: {  	_ =	swait.ge @!p1 [sflag:s16], $0x2000  }
0x111: {  	[sflag:s16] =	ssyncset.done @!p1 $0x0  }
0x112: {  	[sflag:s16] =	ssyncadd.s32 @!p1 $0xFFFFE000  }
0x113: {  	_ =	swait.ge @!p1 [sflag:s16], $0x40  }
0x114: {  	[sflag:s16] =	ssyncset.done @!p1 $0x0  }
0x115: {  	s28 =	sadd.s32 $0x1, s13;
	[sflag:s16] =	ssyncadd.s32 @!p1 $0xFFFFFFC0  }
0x116: {  	s21 =	sadd.s32 $0x2, s13;
	p2 =	sge.u32 s28, s8;
	_ =	swait.ge @!p1 [sflag:s16], $0x40  }
0x117: {  	p0 =	sge.u32 s21, s8;
	s20 =	simm.s32 @!p2 $0x2;
	[sflag:s16] =	ssyncset.done @!p1 $0x0  }
0x118: {  	s11 =	rddreg [dreg:$0x6];
	[sflag:s16] =	ssyncadd.s32 @!p1 $0xFFFFFFC0;
	s16 =	sand.u32 @!p0 $0x1FFFFF80, s15  }
0x119: {  	s21 =	simm.s32 @!p0 $0x0;
	s11 =	sadd.s32 @!p0 s16, s11;
	s16 =	simm.s32 @!p0 $0x14700  }
0x11a: {  	[tilespmem:s16], [sflag:$0x3] =	stream.linear.gather @!p0 [hbm4b:s11+s21], $0x100, $0x38;
	[tilespmem:$0x1C980] =	vst v63  }
0x11b: {  	_ =	swait.ge @!p2 [sflag:s20], $0x100  }
0x11c: {  	s11 =	simm.s32 @!p2 $0x16900;
	[sflag:s20] =	ssyncset.done @!p2 $0x0  }
0x11d: {  	s21 =	simm.s32 @!p2 $0x40;
	[sflag:s20] =	ssyncadd.s32 @!p2 $0xFFFFFF00;
	s20 =	simm.s32 @!p2 $0x14600  }
0x11e: {  	[tilespmem:s11], [sflag:$0x6] =	stream.indirect.gather @!p2 [hbm4b:s6+s21], $0x80, s20, s21, $0xb8;
	[tilespmem:$0x1C980] =	vst v63  }
0x11f: {  	_ =	swait.ge [sflag:s31], $0x2000  }
0x120: {  	[sflag:s31] =	ssyncset.done $0x0  }
0x121: {  	[sflag:s31] =	ssyncadd.s32 $0xFFFFE000  }
0x122: {  	[spmem:s1] =	stream.indirect.scatter.add.f32 [tilespmem:s30], [sflag:$0x9], $0x80, s0, s29, $0xb8;
	[tilespmem:$0x1C980] =	vst v63  }
0x123: {  	_ = 	snop  }
0x124: {  	[spmem:s3] =	stream.indirect.scatter.add.f32 [tilespmem:s2], [sflag:$0x9], $0x1, s0, s29, $0xb8;
	[tilespmem:$0x1C980] =	vst v63  }
0x125: {  	s11 =	simm.s32 @!p1 $0xC  }
0x126: {  	[spmem:s4] =	stream.indirect.scatter.add.f32 [tilespmem:s2], [sflag:$0x9], $0x1, s25, s29, $0xb8;
	[tilespmem:$0x1C980] =	vst v63  }
0x127: {  	_ =	swait.ge @!p1 [sflag:s11], $0x2000  }
0x128: {  	[sflag:s11] =	ssyncset.done @!p1 $0x0  }
0x129: {  	[sflag:s11] =	ssyncadd.s32 @!p1 $0xFFFFE000  }
0x12a: {  	_ =	swait.ge @!p1 [sflag:s11], $0x40  }
0x12b: {  	[sflag:s11] =	ssyncset.done @!p1 $0x0  }
0x12c: {  	[sflag:s11] =	ssyncadd.s32 @!p1 $0xFFFFFFC0  }
0x12d: {  	_ =	swait.ge @!p1 [sflag:s11], $0x40  }
0x12e: {  	s28 =	sadd.s32 $0x3, s13;
	[sflag:s11] =	ssyncset.done @!p1 $0x0  }
0x12f: {  	s20 =	rddreg [dreg:$0x9];
	[sflag:s11] =	ssyncadd.s32 @!p1 $0xFFFFFFC0;
	p1 =	sge.u32 s28, s8  }
0x130: {  	s11 =	sadd.s32 @!p1 s15, s20;
	s15 =	simm.s32 @!p1 $0x0;
	s20 =	simm.s32 @!p1 $0x14800  }
0x131: {  	[tilespmem:s20], [sflag:$0x4] =	stream.linear.gather @!p1 [hbm4b:s11+s15], $0x100, $0x38;
	[tilespmem:$0x1C980] =	vst v63  }
0x132: {  	s11 =	simm.s32 @!p0 $0x3  }
0x133: {  	_ =	swait.ge @!p0 [sflag:s11], $0x100  }
0x134: {  	[sflag:s11] =	ssyncset.done @!p0 $0x0  }
0x135: {  	s15 =	simm.s32 @!p0 $0x18900;
	[sflag:s11] =	ssyncadd.s32 @!p0 $0xFFFFFF00;
	s11 =	simm.s32 @!p0 $0x40  }
0x136: {  	[tilespmem:s15], [sflag:$0x7] =	stream.indirect.gather @!p0 [hbm4b:s6+s11], $0x80, s16, s11, $0xb8;
	[tilespmem:$0x1C980] =	vst v63  }
0x137: {  	_ =	swait.ge [sflag:s5], $0x2000  }
0x138: {  	[sflag:s5] =	ssyncset.done $0x0  }
0x139: {  	s28 =	rddreg [dreg:$0xa];
	[sflag:s5] =	ssyncadd.s32 $0xFFFFE000  }
0x13a: {  	[spmem:s1] =	stream.indirect.scatter.add.f32 [tilespmem:s28], [sflag:$0xA], $0x80, s9, s29, $0xb8;
	[tilespmem:$0x1C980] =	vst v63  }
0x13b: {  	_ = 	snop  }
0x13c: {  	[spmem:s3] =	stream.indirect.scatter.add.f32 [tilespmem:s2], [sflag:$0xA], $0x1, s9, s29, $0xb8;
	[tilespmem:$0x1C980] =	vst v63  }
0x13d: {  	_ = 	snop  }
0x13e: {  	[spmem:s4] =	stream.indirect.scatter.add.f32 [tilespmem:s2], [sflag:$0xA], $0x1, s26, s29, $0xb8;
	[tilespmem:$0x1C980] =	vst v63  }
0x13f: {  	_ =	swait.ge [sflag:s10], $0x2000  }
0x140: {  	[sflag:s10] =	ssyncset.done $0x0  }
0x141: {  	[sflag:s10] =	ssyncadd.s32 $0xFFFFE000  }
0x142: {  	_ =	swait.ge [sflag:s10], $0x40  }
0x143: {  	[sflag:s10] =	ssyncset.done $0x0  }
0x144: {  	[sflag:s10] =	ssyncadd.s32 $0xFFFFFFC0  }
0x145: {  	_ =	swait.ge [sflag:s10], $0x40  }
0x146: {  	s15 =	rddreg [dreg:$0x7]  }
0x147: {  	p0 =	sge.u32 s13, s15  }
0x148: {  	[sflag:s10] =	ssyncset.done $0x0;
	s11 =	sadd.s32 @!p0 $0xFFFFFF00, s23  }
0x149: {  	[sflag:s10] =	ssyncadd.s32 $0xFFFFFFC0;
	s11 =	sshrl.u32 @!p0 s11, $0x3  }
0x14a: {  	s15 =	simm.s32 @!p0 $0x14500;
	s16 =	simm.s32 @!p0 $0x0;
	s11 =	sadd.s32 @!p0 s7, s11  }
0x14b: {  	[tilespmem:s15], [sflag:$0x1] =	stream.linear.gather @!p0 [hbm4b:s11+s16], $0x100, $0x38;
	[tilespmem:$0x1C980] =	vst v63  }
0x14c: {  	s11 =	simm.s32 @!p1 $0x4  }
0x14d: {  	_ =	swait.ge @!p1 [sflag:s11], $0x100  }
0x14e: {  	[sflag:s11] =	ssyncset.done @!p1 $0x0  }
0x14f: {  	s16 =	simm.s32 @!p1 $0x1A900;
	[sflag:s11] =	ssyncadd.s32 @!p1 $0xFFFFFF00;
	s11 =	simm.s32 @!p1 $0x40  }
0x150: {  	[tilespmem:s16], [sflag:$0x8] =	stream.indirect.gather @!p1 [hbm4b:s6+s11], $0x80, s20, s11, $0xb8;
	[tilespmem:$0x1C980] =	vst v63  }
0x151: {  	_ =	swait.ge [sflag:s12], $0x2000  }
0x152: {  	[sflag:s12] =	ssyncset.done $0x0  }
0x153: {  	s16 =	rddreg [dreg:$0xb];
	[sflag:s12] =	ssyncadd.s32 $0xFFFFE000  }
0x154: {  	[spmem:s1] =	stream.indirect.scatter.add.f32 [tilespmem:s16], [sflag:$0xB], $0x80, s14, s29, $0xb8;
	[tilespmem:$0x1C980] =	vst v63  }
0x155: {  	_ = 	snop  }
0x156: {  	[spmem:s3] =	stream.indirect.scatter.add.f32 [tilespmem:s2], [sflag:$0xB], $0x1, s14, s29, $0xb8;
	[tilespmem:$0x1C980] =	vst v63  }
0x157: {  	s20 =	rddreg [dreg:$0xc]  }
0x158: {  	[spmem:s4] =	stream.indirect.scatter.add.f32 [tilespmem:s2], [sflag:$0xB], $0x1, s20, s29, $0xb8;
	[tilespmem:$0x1C980] =	vst v63  }
0x159: {  	_ =	swait.ge [sflag:s17], $0x2000  }
0x15a: {  	[sflag:s17] =	ssyncset.done $0x0  }
0x15b: {  	[sflag:s17] =	ssyncadd.s32 $0xFFFFE000  }
0x15c: {  	_ =	swait.ge [sflag:s17], $0x40  }
0x15d: {  	[sflag:s17] =	ssyncset.done $0x0  }
0x15e: {  	[sflag:s17] =	ssyncadd.s32 $0xFFFFFFC0  }
0x15f: {  	_ =	swait.ge [sflag:s17], $0x40  }
0x160: {  	s21 =	rddreg [dreg:$0x8]  }
0x161: {  	[sflag:s17] =	ssyncset.done $0x0;
	p1 =	sge.u32 s13, s21  }
0x162: {  	[sflag:s17] =	ssyncadd.s32 $0xFFFFFFC0;
	s11 =	sshrl.u32 @!p1 s23, $0x3  }
0x163: {  	s13 =	simm.s32 @!p1 $0x0;
	s16 =	simm.s32 @!p1 $0x14600;
	s11 =	sadd.s32 @!p1 s7, s11  }
0x164: {  	[tilespmem:s16], [sflag:$0x2] =	stream.linear.gather @!p1 [hbm4b:s11+s13], $0x100, $0x38;
	[tilespmem:$0x1C980] =	vst v63  }
0x165: {  	s11 =	simm.s32 @!p0 $0x1  }
0x166: {  	_ =	swait.ge @!p0 [sflag:s11], $0x100  }
0x167: {  	[sflag:s11] =	ssyncset.done @!p0 $0x0  }
0x168: {  	s13 =	simm.s32 @!p0 $0x14900;
	[sflag:s11] =	ssyncadd.s32 @!p0 $0xFFFFFF00;
	s11 =	simm.s32 @!p0 $0x40  }
0x169: {  	[tilespmem:s13], [sflag:$0x5] =	stream.indirect.gather @!p0 [hbm4b:s6+s11], $0x80, s15, s11, $0xb8;
	[tilespmem:$0x1C980] =	vst v63  }
0x16a: {  	_ =	swait.ge [sflag:s18], $0x2000  }
0x16b: {  	[sflag:s18] =	ssyncset.done $0x0  }
0x16c: {  	s28 =	rddreg [dreg:$0xd];
	[sflag:s18] =	ssyncadd.s32 $0xFFFFE000  }
0x16d: {  	[spmem:s1] =	stream.indirect.scatter.add.f32 [tilespmem:s28], [sflag:$0xC], $0x80, s19, s29, $0xb8;
	[tilespmem:$0x1C980] =	vst v63  }
0x16e: {  	_ = 	snop  }
0x16f: {  	[spmem:s3] =	stream.indirect.scatter.add.f32 [tilespmem:s2], [sflag:$0xC], $0x1, s19, s29, $0xb8;
	[tilespmem:$0x1C980] =	vst v63  }
0x170: {  	s15 =	simm.s32 $0xB;
	s13 =	rddreg [dreg:$0xe]  }
0x171: {  	[spmem:s4] =	stream.indirect.scatter.add.f32 [tilespmem:s2], [sflag:$0xC], $0x1, s13, s29, $0xb8;
	[tilespmem:$0x1C980] =	vst v63  }
0x172: {  	_ =	swait.ge [sflag:s15], $0x2000  }
0x173: {  	[sflag:s15] =	ssyncset.done $0x0  }
0x174: {  	[sflag:s15] =	ssyncadd.s32 $0xFFFFE000  }
0x175: {  	_ =	swait.ge [sflag:s15], $0x40  }
0x176: {  	[sflag:s15] =	ssyncset.done $0x0  }
0x177: {  	[sflag:s15] =	ssyncadd.s32 $0xFFFFFFC0  }
0x178: {  	_ =	swait.ge [sflag:s15], $0x40  }
0x179: {  	[sflag:s15] =	ssyncset.done $0x0  }
0x17a: {  	s16 =	simm.s32 $0xC;
	[sflag:s15] =	ssyncadd.s32 $0xFFFFFFC0  }
0x17b: {  	_ =	swait.ge [sflag:s16], $0x2000  }
0x17c: {  	[sflag:s16] =	ssyncset.done $0x0  }
0x17d: {  	[sflag:s16] =	ssyncadd.s32 $0xFFFFE000  }
0x17e: {  	_ =	swait.ge [sflag:s16], $0x40  }
0x17f: {  	[sflag:s16] =	ssyncset.done $0x0  }
0x180: {  	[sflag:s16] =	ssyncadd.s32 $0xFFFFFFC0  }
0x181: {  	_ =	swait.ge [sflag:s16], $0x40  }
0x182: {  	[sflag:s16] =	ssyncset.done $0x0  }
0x183: {  	[sflag:s16] =	ssyncadd.s32 $0xFFFFFFC0  }
0x184: {  	[bflag:$0x0] =	sbarrier.arrive $0xFFFF  }
0x185: {  	s20 =	rddreg [dreg:$0x19]  }
0x186: {  	s21 =	rddreg [dreg:$0x1f]  }
0x187: {  	[hbm:s20], [sflag:s22] =	dma.local [spmem:s21], $0x2800  }
0x188: {  	s20 =	simm.s32 $0xD  }
0x189: {  	_ =	swait.ge [sflag:s20], $0x2800  }
0x18a: {  	s28 =	sld [smem:$0x7FC]  }
0x18b: {  	s13 =	simm.s32 $0x20;
	s15 =	simm.s32 $0x1;
	[sflag:s20] =	ssyncset.done $0x0  }
0x18c: {  	s16 =	simm.s32 $0x10;
	s23 =	rddreg [dreg:$0x1a];
	[sflag:s20] =	ssyncadd.s32 $0xFFFFD800  }
0x18d: {  	[hbm:s23@s13], [sflag:s22] =	dma.strided [spmem:s28@s16], $0x50, s15, $0x10   }
0x18e: {  	_ =	swait.ge [sflag:s20], $0x50  }
0x18f: {  	s23 =	sld [smem:$0x7FD]  }
0x190: {  	[sflag:s20] =	ssyncset.done $0x0  }
0x191: {  	s21 =	rddreg [dreg:$0x1b];
	[sflag:s20] =	ssyncadd.s32 $0xFFFFFFB0  }
0x192: {  	[hbm:s21@s13], [sflag:s22] =	dma.strided [spmem:s23@s16], $0x50, s15, $0x10   }
0x193: {  	_ =	swait.ge [sflag:s20], $0x50  }
0x194: {  	s24 =	sadd.s32 $0x1, s24;
	s28 =	rddreg [dreg:$0x1c]  }
0x195: {  	p0 =	sne.s32 s24, s28  }
.Ltmp3:
0x196: {  	_ = 	snop;
	(pc) =	sbr.rel @p0 .LBB2_1-.Ltmp3, $4  }
.Ltmp4:
0x197: {  	_ = 	snop;
	(pc) =	sbr.rel @!p0 .LBB2_7-.Ltmp4, $4  }
0x198: {  	_ = 	snop  }
0x199: {  	[sflag:s20] =	ssyncset.done $0x0  }
0x19a: {  	[sflag:s20] =	ssyncadd.s32 $0xFFFFFFB0  }
0x19b: {  	_ = 	snop  }
.LBB2_3:
.Ltmp5:
0x19c: {  	(pc) =	sbr.rel .LBB2_6-.Ltmp5, $3  }
0x19d: {  	_ =	sdelay $0x1  }
0x19e: {  	s22 =	rddreg [dreg:$0x11]  }
0x19f: {  	s28 =	simm.s32 $0x0;
	s24 =	rddreg [dreg:$0x1e]  }
.LBB2_7:
0x1a0: {  	_ =	sfence.sel $0x180000  }
0x1a1: {  	[bflag:$0x0] =	sbarrier.arrive $0xFFFF  }
0x1a2: {  	_ =	strace $0x90000047  }
0x1a3: {  	s0 =	stileid.u32;
	[bflag:$0x2] =	sbarrier.arrive $0xFFFF  }
0x1a4: {  	p0 =	sne.s32 s0, $0x0;
	s0 =	rddreg [dreg:$0x5]  }
0x1a5: {  	s0 =	sadd.s32 @!p0 $0x100000, s0  }
0x1a6: {  	[sflag:s0] =	ssyncadd.tile.s32 @!p0 $0x1;
	_ =	shalt  }
.Lfunc_end2:
_tile_overlayer_lowered:
.L_overlay_start_2:
0x1a7: {  	(tag) =	ssettag $0x2  }
0x1a8: {  	s0 =	rddreg [dreg:$0x0];
	s2 =	stileid.u32  }
0x1a9: {  	s1 =	rddreg [dreg:$0x1];
	p0 =	sne.s32 s2, $0x0  }
0x1aa: {  	s3 =	rddreg [dreg:$0x2];
	[bflag:$0x3] =	sbarrier.arrive $0xFFFF;
	s2 =	simm.s32 @!p0 $0x1C0D  }
0x1ab: {  	[timem:s3], [sflag:s2] =	dma.local @!p0 [hbm:s0], s1  }
0x1ac: {  	s0 =	simm.s32 @!p0 $0xD  }
0x1ad: {  	_ =	swait.ge @!p0 [sflag:s0], s1  }
0x1ae: {  	s1 =	ssub.s32 @!p0 $0x0, s1;
	[sflag:s0] =	ssyncset.done @!p0 $0x0  }
0x1af: {  	[sflag:s0] =	ssyncadd.s32 @!p0 s1  }
0x1b0: {  	[bflag:$0x3] =	sbarrier.arrive $0xFFFF  }
0x1b1: {  	_ =	shalt  }

</sc_bundles>
